<compile_context>
chip_gen: v7x
topology: tpu7x:2x2x1
jax: 0.10.2.dev20260603
libtpu: 0.0.44.dev20260713+nightly
codegen_flags: <defaults>
</compile_context>

<pallas_src>
import jax
import jax.numpy as jnp
from jax import lax
from jax.experimental import pallas as pl
from jax.experimental.pallas import tpu as pltpu
from jax.experimental.pallas import tpu_sc as plsc

_B = 16384
_L = 200
_EMB = 64
_VOCAB = 1000000
_NC, _NS = 2, 16
_NW = _NC * _NS
_ROWS_PER_W = _B // _NW
_CA, _CB = 96, 104
_G = 256
_GROUPS = _ROWS_PER_W // _G
_INV_L = 1.0 / _L


def _pool_body(idx_hbm, table_hbm, out_hbm, idx_a, idx_b,
               buf0, buf1, buf2, buf3, buf4, buf5, buf6, buf7, out_v,
               sem0, sem1, sem2, sem3, sem4, sem5, sem6, sem7):
    wid = lax.axis_index("s") * _NC + lax.axis_index("c")
    row0 = wid * _ROWS_PER_W

    def accum(buf, n):
        def body(j, accs):
            a0, a1, a2, a3 = accs
            a0 = a0 + buf[j, 0:16]
            a1 = a1 + buf[j, 16:32]
            a2 = a2 + buf[j, 32:48]
            a3 = a3 + buf[j, 48:64]
            return (a0, a1, a2, a3)
        z = jnp.zeros((16,), jnp.float32)
        return lax.fori_loop(0, n, body, (z, z, z, z), unroll=8)

    def group(g, _):
        r0 = row0 + g * _G
        pltpu.sync_copy(idx_hbm.at[pl.ds(r0, _G), pl.ds(0, _CA)], idx_a)
        pltpu.sync_copy(idx_hbm.at[pl.ds(r0, _G), pl.ds(_CA, _CB)], idx_b)
        abufs = (buf0, buf2, buf4, buf6)
        bbufs = (buf1, buf3, buf5, buf7)
        asems = (sem0, sem2, sem4, sem6)
        bsems = (sem1, sem3, sem5, sem7)
        for q in range(4):
            pltpu.async_copy(table_hbm.at[idx_a.at[q]], abufs[q], asems[q])
            pltpu.async_copy(table_hbm.at[idx_b.at[q]], bbufs[q], bsems[q])

        def quad(p, _):
            for q in range(4):
                r = 4 * p + q
                ba, sa = abufs[q], asems[q]
                bb, sb = bbufs[q], bsems[q]
                pltpu.make_async_copy(table_hbm.at[idx_a.at[0]], ba, sa).wait()
                a0, a1, a2, a3 = accum(ba, _CA)

                @pl.when(r + 4 < _G)
                def _(r=r, ba=ba, sa=sa):
                    pltpu.async_copy(table_hbm.at[idx_a.at[r + 4]], ba, sa)

                pltpu.make_async_copy(table_hbm.at[idx_b.at[0]], bb, sb).wait()
                b0, b1, b2, b3 = accum(bb, _CB)
                out_v[r, 0:16] = a0 + b0
                out_v[r, 16:32] = a1 + b1
                out_v[r, 32:48] = a2 + b2
                out_v[r, 48:64] = a3 + b3

                @pl.when(r + 4 < _G)
                def _(r=r, bb=bb, sb=sb):
                    pltpu.async_copy(table_hbm.at[idx_b.at[r + 4]], bb, sb)

            return 0

        lax.fori_loop(0, _G // 4, quad, 0)
        pltpu.sync_copy(out_v, out_hbm.at[pl.ds(r0, _G), :])
        return 0

    lax.fori_loop(0, _GROUPS, group, 0)


@jax.jit
def _pool(idx, table_hbm):
    mesh = plsc.VectorSubcoreMesh(core_axis_name="c", subcore_axis_name="s")
    return pl.kernel(
        _pool_body,
        out_type=jax.ShapeDtypeStruct((_B, _EMB), jnp.float32),
        mesh=mesh,
        compiler_params=pltpu.CompilerParams(use_tc_tiling_on_sc=False),
        scratch_types=[
            pltpu.VMEM((_G, _CA), jnp.int32),
            pltpu.VMEM((_G, _CB), jnp.int32),
            pltpu.VMEM((_CA, _EMB), jnp.float32),
            pltpu.VMEM((_CB, _EMB), jnp.float32),
            pltpu.VMEM((_CA, _EMB), jnp.float32),
            pltpu.VMEM((_CB, _EMB), jnp.float32),
            pltpu.VMEM((_CA, _EMB), jnp.float32),
            pltpu.VMEM((_CB, _EMB), jnp.float32),
            pltpu.VMEM((_CA, _EMB), jnp.float32),
            pltpu.VMEM((_CB, _EMB), jnp.float32),
            pltpu.VMEM((_G, _EMB), jnp.float32),
            pltpu.SemaphoreType.DMA,
            pltpu.SemaphoreType.DMA,
            pltpu.SemaphoreType.DMA,
            pltpu.SemaphoreType.DMA,
            pltpu.SemaphoreType.DMA,
            pltpu.SemaphoreType.DMA,
            pltpu.SemaphoreType.DMA,
            pltpu.SemaphoreType.DMA,
        ],
    )(idx, table_hbm)


_BLK = 256


def _mlp_body(pool_ref, sem_ref, wph_ref, bph_ref, wse_ref, bse_ref,
              wc1_ref, wc2_ref, bc_ref, wo_ref, bo_ref, out_ref):
    pool = pool_ref[...] * _INV_L
    dn = (((1,), (1,)), ((), ()))
    ph = lax.dot_general(pool, wph_ref[...], dn,
                         preferred_element_type=jnp.float32) + bph_ref[...]
    se = lax.dot_general(sem_ref[...], wse_ref[...], dn,
                         preferred_element_type=jnp.float32) + bse_ref[...]
    x = (lax.dot_general(ph, wc1_ref[...], dn,
                         preferred_element_type=jnp.float32)
         + lax.dot_general(se, wc2_ref[...], dn,
                           preferred_element_type=jnp.float32)
         + bc_ref[...])
    x = jnp.maximum(x, 0.0)
    o = jnp.sum(x * wo_ref[...], axis=1, keepdims=True) + bo_ref[...]
    out_ref[...] = jax.nn.sigmoid(o)


@jax.jit
def _mlp(pooled, semantic, W_ph, b_ph, W_se, b_se, wc1, wc2, b_c, W_o, b_o):
    n_blk = _B // _BLK
    full = lambda shape: pl.BlockSpec(shape, lambda i: (0, 0))
    return pl.pallas_call(
        _mlp_body,
        grid=(n_blk,),
        in_specs=[
            pl.BlockSpec((_BLK, _EMB), lambda i: (i, 0)),
            pl.BlockSpec((_BLK, 256), lambda i: (i, 0)),
            full((128, _EMB)),
            full((1, 128)),
            full((128, 256)),
            full((1, 128)),
            full((64, 128)),
            full((64, 128)),
            full((1, 64)),
            full((1, 64)),
            full((1, 1)),
        ],
        out_specs=pl.BlockSpec((_BLK, 1), lambda i: (i, 0)),
        out_shape=jax.ShapeDtypeStruct((_B, 1), jnp.float32),
    )(pooled, semantic, W_ph, b_ph, W_se, b_se, wc1, wc2, b_c, W_o, b_o)


def kernel(phonetic_token, semantic_embed, emb_table,
           W_ph, b_ph, W_se, b_se, W_c, b_c, W_o, b_o):
    pooled = _pool(phonetic_token.astype(jnp.int32), emb_table)
    return _mlp(pooled, semantic_embed,
                W_ph, b_ph.reshape(1, -1),
                W_se, b_se.reshape(1, -1),
                W_c[:, :128], W_c[:, 128:], b_c.reshape(1, -1),
                W_o, b_o.reshape(1, -1))

# --- scband reference (transcript-rebuilt; emitter-appended) ---
"""Pipeline reference for scband-dga-detection-model-1726576853260 (READ-ONLY COPY).

The authoritative reference and input builder live on the scoring server;
editing this copy changes nothing except your own understanding.
"""

import jax, jax.numpy as jnp
import numpy as np

VOCAB = 1000000
EMB = 64
B = 16384
L = 200

def setup_inputs(seed: int = 0) -> dict:
    key = jax.random.key(seed)
    ks = jax.random.split(key, 12)
    phonetic_token = jax.random.randint(ks[0], (B, L), 0, VOCAB, dtype=jnp.int64 if jax.config.read('jax_enable_x64') else jnp.int32)
    semantic_embed = jax.random.normal(ks[1], (B, 256), dtype=jnp.float32)
    emb_table = jax.random.normal(ks[2], (VOCAB, EMB), dtype=jnp.float32) * 0.02
    W_ph = jax.random.normal(ks[3], (128, EMB), dtype=jnp.float32) * (1.0 / np.sqrt(EMB))
    b_ph = jnp.zeros((128,), dtype=jnp.float32)
    W_se = jax.random.normal(ks[4], (128, 256), dtype=jnp.float32) * (1.0 / np.sqrt(256))
    b_se = jnp.zeros((128,), dtype=jnp.float32)
    W_c = jax.random.normal(ks[5], (64, 256), dtype=jnp.float32) * (1.0 / np.sqrt(256))
    b_c = jnp.zeros((64,), dtype=jnp.float32)
    W_o = jax.random.normal(ks[6], (1, 64), dtype=jnp.float32) * (1.0 / np.sqrt(64))
    b_o = jnp.zeros((1,), dtype=jnp.float32)
    return {
        'phonetic_token': phonetic_token,
        'semantic_embed': semantic_embed,
        'emb_table': emb_table,
        'W_ph': W_ph, 'b_ph': b_ph,
        'W_se': W_se, 'b_se': b_se,
        'W_c': W_c, 'b_c': b_c,
        'W_o': W_o, 'b_o': b_o,
    }

def reference(phonetic_token, semantic_embed, emb_table, W_ph, b_ph, W_se, b_se, W_c, b_c, W_o, b_o):
    # nn.Embedding lookup (gather) -> mean over sequence dim
    phonetic_embed_raw = jnp.take(emb_table, phonetic_token, axis=0)  # [B, L, EMB]
    phonetic_embed = phonetic_embed_raw.mean(axis=1)                  # [B, EMB]
    phonetic_embed = phonetic_embed @ W_ph.T + b_ph                   # [B, 128]
    semantic = semantic_embed @ W_se.T + b_se                         # [B, 128]
    concatenated = jnp.concatenate([phonetic_embed, semantic], axis=1)  # [B, 256]
    x = jax.nn.relu(concatenated @ W_c.T + b_c)                       # [B, 64]
    x = x @ W_o.T + b_o                                               # [B, 1]
    return jax.nn.sigmoid(x)

if __name__ == "__main__":
    import jax
    _d = setup_inputs()
    print(jax.jit(kernel)(*tuple(_d.values())))

</pallas_src>

<mosaic_0001>
#map = affine_map<(d0, d1) -> (0, 0)>
module attributes {stable_mosaic.version = 14 : i64} {
  func.func @_pool_body(%arg0: i32, %arg1: i32, %arg2: memref<16384x200xi32, #tpu.memory_space<hbm>>, %arg3: memref<1000000x64xf32, #tpu.memory_space<hbm>>, %arg4: memref<16384x64xf32, #tpu.memory_space<hbm>>, %arg5: memref<256x96xi32, #tpu.memory_space<vmem>>, %arg6: memref<256x104xi32, #tpu.memory_space<vmem>>, %arg7: memref<96x64xf32, #tpu.memory_space<vmem>>, %arg8: memref<104x64xf32, #tpu.memory_space<vmem>>, %arg9: memref<96x64xf32, #tpu.memory_space<vmem>>, %arg10: memref<104x64xf32, #tpu.memory_space<vmem>>, %arg11: memref<96x64xf32, #tpu.memory_space<vmem>>, %arg12: memref<104x64xf32, #tpu.memory_space<vmem>>, %arg13: memref<96x64xf32, #tpu.memory_space<vmem>>, %arg14: memref<104x64xf32, #tpu.memory_space<vmem>>, %arg15: memref<256x64xf32, #tpu.memory_space<vmem>>, %arg16: memref<!tpu.dma_semaphore, #tpu.memory_space<semaphore_mem>>, %arg17: memref<!tpu.dma_semaphore, #tpu.memory_space<semaphore_mem>>, %arg18: memref<!tpu.dma_semaphore, #tpu.memory_space<semaphore_mem>>, %arg19: memref<!tpu.dma_semaphore, #tpu.memory_space<semaphore_mem>>, %arg20: memref<!tpu.dma_semaphore, #tpu.memory_space<semaphore_mem>>, %arg21: memref<!tpu.dma_semaphore, #tpu.memory_space<semaphore_mem>>, %arg22: memref<!tpu.dma_semaphore, #tpu.memory_space<semaphore_mem>>, %arg23: memref<!tpu.dma_semaphore, #tpu.memory_space<semaphore_mem>>) attributes {dimension_semantics = [#tpu.dimension_semantics<core_parallel>, #tpu.dimension_semantics<subcore_parallel>], iteration_bounds = array<i64: 2, 16>, scalar_prefetch = 0 : i64, scratch_operands = 19 : i64, tpu.core_type = #tpu.core_type<sc_vector_subcore>, window_params = [{transform_indices = #map}, {transform_indices = #map}, {transform_indices = #map}]} {
    %mul3A = arith.constant 2 : i32
    %mul3A_0 = arith.muli %arg1, %mul3A : i32
    %add3A = arith.addi %mul3A_0, %arg0 : i32
    %mul3A_1 = arith.constant 512 : i32
    %mul3A_2 = arith.muli %add3A, %mul3A_1 : i32
    %scan3A = arith.constant 0 : i32
    %scan3A_3 = arith.constant 0 : i32
    %scan3A_4 = arith.constant 2 : i32
    %scan3A_5 = arith.addi %scan3A_3, %scan3A_4 : i32
    %scan3A_6 = arith.constant 1 : i32
    %scan3A_7 = scf.for %scan3A_9 = %scan3A_3 to %scan3A_5 step %scan3A_6 iter_args(%scan3A_10 = %scan3A) -> (i32)  : i32 {
      %mul3A_11 = arith.constant 256 : i32
      %mul3A_12 = arith.muli %scan3A_9, %mul3A_11 : i32
      %add3A_13 = arith.addi %mul3A_2, %mul3A_12 : i32
      "tpu.region"() ({
        %run_scoped3A = tpu.sem_alloc : memref<!tpu.dma_semaphore, #tpu.memory_space<semaphore_mem>>
        %dma_start3A_77 = arith.constant 0 : i32
        %dma_start3A_78 = tpu.memref_slice %arg2[%add3A_13, %dma_start3A_77] : memref<16384x200xi32, #tpu.memory_space<hbm>> -> memref<256x96xi32, #tpu.memory_space<hbm>>
        %dma_start3A_79 = arith.constant 0 : i32
        %dma_start3A_80 = tpu.memref_slice %arg2[%add3A_13, %dma_start3A_79] : memref<16384x200xi32, #tpu.memory_space<hbm>> -> memref<256x96xi32, #tpu.memory_space<hbm>>
        tpu.enqueue_dma source(%dma_start3A_80 : memref<256x96xi32, #tpu.memory_space<hbm>>) target(%arg5 : memref<256x96xi32, #tpu.memory_space<vmem>>) target_semaphore(%run_scoped3A : memref<!tpu.dma_semaphore, #tpu.memory_space<semaphore_mem>>)
        %dma_wait3A = arith.constant 0 : i32
        %dma_wait3A_81 = tpu.memref_slice %arg2[%add3A_13, %dma_wait3A] : memref<16384x200xi32, #tpu.memory_space<hbm>> -> memref<256x96xi32, #tpu.memory_space<hbm>>
        %dma_wait3A_82 = arith.constant 0 : i32
        %dma_wait3A_83 = tpu.memref_slice %arg2[%add3A_13, %dma_wait3A_82] : memref<16384x200xi32, #tpu.memory_space<hbm>> -> memref<256x96xi32, #tpu.memory_space<hbm>>
        tpu.wait_dma2 semaphore(%run_scoped3A : memref<!tpu.dma_semaphore, #tpu.memory_space<semaphore_mem>>) src(%dma_wait3A_83 : memref<256x96xi32, #tpu.memory_space<hbm>>) dst(%arg5 : memref<256x96xi32, #tpu.memory_space<vmem>>)
        tpu.yield
      }) : () -> ()
      "tpu.region"() ({
        %run_scoped3A = tpu.sem_alloc : memref<!tpu.dma_semaphore, #tpu.memory_space<semaphore_mem>>
        %dma_start3A_77 = arith.constant 96 : i32
        %dma_start3A_78 = tpu.memref_slice %arg2[%add3A_13, %dma_start3A_77] : memref<16384x200xi32, #tpu.memory_space<hbm>> -> memref<256x104xi32, #tpu.memory_space<hbm>>
        %dma_start3A_79 = arith.constant 96 : i32
        %dma_start3A_80 = tpu.memref_slice %arg2[%add3A_13, %dma_start3A_79] : memref<16384x200xi32, #tpu.memory_space<hbm>> -> memref<256x104xi32, #tpu.memory_space<hbm>>
        tpu.enqueue_dma source(%dma_start3A_80 : memref<256x104xi32, #tpu.memory_space<hbm>>) target(%arg6 : memref<256x104xi32, #tpu.memory_space<vmem>>) target_semaphore(%run_scoped3A : memref<!tpu.dma_semaphore, #tpu.memory_space<semaphore_mem>>)
        %dma_wait3A = arith.constant 96 : i32
        %dma_wait3A_81 = tpu.memref_slice %arg2[%add3A_13, %dma_wait3A] : memref<16384x200xi32, #tpu.memory_space<hbm>> -> memref<256x104xi32, #tpu.memory_space<hbm>>
        %dma_wait3A_82 = arith.constant 96 : i32
        %dma_wait3A_83 = tpu.memref_slice %arg2[%add3A_13, %dma_wait3A_82] : memref<16384x200xi32, #tpu.memory_space<hbm>> -> memref<256x104xi32, #tpu.memory_space<hbm>>
        tpu.wait_dma2 semaphore(%run_scoped3A : memref<!tpu.dma_semaphore, #tpu.memory_space<semaphore_mem>>) src(%dma_wait3A_83 : memref<256x104xi32, #tpu.memory_space<hbm>>) dst(%arg6 : memref<256x104xi32, #tpu.memory_space<vmem>>)
        tpu.yield
      }) : () -> ()
      %dma_start3A = arith.constant 0 : i32
      %dma_start3A_14 = arith.constant 0 : i32
      %dma_start3A_15 = tpu.memref_slice %arg5[%dma_start3A, %dma_start3A_14] : memref<256x96xi32, #tpu.memory_space<vmem>> -> memref<1x96xi32, #tpu.memory_space<vmem>>
      %dma_start3A_16 = tpu.memref_squeeze %dma_start3A_15 : memref<1x96xi32, #tpu.memory_space<vmem>> -> memref<96xi32, #tpu.memory_space<vmem>>
      %dma_start3A_17 = arith.constant 0 : i32
      %dma_start3A_18 = arith.constant 0 : i32
      %dma_start3A_19 = tpu.memref_slice %arg3[%dma_start3A_17, %dma_start3A_18] : memref<1000000x64xf32, #tpu.memory_space<hbm>> -> memref<1000000x64xf32, #tpu.memory_space<hbm>>
      tpu.enqueue_indirect_dma source(%dma_start3A_19 : memref<1000000x64xf32, #tpu.memory_space<hbm>>) target(%arg7 : memref<96x64xf32, #tpu.memory_space<vmem>>) offsets(%dma_start3A_16 : memref<96xi32, #tpu.memory_space<vmem>>) semaphore(%arg16 : memref<!tpu.dma_semaphore, #tpu.memory_space<semaphore_mem>>)
      %dma_start3A_20 = arith.constant 0 : i32
      %dma_start3A_21 = arith.constant 0 : i32
      %dma_start3A_22 = tpu.memref_slice %arg6[%dma_start3A_20, %dma_start3A_21] : memref<256x104xi32, #tpu.memory_space<vmem>> -> memref<1x104xi32, #tpu.memory_space<vmem>>
      %dma_start3A_23 = tpu.memref_squeeze %dma_start3A_22 : memref<1x104xi32, #tpu.memory_space<vmem>> -> memref<104xi32, #tpu.memory_space<vmem>>
      %dma_start3A_24 = arith.constant 0 : i32
      %dma_start3A_25 = arith.constant 0 : i32
      %dma_start3A_26 = tpu.memref_slice %arg3[%dma_start3A_24, %dma_start3A_25] : memref<1000000x64xf32, #tpu.memory_space<hbm>> -> memref<1000000x64xf32, #tpu.memory_space<hbm>>
      tpu.enqueue_indirect_dma source(%dma_start3A_26 : memref<1000000x64xf32, #tpu.memory_space<hbm>>) target(%arg8 : memref<104x64xf32, #tpu.memory_space<vmem>>) offsets(%dma_start3A_23 : memref<104xi32, #tpu.memory_space<vmem>>) semaphore(%arg17 : memref<!tpu.dma_semaphore, #tpu.memory_space<semaphore_mem>>)
      %dma_start3A_27 = arith.constant 1 : i32
      %dma_start3A_28 = arith.constant 0 : i32
      %dma_start3A_29 = tpu.memref_slice %arg5[%dma_start3A_27, %dma_start3A_28] : memref<256x96xi32, #tpu.memory_space<vmem>> -> memref<1x96xi32, #tpu.memory_space<vmem>>
      %dma_start3A_30 = tpu.memref_squeeze %dma_start3A_29 : memref<1x96xi32, #tpu.memory_space<vmem>> -> memref<96xi32, #tpu.memory_space<vmem>>
      %dma_start3A_31 = arith.constant 0 : i32
      %dma_start3A_32 = arith.constant 0 : i32
      %dma_start3A_33 = tpu.memref_slice %arg3[%dma_start3A_31, %dma_start3A_32] : memref<1000000x64xf32, #tpu.memory_space<hbm>> -> memref<1000000x64xf32, #tpu.memory_space<hbm>>
      tpu.enqueue_indirect_dma source(%dma_start3A_33 : memref<1000000x64xf32, #tpu.memory_space<hbm>>) target(%arg9 : memref<96x64xf32, #tpu.memory_space<vmem>>) offsets(%dma_start3A_30 : memref<96xi32, #tpu.memory_space<vmem>>) semaphore(%arg18 : memref<!tpu.dma_semaphore, #tpu.memory_space<semaphore_mem>>)
      %dma_start3A_34 = arith.constant 1 : i32
      %dma_start3A_35 = arith.constant 0 : i32
      %dma_start3A_36 = tpu.memref_slice %arg6[%dma_start3A_34, %dma_start3A_35] : memref<256x104xi32, #tpu.memory_space<vmem>> -> memref<1x104xi32, #tpu.memory_space<vmem>>
      %dma_start3A_37 = tpu.memref_squeeze %dma_start3A_36 : memref<1x104xi32, #tpu.memory_space<vmem>> -> memref<104xi32, #tpu.memory_space<vmem>>
      %dma_start3A_38 = arith.constant 0 : i32
      %dma_start3A_39 = arith.constant 0 : i32
      %dma_start3A_40 = tpu.memref_slice %arg3[%dma_start3A_38, %dma_start3A_39] : memref<1000000x64xf32, #tpu.memory_space<hbm>> -> memref<1000000x64xf32, #tpu.memory_space<hbm>>
      tpu.enqueue_indirect_dma source(%dma_start3A_40 : memref<1000000x64xf32, #tpu.memory_space<hbm>>) target(%arg10 : memref<104x64xf32, #tpu.memory_space<vmem>>) offsets(%dma_start3A_37 : memref<104xi32, #tpu.memory_space<vmem>>) semaphore(%arg19 : memref<!tpu.dma_semaphore, #tpu.memory_space<semaphore_mem>>)
      %dma_start3A_41 = arith.constant 2 : i32
      %dma_start3A_42 = arith.constant 0 : i32
      %dma_start3A_43 = tpu.memref_slice %arg5[%dma_start3A_41, %dma_start3A_42] : memref<256x96xi32, #tpu.memory_space<vmem>> -> memref<1x96xi32, #tpu.memory_space<vmem>>
      %dma_start3A_44 = tpu.memref_squeeze %dma_start3A_43 : memref<1x96xi32, #tpu.memory_space<vmem>> -> memref<96xi32, #tpu.memory_space<vmem>>
      %dma_start3A_45 = arith.constant 0 : i32
      %dma_start3A_46 = arith.constant 0 : i32
      %dma_start3A_47 = tpu.memref_slice %arg3[%dma_start3A_45, %dma_start3A_46] : memref<1000000x64xf32, #tpu.memory_space<hbm>> -> memref<1000000x64xf32, #tpu.memory_space<hbm>>
      tpu.enqueue_indirect_dma source(%dma_start3A_47 : memref<1000000x64xf32, #tpu.memory_space<hbm>>) target(%arg11 : memref<96x64xf32, #tpu.memory_space<vmem>>) offsets(%dma_start3A_44 : memref<96xi32, #tpu.memory_space<vmem>>) semaphore(%arg20 : memref<!tpu.dma_semaphore, #tpu.memory_space<semaphore_mem>>)
      %dma_start3A_48 = arith.constant 2 : i32
      %dma_start3A_49 = arith.constant 0 : i32
      %dma_start3A_50 = tpu.memref_slice %arg6[%dma_start3A_48, %dma_start3A_49] : memref<256x104xi32, #tpu.memory_space<vmem>> -> memref<1x104xi32, #tpu.memory_space<vmem>>
      %dma_start3A_51 = tpu.memref_squeeze %dma_start3A_50 : memref<1x104xi32, #tpu.memory_space<vmem>> -> memref<104xi32, #tpu.memory_space<vmem>>
      %dma_start3A_52 = arith.constant 0 : i32
      %dma_start3A_53 = arith.constant 0 : i32
      %dma_start3A_54 = tpu.memref_slice %arg3[%dma_start3A_52, %dma_start3A_53] : memref<1000000x64xf32, #tpu.memory_space<hbm>> -> memref<1000000x64xf32, #tpu.memory_space<hbm>>
      tpu.enqueue_indirect_dma source(%dma_start3A_54 : memref<1000000x64xf32, #tpu.memory_space<hbm>>) target(%arg12 : memref<104x64xf32, #tpu.memory_space<vmem>>) offsets(%dma_start3A_51 : memref<104xi32, #tpu.memory_space<vmem>>) semaphore(%arg21 : memref<!tpu.dma_semaphore, #tpu.memory_space<semaphore_mem>>)
      %dma_start3A_55 = arith.constant 3 : i32
      %dma_start3A_56 = arith.constant 0 : i32
      %dma_start3A_57 = tpu.memref_slice %arg5[%dma_start3A_55, %dma_start3A_56] : memref<256x96xi32, #tpu.memory_space<vmem>> -> memref<1x96xi32, #tpu.memory_space<vmem>>
      %dma_start3A_58 = tpu.memref_squeeze %dma_start3A_57 : memref<1x96xi32, #tpu.memory_space<vmem>> -> memref<96xi32, #tpu.memory_space<vmem>>
      %dma_start3A_59 = arith.constant 0 : i32
      %dma_start3A_60 = arith.constant 0 : i32
      %dma_start3A_61 = tpu.memref_slice %arg3[%dma_start3A_59, %dma_start3A_60] : memref<1000000x64xf32, #tpu.memory_space<hbm>> -> memref<1000000x64xf32, #tpu.memory_space<hbm>>
      tpu.enqueue_indirect_dma source(%dma_start3A_61 : memref<1000000x64xf32, #tpu.memory_space<hbm>>) target(%arg13 : memref<96x64xf32, #tpu.memory_space<vmem>>) offsets(%dma_start3A_58 : memref<96xi32, #tpu.memory_space<vmem>>) semaphore(%arg22 : memref<!tpu.dma_semaphore, #tpu.memory_space<semaphore_mem>>)
      %dma_start3A_62 = arith.constant 3 : i32
      %dma_start3A_63 = arith.constant 0 : i32
      %dma_start3A_64 = tpu.memref_slice %arg6[%dma_start3A_62, %dma_start3A_63] : memref<256x104xi32, #tpu.memory_space<vmem>> -> memref<1x104xi32, #tpu.memory_space<vmem>>
      %dma_start3A_65 = tpu.memref_squeeze %dma_start3A_64 : memref<1x104xi32, #tpu.memory_space<vmem>> -> memref<104xi32, #tpu.memory_space<vmem>>
      %dma_start3A_66 = arith.constant 0 : i32
      %dma_start3A_67 = arith.constant 0 : i32
      %dma_start3A_68 = tpu.memref_slice %arg3[%dma_start3A_66, %dma_start3A_67] : memref<1000000x64xf32, #tpu.memory_space<hbm>> -> memref<1000000x64xf32, #tpu.memory_space<hbm>>
      tpu.enqueue_indirect_dma source(%dma_start3A_68 : memref<1000000x64xf32, #tpu.memory_space<hbm>>) target(%arg14 : memref<104x64xf32, #tpu.memory_space<vmem>>) offsets(%dma_start3A_65 : memref<104xi32, #tpu.memory_space<vmem>>) semaphore(%arg23 : memref<!tpu.dma_semaphore, #tpu.memory_space<semaphore_mem>>)
      %scan3A_69 = arith.constant 0 : i32
      %scan3A_70 = arith.constant 0 : i32
      %scan3A_71 = arith.constant 64 : i32
      %scan3A_72 = arith.addi %scan3A_70, %scan3A_71 : i32
      %scan3A_73 = arith.constant 1 : i32
      %scan3A_74 = scf.for %scan3A_77 = %scan3A_70 to %scan3A_72 step %scan3A_73 iter_args(%scan3A_78 = %scan3A_69) -> (i32)  : i32 {
        %mul3A_79 = arith.constant 4 : i32
        %mul3A_80 = arith.muli %mul3A_79, %scan3A_77 : i32
        %add3A_81 = arith.constant 0 : i32
        %add3A_82 = arith.addi %mul3A_80, %add3A_81 : i32
        %dma_wait3A = arith.constant 0 : i32
        %dma_wait3A_83 = arith.constant 0 : i32
        %dma_wait3A_84 = tpu.memref_slice %arg5[%dma_wait3A, %dma_wait3A_83] : memref<256x96xi32, #tpu.memory_space<vmem>> -> memref<1x96xi32, #tpu.memory_space<vmem>>
        %dma_wait3A_85 = tpu.memref_squeeze %dma_wait3A_84 : memref<1x96xi32, #tpu.memory_space<vmem>> -> memref<96xi32, #tpu.memory_space<vmem>>
        %dma_wait3A_86 = arith.constant 0 : i32
        %dma_wait3A_87 = arith.constant 0 : i32
        %dma_wait3A_88 = tpu.memref_slice %arg3[%dma_wait3A_86, %dma_wait3A_87] : memref<1000000x64xf32, #tpu.memory_space<hbm>> -> memref<1000000x64xf32, #tpu.memory_space<hbm>>
        tpu.wait_indirect_dma semaphore(%arg16 : memref<!tpu.dma_semaphore, #tpu.memory_space<semaphore_mem>>) src(%dma_wait3A_88 : memref<1000000x64xf32, #tpu.memory_space<hbm>>) dst(%arg7 : memref<96x64xf32, #tpu.memory_space<vmem>>)
        %broadcast_in_dim3A = arith.constant 0.000000e+00 : f32
        %broadcast_in_dim3A_89 = vector.broadcast %broadcast_in_dim3A : f32 to vector<16xf32>
        %scan3A_90 = arith.constant 0 : i32
        %scan3A_91 = arith.constant 96 : i32
        %scan3A_92 = arith.addi %scan3A_90, %scan3A_91 : i32
        %scan3A_93 = arith.constant 8 : i32
        %scan3A_94:4 = scf.for %scan3A_362 = %scan3A_90 to %scan3A_92 step %scan3A_93 iter_args(%scan3A_363 = %broadcast_in_dim3A_89, %scan3A_364 = %broadcast_in_dim3A_89, %scan3A_365 = %broadcast_in_dim3A_89, %scan3A_366 = %broadcast_in_dim3A_89) -> (vector<16xf32>, vector<16xf32>, vector<16xf32>, vector<16xf32>)  : i32 {
          %get3A = arith.index_cast %scan3A_362 : i32 to index
          %get3A_367 = arith.constant 0 : index
          %get3A_368 = tpu.vector_load %arg7[%get3A, %get3A_367] {strides = array<i32>} : memref<96x64xf32, #tpu.memory_space<vmem>>, vector<1x16xf32>,
          %get3A_369 = vector.shape_cast %get3A_368 : vector<1x16xf32> to vector<16xf32>
          %add3A_370 = arith.addf %scan3A_363, %get3A_369 : vector<16xf32>
          %get3A_371 = arith.index_cast %scan3A_362 : i32 to index
          %get3A_372 = arith.constant 16 : index
          %get3A_373 = tpu.vector_load %arg7[%get3A_371, %get3A_372] {strides = array<i32>} : memref<96x64xf32, #tpu.memory_space<vmem>>, vector<1x16xf32>,
          %get3A_374 = vector.shape_cast %get3A_373 : vector<1x16xf32> to vector<16xf32>
          %add3A_375 = arith.addf %scan3A_364, %get3A_374 : vector<16xf32>
          %get3A_376 = arith.index_cast %scan3A_362 : i32 to index
          %get3A_377 = arith.constant 32 : index
          %get3A_378 = tpu.vector_load %arg7[%get3A_376, %get3A_377] {strides = array<i32>} : memref<96x64xf32, #tpu.memory_space<vmem>>, vector<1x16xf32>,
          %get3A_379 = vector.shape_cast %get3A_378 : vector<1x16xf32> to vector<16xf32>
          %add3A_380 = arith.addf %scan3A_365, %get3A_379 : vector<16xf32>
          %get3A_381 = arith.index_cast %scan3A_362 : i32 to index
          %get3A_382 = arith.constant 48 : index
          %get3A_383 = tpu.vector_load %arg7[%get3A_381, %get3A_382] {strides = array<i32>} : memref<96x64xf32, #tpu.memory_space<vmem>>, vector<1x16xf32>,
          %get3A_384 = vector.shape_cast %get3A_383 : vector<1x16xf32> to vector<16xf32>
          %add3A_385 = arith.addf %scan3A_366, %get3A_384 : vector<16xf32>
          %scan3A_386 = arith.constant 1 : i32
          %scan3A_387 = arith.addi %scan3A_362, %scan3A_386 : i32
          %get3A_388 = arith.index_cast %scan3A_387 : i32 to index
          %get3A_389 = arith.constant 0 : index
          %get3A_390 = tpu.vector_load %arg7[%get3A_388, %get3A_389] {strides = array<i32>} : memref<96x64xf32, #tpu.memory_space<vmem>>, vector<1x16xf32>,
          %get3A_391 = vector.shape_cast %get3A_390 : vector<1x16xf32> to vector<16xf32>
          %add3A_392 = arith.addf %add3A_370, %get3A_391 : vector<16xf32>
          %get3A_393 = arith.index_cast %scan3A_387 : i32 to index
          %get3A_394 = arith.constant 16 : index
          %get3A_395 = tpu.vector_load %arg7[%get3A_393, %get3A_394] {strides = array<i32>} : memref<96x64xf32, #tpu.memory_space<vmem>>, vector<1x16xf32>,
          %get3A_396 = vector.shape_cast %get3A_395 : vector<1x16xf32> to vector<16xf32>
          %add3A_397 = arith.addf %add3A_375, %get3A_396 : vector<16xf32>
          %get3A_398 = arith.index_cast %scan3A_387 : i32 to index
          %get3A_399 = arith.constant 32 : index
          %get3A_400 = tpu.vector_load %arg7[%get3A_398, %get3A_399] {strides = array<i32>} : memref<96x64xf32, #tpu.memory_space<vmem>>, vector<1x16xf32>,
          %get3A_401 = vector.shape_cast %get3A_400 : vector<1x16xf32> to vector<16xf32>
          %add3A_402 = arith.addf %add3A_380, %get3A_401 : vector<16xf32>
          %get3A_403 = arith.index_cast %scan3A_387 : i32 to index
          %get3A_404 = arith.constant 48 : index
          %get3A_405 = tpu.vector_load %arg7[%get3A_403, %get3A_404] {strides = array<i32>} : memref<96x64xf32, #tpu.memory_space<vmem>>, vector<1x16xf32>,
          %get3A_406 = vector.shape_cast %get3A_405 : vector<1x16xf32> to vector<16xf32>
          %add3A_407 = arith.addf %add3A_385, %get3A_406 : vector<16xf32>
          %scan3A_408 = arith.constant 2 : i32
          %scan3A_409 = arith.addi %scan3A_362, %scan3A_408 : i32
          %get3A_410 = arith.index_cast %scan3A_409 : i32 to index
          %get3A_411 = arith.constant 0 : index
          %get3A_412 = tpu.vector_load %arg7[%get3A_410, %get3A_411] {strides = array<i32>} : memref<96x64xf32, #tpu.memory_space<vmem>>, vector<1x16xf32>,
          %get3A_413 = vector.shape_cast %get3A_412 : vector<1x16xf32> to vector<16xf32>
          %add3A_414 = arith.addf %add3A_392, %get3A_413 : vector<16xf32>
          %get3A_415 = arith.index_cast %scan3A_409 : i32 to index
          %get3A_416 = arith.constant 16 : index
          %get3A_417 = tpu.vector_load %arg7[%get3A_415, %get3A_416] {strides = array<i32>} : memref<96x64xf32, #tpu.memory_space<vmem>>, vector<1x16xf32>,
          %get3A_418 = vector.shape_cast %get3A_417 : vector<1x16xf32> to vector<16xf32>
          %add3A_419 = arith.addf %add3A_397, %get3A_418 : vector<16xf32>
          %get3A_420 = arith.index_cast %scan3A_409 : i32 to index
          %get3A_421 = arith.constant 32 : index
          %get3A_422 = tpu.vector_load %arg7[%get3A_420, %get3A_421] {strides = array<i32>} : memref<96x64xf32, #tpu.memory_space<vmem>>, vector<1x16xf32>,
          %get3A_423 = vector.shape_cast %get3A_422 : vector<1x16xf32> to vector<16xf32>
          %add3A_424 = arith.addf %add3A_402, %get3A_423 : vector<16xf32>
          %get3A_425 = arith.index_cast %scan3A_409 : i32 to index
          %get3A_426 = arith.constant 48 : index
          %get3A_427 = tpu.vector_load %arg7[%get3A_425, %get3A_426] {strides = array<i32>} : memref<96x64xf32, #tpu.memory_space<vmem>>, vector<1x16xf32>,
          %get3A_428 = vector.shape_cast %get3A_427 : vector<1x16xf32> to vector<16xf32>
          %add3A_429 = arith.addf %add3A_407, %get3A_428 : vector<16xf32>
          %scan3A_430 = arith.constant 3 : i32
          %scan3A_431 = arith.addi %scan3A_362, %scan3A_430 : i32
          %get3A_432 = arith.index_cast %scan3A_431 : i32 to index
          %get3A_433 = arith.constant 0 : index
          %get3A_434 = tpu.vector_load %arg7[%get3A_432, %get3A_433] {strides = array<i32>} : memref<96x64xf32, #tpu.memory_space<vmem>>, vector<1x16xf32>,
          %get3A_435 = vector.shape_cast %get3A_434 : vector<1x16xf32> to vector<16xf32>
          %add3A_436 = arith.addf %add3A_414, %get3A_435 : vector<16xf32>
          %get3A_437 = arith.index_cast %scan3A_431 : i32 to index
          %get3A_438 = arith.constant 16 : index
          %get3A_439 = tpu.vector_load %arg7[%get3A_437, %get3A_438] {strides = array<i32>} : memref<96x64xf32, #tpu.memory_space<vmem>>, vector<1x16xf32>,
          %get3A_440 = vector.shape_cast %get3A_439 : vector<1x16xf32> to vector<16xf32>
          %add3A_441 = arith.addf %add3A_419, %get3A_440 : vector<16xf32>
          %get3A_442 = arith.index_cast %scan3A_431 : i32 to index
          %get3A_443 = arith.constant 32 : index
          %get3A_444 = tpu.vector_load %arg7[%get3A_442, %get3A_443] {strides = array<i32>} : memref<96x64xf32, #tpu.memory_space<vmem>>, vector<1x16xf32>,
          %get3A_445 = vector.shape_cast %get3A_444 : vector<1x16xf32> to vector<16xf32>
          %add3A_446 = arith.addf %add3A_424, %get3A_445 : vector<16xf32>
          %get3A_447 = arith.index_cast %scan3A_431 : i32 to index
          %get3A_448 = arith.constant 48 : index
          %get3A_449 = tpu.vector_load %arg7[%get3A_447, %get3A_448] {strides = array<i32>} : memref<96x64xf32, #tpu.memory_space<vmem>>, vector<1x16xf32>,
          %get3A_450 = vector.shape_cast %get3A_449 : vector<1x16xf32> to vector<16xf32>
          %add3A_451 = arith.addf %add3A_429, %get3A_450 : vector<16xf32>
          %scan3A_452 = arith.constant 4 : i32
          %scan3A_453 = arith.addi %scan3A_362, %scan3A_452 : i32
          %get3A_454 = arith.index_cast %scan3A_453 : i32 to index
          %get3A_455 = arith.constant 0 : index
          %get3A_456 = tpu.vector_load %arg7[%get3A_454, %get3A_455] {strides = array<i32>} : memref<96x64xf32, #tpu.memory_space<vmem>>, vector<1x16xf32>,
          %get3A_457 = vector.shape_cast %get3A_456 : vector<1x16xf32> to vector<16xf32>
          %add3A_458 = arith.addf %add3A_436, %get3A_457 : vector<16xf32>
          %get3A_459 = arith.index_cast %scan3A_453 : i32 to index
          %get3A_460 = arith.constant 16 : index
          %get3A_461 = tpu.vector_load %arg7[%get3A_459, %get3A_460] {strides = array<i32>} : memref<96x64xf32, #tpu.memory_space<vmem>>, vector<1x16xf32>,
          %get3A_462 = vector.shape_cast %get3A_461 : vector<1x16xf32> to vector<16xf32>
          %add3A_463 = arith.addf %add3A_441, %get3A_462 : vector<16xf32>
          %get3A_464 = arith.index_cast %scan3A_453 : i32 to index
          %get3A_465 = arith.constant 32 : index
          %get3A_466 = tpu.vector_load %arg7[%get3A_464, %get3A_465] {strides = array<i32>} : memref<96x64xf32, #tpu.memory_space<vmem>>, vector<1x16xf32>,
          %get3A_467 = vector.shape_cast %get3A_466 : vector<1x16xf32> to vector<16xf32>
          %add3A_468 = arith.addf %add3A_446, %get3A_467 : vector<16xf32>
          %get3A_469 = arith.index_cast %scan3A_453 : i32 to index
          %get3A_470 = arith.constant 48 : index
          %get3A_471 = tpu.vector_load %arg7[%get3A_469, %get3A_470] {strides = array<i32>} : memref<96x64xf32, #tpu.memory_space<vmem>>, vector<1x16xf32>,
          %get3A_472 = vector.shape_cast %get3A_471 : vector<1x16xf32> to vector<16xf32>
          %add3A_473 = arith.addf %add3A_451, %get3A_472 : vector<16xf32>
          %scan3A_474 = arith.constant 5 : i32
          %scan3A_475 = arith.addi %scan3A_362, %scan3A_474 : i32
          %get3A_476 = arith.index_cast %scan3A_475 : i32 to index
          %get3A_477 = arith.constant 0 : index
          %get3A_478 = tpu.vector_load %arg7[%get3A_476, %get3A_477] {strides = array<i32>} : memref<96x64xf32, #tpu.memory_space<vmem>>, vector<1x16xf32>,
          %get3A_479 = vector.shape_cast %get3A_478 : vector<1x16xf32> to vector<16xf32>
          %add3A_480 = arith.addf %add3A_458, %get3A_479 : vector<16xf32>
          %get3A_481 = arith.index_cast %scan3A_475 : i32 to index
          %get3A_482 = arith.constant 16 : index
          %get3A_483 = tpu.vector_load %arg7[%get3A_481, %get3A_482] {strides = array<i32>} : memref<96x64xf32, #tpu.memory_space<vmem>>, vector<1x16xf32>,
          %get3A_484 = vector.shape_cast %get3A_483 : vector<1x16xf32> to vector<16xf32>
          %add3A_485 = arith.addf %add3A_463, %get3A_484 : vector<16xf32>
          %get3A_486 = arith.index_cast %scan3A_475 : i32 to index
          %get3A_487 = arith.constant 32 : index
          %get3A_488 = tpu.vector_load %arg7[%get3A_486, %get3A_487] {strides = array<i32>} : memref<96x64xf32, #tpu.memory_space<vmem>>, vector<1x16xf32>,
          %get3A_489 = vector.shape_cast %get3A_488 : vector<1x16xf32> to vector<16xf32>
          %add3A_490 = arith.addf %add3A_468, %get3A_489 : vector<16xf32>
          %get3A_491 = arith.index_cast %scan3A_475 : i32 to index
          %get3A_492 = arith.constant 48 : index
          %get3A_493 = tpu.vector_load %arg7[%get3A_491, %get3A_492] {strides = array<i32>} : memref<96x64xf32, #tpu.memory_space<vmem>>, vector<1x16xf32>,
          %get3A_494 = vector.shape_cast %get3A_493 : vector<1x16xf32> to vector<16xf32>
          %add3A_495 = arith.addf %add3A_473, %get3A_494 : vector<16xf32>
          %scan3A_496 = arith.constant 6 : i32
          %scan3A_497 = arith.addi %scan3A_362, %scan3A_496 : i32
          %get3A_498 = arith.index_cast %scan3A_497 : i32 to index
          %get3A_499 = arith.constant 0 : index
          %get3A_500 = tpu.vector_load %arg7[%get3A_498, %get3A_499] {strides = array<i32>} : memref<96x64xf32, #tpu.memory_space<vmem>>, vector<1x16xf32>,
          %get3A_501 = vector.shape_cast %get3A_500 : vector<1x16xf32> to vector<16xf32>
          %add3A_502 = arith.addf %add3A_480, %get3A_501 : vector<16xf32>
          %get3A_503 = arith.index_cast %scan3A_497 : i32 to index
          %get3A_504 = arith.constant 16 : index
          %get3A_505 = tpu.vector_load %arg7[%get3A_503, %get3A_504] {strides = array<i32>} : memref<96x64xf32, #tpu.memory_space<vmem>>, vector<1x16xf32>,
          %get3A_506 = vector.shape_cast %get3A_505 : vector<1x16xf32> to vector<16xf32>
          %add3A_507 = arith.addf %add3A_485, %get3A_506 : vector<16xf32>
          %get3A_508 = arith.index_cast %scan3A_497 : i32 to index
          %get3A_509 = arith.constant 32 : index
          %get3A_510 = tpu.vector_load %arg7[%get3A_508, %get3A_509] {strides = array<i32>} : memref<96x64xf32, #tpu.memory_space<vmem>>, vector<1x16xf32>,
          %get3A_511 = vector.shape_cast %get3A_510 : vector<1x16xf32> to vector<16xf32>
          %add3A_512 = arith.addf %add3A_490, %get3A_511 : vector<16xf32>
          %get3A_513 = arith.index_cast %scan3A_497 : i32 to index
          %get3A_514 = arith.constant 48 : index
          %get3A_515 = tpu.vector_load %arg7[%get3A_513, %get3A_514] {strides = array<i32>} : memref<96x64xf32, #tpu.memory_space<vmem>>, vector<1x16xf32>,
          %get3A_516 = vector.shape_cast %get3A_515 : vector<1x16xf32> to vector<16xf32>
          %add3A_517 = arith.addf %add3A_495, %get3A_516 : vector<16xf32>
          %scan3A_518 = arith.constant 7 : i32
          %scan3A_519 = arith.addi %scan3A_362, %scan3A_518 : i32
          %get3A_520 = arith.index_cast %scan3A_519 : i32 to index
          %get3A_521 = arith.constant 0 : index
          %get3A_522 = tpu.vector_load %arg7[%get3A_520, %get3A_521] {strides = array<i32>} : memref<96x64xf32, #tpu.memory_space<vmem>>, vector<1x16xf32>,
          %get3A_523 = vector.shape_cast %get3A_522 : vector<1x16xf32> to vector<16xf32>
          %add3A_524 = arith.addf %add3A_502, %get3A_523 : vector<16xf32>
          %get3A_525 = arith.index_cast %scan3A_519 : i32 to index
          %get3A_526 = arith.constant 16 : index
          %get3A_527 = tpu.vector_load %arg7[%get3A_525, %get3A_526] {strides = array<i32>} : memref<96x64xf32, #tpu.memory_space<vmem>>, vector<1x16xf32>,
          %get3A_528 = vector.shape_cast %get3A_527 : vector<1x16xf32> to vector<16xf32>
          %add3A_529 = arith.addf %add3A_507, %get3A_528 : vector<16xf32>
          %get3A_530 = arith.index_cast %scan3A_519 : i32 to index
          %get3A_531 = arith.constant 32 : index
          %get3A_532 = tpu.vector_load %arg7[%get3A_530, %get3A_531] {strides = array<i32>} : memref<96x64xf32, #tpu.memory_space<vmem>>, vector<1x16xf32>,
          %get3A_533 = vector.shape_cast %get3A_532 : vector<1x16xf32> to vector<16xf32>
          %add3A_534 = arith.addf %add3A_512, %get3A_533 : vector<16xf32>
          %get3A_535 = arith.index_cast %scan3A_519 : i32 to index
          %get3A_536 = arith.constant 48 : index
          %get3A_537 = tpu.vector_load %arg7[%get3A_535, %get3A_536] {strides = array<i32>} : memref<96x64xf32, #tpu.memory_space<vmem>>, vector<1x16xf32>,
          %get3A_538 = vector.shape_cast %get3A_537 : vector<1x16xf32> to vector<16xf32>
          %add3A_539 = arith.addf %add3A_517, %get3A_538 : vector<16xf32>
          scf.yield %add3A_524, %add3A_529, %add3A_534, %add3A_539 : vector<16xf32>, vector<16xf32>, vector<16xf32>, vector<16xf32>
        }
        %scan3A_95 = arith.constant 96 : i32
        %add3A_96 = arith.constant 4 : i32
        %add3A_97 = arith.addi %add3A_82, %add3A_96 : i32
        %lt3A = arith.constant 256 : i32
        %lt3A_98 = arith.cmpi slt, %add3A_97, %lt3A : i32
        %convert_element_type3A = arith.extui %lt3A_98 : i1 to i32
        %cond3A = arith.constant 0 : i32
        %cond3A_99 = arith.cmpi ne, %convert_element_type3A, %cond3A : i32
        scf.if %cond3A_99 {
          %add3A_362 = arith.constant 4 : i32
          %add3A_363 = arith.addi %add3A_82, %add3A_362 : i32
          %dma_start3A_364 = arith.constant 0 : i32
          %dma_start3A_365 = tpu.memref_slice %arg5[%add3A_363, %dma_start3A_364] : memref<256x96xi32, #tpu.memory_space<vmem>> -> memref<1x96xi32, #tpu.memory_space<vmem>>
          %dma_start3A_366 = tpu.memref_squeeze %dma_start3A_365 : memref<1x96xi32, #tpu.memory_space<vmem>> -> memref<96xi32, #tpu.memory_space<vmem>>
          %dma_start3A_367 = arith.constant 0 : i32
          %dma_start3A_368 = arith.constant 0 : i32
          %dma_start3A_369 = tpu.memref_slice %arg3[%dma_start3A_367, %dma_start3A_368] : memref<1000000x64xf32, #tpu.memory_space<hbm>> -> memref<1000000x64xf32, #tpu.memory_space<hbm>>
          tpu.enqueue_indirect_dma source(%dma_start3A_369 : memref<1000000x64xf32, #tpu.memory_space<hbm>>) target(%arg7 : memref<96x64xf32, #tpu.memory_space<vmem>>) offsets(%dma_start3A_366 : memref<96xi32, #tpu.memory_space<vmem>>) semaphore(%arg16 : memref<!tpu.dma_semaphore, #tpu.memory_space<semaphore_mem>>)
        } else {
        }
        %dma_wait3A_100 = arith.constant 0 : i32
        %dma_wait3A_101 = arith.constant 0 : i32
        %dma_wait3A_102 = tpu.memref_slice %arg6[%dma_wait3A_100, %dma_wait3A_101] : memref<256x104xi32, #tpu.memory_space<vmem>> -> memref<1x104xi32, #tpu.memory_space<vmem>>
        %dma_wait3A_103 = tpu.memref_squeeze %dma_wait3A_102 : memref<1x104xi32, #tpu.memory_space<vmem>> -> memref<104xi32, #tpu.memory_space<vmem>>
        %dma_wait3A_104 = arith.constant 0 : i32
        %dma_wait3A_105 = arith.constant 0 : i32
        %dma_wait3A_106 = tpu.memref_slice %arg3[%dma_wait3A_104, %dma_wait3A_105] : memref<1000000x64xf32, #tpu.memory_space<hbm>> -> memref<1000000x64xf32, #tpu.memory_space<hbm>>
        tpu.wait_indirect_dma semaphore(%arg17 : memref<!tpu.dma_semaphore, #tpu.memory_space<semaphore_mem>>) src(%dma_wait3A_106 : memref<1000000x64xf32, #tpu.memory_space<hbm>>) dst(%arg8 : memref<104x64xf32, #tpu.memory_space<vmem>>)
        %broadcast_in_dim3A_107 = arith.constant 0.000000e+00 : f32
        %broadcast_in_dim3A_108 = vector.broadcast %broadcast_in_dim3A_107 : f32 to vector<16xf32>
        %scan3A_109 = arith.constant 0 : i32
        %scan3A_110 = arith.constant 104 : i32
        %scan3A_111 = arith.addi %scan3A_109, %scan3A_110 : i32
        %scan3A_112 = arith.constant 8 : i32
        %scan3A_113:4 = scf.for %scan3A_362 = %scan3A_109 to %scan3A_111 step %scan3A_112 iter_args(%scan3A_363 = %broadcast_in_dim3A_108, %scan3A_364 = %broadcast_in_dim3A_108, %scan3A_365 = %broadcast_in_dim3A_108, %scan3A_366 = %broadcast_in_dim3A_108) -> (vector<16xf32>, vector<16xf32>, vector<16xf32>, vector<16xf32>)  : i32 {
          %get3A = arith.index_cast %scan3A_362 : i32 to index
          %get3A_367 = arith.constant 0 : index
          %get3A_368 = tpu.vector_load %arg8[%get3A, %get3A_367] {strides = array<i32>} : memref<104x64xf32, #tpu.memory_space<vmem>>, vector<1x16xf32>,
          %get3A_369 = vector.shape_cast %get3A_368 : vector<1x16xf32> to vector<16xf32>
          %add3A_370 = arith.addf %scan3A_363, %get3A_369 : vector<16xf32>
          %get3A_371 = arith.index_cast %scan3A_362 : i32 to index
          %get3A_372 = arith.constant 16 : index
          %get3A_373 = tpu.vector_load %arg8[%get3A_371, %get3A_372] {strides = array<i32>} : memref<104x64xf32, #tpu.memory_space<vmem>>, vector<1x16xf32>,
          %get3A_374 = vector.shape_cast %get3A_373 : vector<1x16xf32> to vector<16xf32>
          %add3A_375 = arith.addf %scan3A_364, %get3A_374 : vector<16xf32>
          %get3A_376 = arith.index_cast %scan3A_362 : i32 to index
          %get3A_377 = arith.constant 32 : index
          %get3A_378 = tpu.vector_load %arg8[%get3A_376, %get3A_377] {strides = array<i32>} : memref<104x64xf32, #tpu.memory_space<vmem>>, vector<1x16xf32>,
          %get3A_379 = vector.shape_cast %get3A_378 : vector<1x16xf32> to vector<16xf32>
          %add3A_380 = arith.addf %scan3A_365, %get3A_379 : vector<16xf32>
          %get3A_381 = arith.index_cast %scan3A_362 : i32 to index
          %get3A_382 = arith.constant 48 : index
          %get3A_383 = tpu.vector_load %arg8[%get3A_381, %get3A_382] {strides = array<i32>} : memref<104x64xf32, #tpu.memory_space<vmem>>, vector<1x16xf32>,
          %get3A_384 = vector.shape_cast %get3A_383 : vector<1x16xf32> to vector<16xf32>
          %add3A_385 = arith.addf %scan3A_366, %get3A_384 : vector<16xf32>
          %scan3A_386 = arith.constant 1 : i32
          %scan3A_387 = arith.addi %scan3A_362, %scan3A_386 : i32
          %get3A_388 = arith.index_cast %scan3A_387 : i32 to index
          %get3A_389 = arith.constant 0 : index
          %get3A_390 = tpu.vector_load %arg8[%get3A_388, %get3A_389] {strides = array<i32>} : memref<104x64xf32, #tpu.memory_space<vmem>>, vector<1x16xf32>,
          %get3A_391 = vector.shape_cast %get3A_390 : vector<1x16xf32> to vector<16xf32>
          %add3A_392 = arith.addf %add3A_370, %get3A_391 : vector<16xf32>
          %get3A_393 = arith.index_cast %scan3A_387 : i32 to index
          %get3A_394 = arith.constant 16 : index
          %get3A_395 = tpu.vector_load %arg8[%get3A_393, %get3A_394] {strides = array<i32>} : memref<104x64xf32, #tpu.memory_space<vmem>>, vector<1x16xf32>,
          %get3A_396 = vector.shape_cast %get3A_395 : vector<1x16xf32> to vector<16xf32>
          %add3A_397 = arith.addf %add3A_375, %get3A_396 : vector<16xf32>
          %get3A_398 = arith.index_cast %scan3A_387 : i32 to index
          %get3A_399 = arith.constant 32 : index
          %get3A_400 = tpu.vector_load %arg8[%get3A_398, %get3A_399] {strides = array<i32>} : memref<104x64xf32, #tpu.memory_space<vmem>>, vector<1x16xf32>,
          %get3A_401 = vector.shape_cast %get3A_400 : vector<1x16xf32> to vector<16xf32>
          %add3A_402 = arith.addf %add3A_380, %get3A_401 : vector<16xf32>
          %get3A_403 = arith.index_cast %scan3A_387 : i32 to index
          %get3A_404 = arith.constant 48 : index
          %get3A_405 = tpu.vector_load %arg8[%get3A_403, %get3A_404] {strides = array<i32>} : memref<104x64xf32, #tpu.memory_space<vmem>>, vector<1x16xf32>,
          %get3A_406 = vector.shape_cast %get3A_405 : vector<1x16xf32> to vector<16xf32>
          %add3A_407 = arith.addf %add3A_385, %get3A_406 : vector<16xf32>
          %scan3A_408 = arith.constant 2 : i32
          %scan3A_409 = arith.addi %scan3A_362, %scan3A_408 : i32
          %get3A_410 = arith.index_cast %scan3A_409 : i32 to index
          %get3A_411 = arith.constant 0 : index
          %get3A_412 = tpu.vector_load %arg8[%get3A_410, %get3A_411] {strides = array<i32>} : memref<104x64xf32, #tpu.memory_space<vmem>>, vector<1x16xf32>,
          %get3A_413 = vector.shape_cast %get3A_412 : vector<1x16xf32> to vector<16xf32>
          %add3A_414 = arith.addf %add3A_392, %get3A_413 : vector<16xf32>
          %get3A_415 = arith.index_cast %scan3A_409 : i32 to index
          %get3A_416 = arith.constant 16 : index
          %get3A_417 = tpu.vector_load %arg8[%get3A_415, %get3A_416] {strides = array<i32>} : memref<104x64xf32, #tpu.memory_space<vmem>>, vector<1x16xf32>,
          %get3A_418 = vector.shape_cast %get3A_417 : vector<1x16xf32> to vector<16xf32>
          %add3A_419 = arith.addf %add3A_397, %get3A_418 : vector<16xf32>
          %get3A_420 = arith.index_cast %scan3A_409 : i32 to index
          %get3A_421 = arith.constant 32 : index
          %get3A_422 = tpu.vector_load %arg8[%get3A_420, %get3A_421] {strides = array<i32>} : memref<104x64xf32, #tpu.memory_space<vmem>>, vector<1x16xf32>,
          %get3A_423 = vector.shape_cast %get3A_422 : vector<1x16xf32> to vector<16xf32>
          %add3A_424 = arith.addf %add3A_402, %get3A_423 : vector<16xf32>
          %get3A_425 = arith.index_cast %scan3A_409 : i32 to index
          %get3A_426 = arith.constant 48 : index
          %get3A_427 = tpu.vector_load %arg8[%get3A_425, %get3A_426] {strides = array<i32>} : memref<104x64xf32, #tpu.memory_space<vmem>>, vector<1x16xf32>,
          %get3A_428 = vector.shape_cast %get3A_427 : vector<1x16xf32> to vector<16xf32>
          %add3A_429 = arith.addf %add3A_407, %get3A_428 : vector<16xf32>
          %scan3A_430 = arith.constant 3 : i32
          %scan3A_431 = arith.addi %scan3A_362, %scan3A_430 : i32
          %get3A_432 = arith.index_cast %scan3A_431 : i32 to index
          %get3A_433 = arith.constant 0 : index
          %get3A_434 = tpu.vector_load %arg8[%get3A_432, %get3A_433] {strides = array<i32>} : memref<104x64xf32, #tpu.memory_space<vmem>>, vector<1x16xf32>,
          %get3A_435 = vector.shape_cast %get3A_434 : vector<1x16xf32> to vector<16xf32>
          %add3A_436 = arith.addf %add3A_414, %get3A_435 : vector<16xf32>
          %get3A_437 = arith.index_cast %scan3A_431 : i32 to index
          %get3A_438 = arith.constant 16 : index
          %get3A_439 = tpu.vector_load %arg8[%get3A_437, %get3A_438] {strides = array<i32>} : memref<104x64xf32, #tpu.memory_space<vmem>>, vector<1x16xf32>,
          %get3A_440 = vector.shape_cast %get3A_439 : vector<1x16xf32> to vector<16xf32>
          %add3A_441 = arith.addf %add3A_419, %get3A_440 : vector<16xf32>
          %get3A_442 = arith.index_cast %scan3A_431 : i32 to index
          %get3A_443 = arith.constant 32 : index
          %get3A_444 = tpu.vector_load %arg8[%get3A_442, %get3A_443] {strides = array<i32>} : memref<104x64xf32, #tpu.memory_space<vmem>>, vector<1x16xf32>,
          %get3A_445 = vector.shape_cast %get3A_444 : vector<1x16xf32> to vector<16xf32>
          %add3A_446 = arith.addf %add3A_424, %get3A_445 : vector<16xf32>
          %get3A_447 = arith.index_cast %scan3A_431 : i32 to index
          %get3A_448 = arith.constant 48 : index
          %get3A_449 = tpu.vector_load %arg8[%get3A_447, %get3A_448] {strides = array<i32>} : memref<104x64xf32, #tpu.memory_space<vmem>>, vector<1x16xf32>,
          %get3A_450 = vector.shape_cast %get3A_449 : vector<1x16xf32> to vector<16xf32>
          %add3A_451 = arith.addf %add3A_429, %get3A_450 : vector<16xf32>
          %scan3A_452 = arith.constant 4 : i32
          %scan3A_453 = arith.addi %scan3A_362, %scan3A_452 : i32
          %get3A_454 = arith.index_cast %scan3A_453 : i32 to index
          %get3A_455 = arith.constant 0 : index
          %get3A_456 = tpu.vector_load %arg8[%get3A_454, %get3A_455] {strides = array<i32>} : memref<104x64xf32, #tpu.memory_space<vmem>>, vector<1x16xf32>,
          %get3A_457 = vector.shape_cast %get3A_456 : vector<1x16xf32> to vector<16xf32>
          %add3A_458 = arith.addf %add3A_436, %get3A_457 : vector<16xf32>
          %get3A_459 = arith.index_cast %scan3A_453 : i32 to index
          %get3A_460 = arith.constant 16 : index
          %get3A_461 = tpu.vector_load %arg8[%get3A_459, %get3A_460] {strides = array<i32>} : memref<104x64xf32, #tpu.memory_space<vmem>>, vector<1x16xf32>,
          %get3A_462 = vector.shape_cast %get3A_461 : vector<1x16xf32> to vector<16xf32>
          %add3A_463 = arith.addf %add3A_441, %get3A_462 : vector<16xf32>
          %get3A_464 = arith.index_cast %scan3A_453 : i32 to index
          %get3A_465 = arith.constant 32 : index
          %get3A_466 = tpu.vector_load %arg8[%get3A_464, %get3A_465] {strides = array<i32>} : memref<104x64xf32, #tpu.memory_space<vmem>>, vector<1x16xf32>,
          %get3A_467 = vector.shape_cast %get3A_466 : vector<1x16xf32> to vector<16xf32>
          %add3A_468 = arith.addf %add3A_446, %get3A_467 : vector<16xf32>
          %get3A_469 = arith.index_cast %scan3A_453 : i32 to index
          %get3A_470 = arith.constant 48 : index
          %get3A_471 = tpu.vector_load %arg8[%get3A_469, %get3A_470] {strides = array<i32>} : memref<104x64xf32, #tpu.memory_space<vmem>>, vector<1x16xf32>,
          %get3A_472 = vector.shape_cast %get3A_471 : vector<1x16xf32> to vector<16xf32>
          %add3A_473 = arith.addf %add3A_451, %get3A_472 : vector<16xf32>
          %scan3A_474 = arith.constant 5 : i32
          %scan3A_475 = arith.addi %scan3A_362, %scan3A_474 : i32
          %get3A_476 = arith.index_cast %scan3A_475 : i32 to index
          %get3A_477 = arith.constant 0 : index
          %get3A_478 = tpu.vector_load %arg8[%get3A_476, %get3A_477] {strides = array<i32>} : memref<104x64xf32, #tpu.memory_space<vmem>>, vector<1x16xf32>,
          %get3A_479 = vector.shape_cast %get3A_478 : vector<1x16xf32> to vector<16xf32>
          %add3A_480 = arith.addf %add3A_458, %get3A_479 : vector<16xf32>
          %get3A_481 = arith.index_cast %scan3A_475 : i32 to index
          %get3A_482 = arith.constant 16 : index
          %get3A_483 = tpu.vector_load %arg8[%get3A_481, %get3A_482] {strides = array<i32>} : memref<104x64xf32, #tpu.memory_space<vmem>>, vector<1x16xf32>,
          %get3A_484 = vector.shape_cast %get3A_483 : vector<1x16xf32> to vector<16xf32>
          %add3A_485 = arith.addf %add3A_463, %get3A_484 : vector<16xf32>
          %get3A_486 = arith.index_cast %scan3A_475 : i32 to index
          %get3A_487 = arith.constant 32 : index
          %get3A_488 = tpu.vector_load %arg8[%get3A_486, %get3A_487] {strides = array<i32>} : memref<104x64xf32, #tpu.memory_space<vmem>>, vector<1x16xf32>,
          %get3A_489 = vector.shape_cast %get3A_488 : vector<1x16xf32> to vector<16xf32>
          %add3A_490 = arith.addf %add3A_468, %get3A_489 : vector<16xf32>
          %get3A_491 = arith.index_cast %scan3A_475 : i32 to index
          %get3A_492 = arith.constant 48 : index
          %get3A_493 = tpu.vector_load %arg8[%get3A_491, %get3A_492] {strides = array<i32>} : memref<104x64xf32, #tpu.memory_space<vmem>>, vector<1x16xf32>,
          %get3A_494 = vector.shape_cast %get3A_493 : vector<1x16xf32> to vector<16xf32>
          %add3A_495 = arith.addf %add3A_473, %get3A_494 : vector<16xf32>
          %scan3A_496 = arith.constant 6 : i32
          %scan3A_497 = arith.addi %scan3A_362, %scan3A_496 : i32
          %get3A_498 = arith.index_cast %scan3A_497 : i32 to index
          %get3A_499 = arith.constant 0 : index
          %get3A_500 = tpu.vector_load %arg8[%get3A_498, %get3A_499] {strides = array<i32>} : memref<104x64xf32, #tpu.memory_space<vmem>>, vector<1x16xf32>,
          %get3A_501 = vector.shape_cast %get3A_500 : vector<1x16xf32> to vector<16xf32>
          %add3A_502 = arith.addf %add3A_480, %get3A_501 : vector<16xf32>
          %get3A_503 = arith.index_cast %scan3A_497 : i32 to index
          %get3A_504 = arith.constant 16 : index
          %get3A_505 = tpu.vector_load %arg8[%get3A_503, %get3A_504] {strides = array<i32>} : memref<104x64xf32, #tpu.memory_space<vmem>>, vector<1x16xf32>,
          %get3A_506 = vector.shape_cast %get3A_505 : vector<1x16xf32> to vector<16xf32>
          %add3A_507 = arith.addf %add3A_485, %get3A_506 : vector<16xf32>
          %get3A_508 = arith.index_cast %scan3A_497 : i32 to index
          %get3A_509 = arith.constant 32 : index
          %get3A_510 = tpu.vector_load %arg8[%get3A_508, %get3A_509] {strides = array<i32>} : memref<104x64xf32, #tpu.memory_space<vmem>>, vector<1x16xf32>,
          %get3A_511 = vector.shape_cast %get3A_510 : vector<1x16xf32> to vector<16xf32>
          %add3A_512 = arith.addf %add3A_490, %get3A_511 : vector<16xf32>
          %get3A_513 = arith.index_cast %scan3A_497 : i32 to index
          %get3A_514 = arith.constant 48 : index
          %get3A_515 = tpu.vector_load %arg8[%get3A_513, %get3A_514] {strides = array<i32>} : memref<104x64xf32, #tpu.memory_space<vmem>>, vector<1x16xf32>,
          %get3A_516 = vector.shape_cast %get3A_515 : vector<1x16xf32> to vector<16xf32>
          %add3A_517 = arith.addf %add3A_495, %get3A_516 : vector<16xf32>
          %scan3A_518 = arith.constant 7 : i32
          %scan3A_519 = arith.addi %scan3A_362, %scan3A_518 : i32
          %get3A_520 = arith.index_cast %scan3A_519 : i32 to index
          %get3A_521 = arith.constant 0 : index
          %get3A_522 = tpu.vector_load %arg8[%get3A_520, %get3A_521] {strides = array<i32>} : memref<104x64xf32, #tpu.memory_space<vmem>>, vector<1x16xf32>,
          %get3A_523 = vector.shape_cast %get3A_522 : vector<1x16xf32> to vector<16xf32>
          %add3A_524 = arith.addf %add3A_502, %get3A_523 : vector<16xf32>
          %get3A_525 = arith.index_cast %scan3A_519 : i32 to index
          %get3A_526 = arith.constant 16 : index
          %get3A_527 = tpu.vector_load %arg8[%get3A_525, %get3A_526] {strides = array<i32>} : memref<104x64xf32, #tpu.memory_space<vmem>>, vector<1x16xf32>,
          %get3A_528 = vector.shape_cast %get3A_527 : vector<1x16xf32> to vector<16xf32>
          %add3A_529 = arith.addf %add3A_507, %get3A_528 : vector<16xf32>
          %get3A_530 = arith.index_cast %scan3A_519 : i32 to index
          %get3A_531 = arith.constant 32 : index
          %get3A_532 = tpu.vector_load %arg8[%get3A_530, %get3A_531] {strides = array<i32>} : memref<104x64xf32, #tpu.memory_space<vmem>>, vector<1x16xf32>,
          %get3A_533 = vector.shape_cast %get3A_532 : vector<1x16xf32> to vector<16xf32>
          %add3A_534 = arith.addf %add3A_512, %get3A_533 : vector<16xf32>
          %get3A_535 = arith.index_cast %scan3A_519 : i32 to index
          %get3A_536 = arith.constant 48 : index
          %get3A_537 = tpu.vector_load %arg8[%get3A_535, %get3A_536] {strides = array<i32>} : memref<104x64xf32, #tpu.memory_space<vmem>>, vector<1x16xf32>,
          %get3A_538 = vector.shape_cast %get3A_537 : vector<1x16xf32> to vector<16xf32>
          %add3A_539 = arith.addf %add3A_517, %get3A_538 : vector<16xf32>
          scf.yield %add3A_524, %add3A_529, %add3A_534, %add3A_539 : vector<16xf32>, vector<16xf32>, vector<16xf32>, vector<16xf32>
        }
        %scan3A_114 = arith.constant 104 : i32
        %add3A_115 = arith.addf %scan3A_94#0, %scan3A_113#0 : vector<16xf32>
        %swap3A = arith.index_cast %add3A_82 : i32 to index
        %swap3A_116 = arith.constant 0 : index
        %swap3A_117 = tpu.vector_load %arg15[%swap3A, %swap3A_116] {strides = array<i32>} : memref<256x64xf32, #tpu.memory_space<vmem>>, vector<1x16xf32>,
        %swap3A_118 = vector.shape_cast %swap3A_117 : vector<1x16xf32> to vector<16xf32>
        %swap3A_119 = vector.shape_cast %add3A_115 : vector<16xf32> to vector<1x16xf32>
        tpu.vector_store %arg15[%swap3A, %swap3A_116], %swap3A_119 {strides = array<i32>} : memref<256x64xf32, #tpu.memory_space<vmem>>, vector<1x16xf32>,
        %add3A_120 = arith.addf %scan3A_94#1, %scan3A_113#1 : vector<16xf32>
        %swap3A_121 = arith.index_cast %add3A_82 : i32 to index
        %swap3A_122 = arith.constant 16 : index
        %swap3A_123 = tpu.vector_load %arg15[%swap3A_121, %swap3A_122] {strides = array<i32>} : memref<256x64xf32, #tpu.memory_space<vmem>>, vector<1x16xf32>,
        %swap3A_124 = vector.shape_cast %swap3A_123 : vector<1x16xf32> to vector<16xf32>
        %swap3A_125 = vector.shape_cast %add3A_120 : vector<16xf32> to vector<1x16xf32>
        tpu.vector_store %arg15[%swap3A_121, %swap3A_122], %swap3A_125 {strides = array<i32>} : memref<256x64xf32, #tpu.memory_space<vmem>>, vector<1x16xf32>,
        %add3A_126 = arith.addf %scan3A_94#2, %scan3A_113#2 : vector<16xf32>
        %swap3A_127 = arith.index_cast %add3A_82 : i32 to index
        %swap3A_128 = arith.constant 32 : index
        %swap3A_129 = tpu.vector_load %arg15[%swap3A_127, %swap3A_128] {strides = array<i32>} : memref<256x64xf32, #tpu.memory_space<vmem>>, vector<1x16xf32>,
        %swap3A_130 = vector.shape_cast %swap3A_129 : vector<1x16xf32> to vector<16xf32>
        %swap3A_131 = vector.shape_cast %add3A_126 : vector<16xf32> to vector<1x16xf32>
        tpu.vector_store %arg15[%swap3A_127, %swap3A_128], %swap3A_131 {strides = array<i32>} : memref<256x64xf32, #tpu.memory_space<vmem>>, vector<1x16xf32>,
        %add3A_132 = arith.addf %scan3A_94#3, %scan3A_113#3 : vector<16xf32>
        %swap3A_133 = arith.index_cast %add3A_82 : i32 to index
        %swap3A_134 = arith.constant 48 : index
        %swap3A_135 = tpu.vector_load %arg15[%swap3A_133, %swap3A_134] {strides = array<i32>} : memref<256x64xf32, #tpu.memory_space<vmem>>, vector<1x16xf32>,
        %swap3A_136 = vector.shape_cast %swap3A_135 : vector<1x16xf32> to vector<16xf32>
        %swap3A_137 = vector.shape_cast %add3A_132 : vector<16xf32> to vector<1x16xf32>
        tpu.vector_store %arg15[%swap3A_133, %swap3A_134], %swap3A_137 {strides = array<i32>} : memref<256x64xf32, #tpu.memory_space<vmem>>, vector<1x16xf32>,
        %add3A_138 = arith.constant 4 : i32
        %add3A_139 = arith.addi %add3A_82, %add3A_138 : i32
        %lt3A_140 = arith.constant 256 : i32
        %lt3A_141 = arith.cmpi slt, %add3A_139, %lt3A_140 : i32
        %convert_element_type3A_142 = arith.extui %lt3A_141 : i1 to i32
        %cond3A_143 = arith.constant 0 : i32
        %cond3A_144 = arith.cmpi ne, %convert_element_type3A_142, %cond3A_143 : i32
        scf.if %cond3A_144 {
          %add3A_362 = arith.constant 4 : i32
          %add3A_363 = arith.addi %add3A_82, %add3A_362 : i32
          %dma_start3A_364 = arith.constant 0 : i32
          %dma_start3A_365 = tpu.memref_slice %arg6[%add3A_363, %dma_start3A_364] : memref<256x104xi32, #tpu.memory_space<vmem>> -> memref<1x104xi32, #tpu.memory_space<vmem>>
          %dma_start3A_366 = tpu.memref_squeeze %dma_start3A_365 : memref<1x104xi32, #tpu.memory_space<vmem>> -> memref<104xi32, #tpu.memory_space<vmem>>
          %dma_start3A_367 = arith.constant 0 : i32
          %dma_start3A_368 = arith.constant 0 : i32
          %dma_start3A_369 = tpu.memref_slice %arg3[%dma_start3A_367, %dma_start3A_368] : memref<1000000x64xf32, #tpu.memory_space<hbm>> -> memref<1000000x64xf32, #tpu.memory_space<hbm>>
          tpu.enqueue_indirect_dma source(%dma_start3A_369 : memref<1000000x64xf32, #tpu.memory_space<hbm>>) target(%arg8 : memref<104x64xf32, #tpu.memory_space<vmem>>) offsets(%dma_start3A_366 : memref<104xi32, #tpu.memory_space<vmem>>) semaphore(%arg17 : memref<!tpu.dma_semaphore, #tpu.memory_space<semaphore_mem>>)
        } else {
        }
        %mul3A_145 = arith.constant 4 : i32
        %mul3A_146 = arith.muli %mul3A_145, %scan3A_77 : i32
        %add3A_147 = arith.constant 1 : i32
        %add3A_148 = arith.addi %mul3A_146, %add3A_147 : i32
        %dma_wait3A_149 = arith.constant 0 : i32
        %dma_wait3A_150 = arith.constant 0 : i32
        %dma_wait3A_151 = tpu.memref_slice %arg5[%dma_wait3A_149, %dma_wait3A_150] : memref<256x96xi32, #tpu.memory_space<vmem>> -> memref<1x96xi32, #tpu.memory_space<vmem>>
        %dma_wait3A_152 = tpu.memref_squeeze %dma_wait3A_151 : memref<1x96xi32, #tpu.memory_space<vmem>> -> memref<96xi32, #tpu.memory_space<vmem>>
        %dma_wait3A_153 = arith.constant 0 : i32
        %dma_wait3A_154 = arith.constant 0 : i32
        %dma_wait3A_155 = tpu.memref_slice %arg3[%dma_wait3A_153, %dma_wait3A_154] : memref<1000000x64xf32, #tpu.memory_space<hbm>> -> memref<1000000x64xf32, #tpu.memory_space<hbm>>
        tpu.wait_indirect_dma semaphore(%arg18 : memref<!tpu.dma_semaphore, #tpu.memory_space<semaphore_mem>>) src(%dma_wait3A_155 : memref<1000000x64xf32, #tpu.memory_space<hbm>>) dst(%arg9 : memref<96x64xf32, #tpu.memory_space<vmem>>)
        %broadcast_in_dim3A_156 = arith.constant 0.000000e+00 : f32
        %broadcast_in_dim3A_157 = vector.broadcast %broadcast_in_dim3A_156 : f32 to vector<16xf32>
        %scan3A_158 = arith.constant 0 : i32
        %scan3A_159 = arith.constant 96 : i32
        %scan3A_160 = arith.addi %scan3A_158, %scan3A_159 : i32
        %scan3A_161 = arith.constant 8 : i32
        %scan3A_162:4 = scf.for %scan3A_362 = %scan3A_158 to %scan3A_160 step %scan3A_161 iter_args(%scan3A_363 = %broadcast_in_dim3A_157, %scan3A_364 = %broadcast_in_dim3A_157, %scan3A_365 = %broadcast_in_dim3A_157, %scan3A_366 = %broadcast_in_dim3A_157) -> (vector<16xf32>, vector<16xf32>, vector<16xf32>, vector<16xf32>)  : i32 {
          %get3A = arith.index_cast %scan3A_362 : i32 to index
          %get3A_367 = arith.constant 0 : index
          %get3A_368 = tpu.vector_load %arg9[%get3A, %get3A_367] {strides = array<i32>} : memref<96x64xf32, #tpu.memory_space<vmem>>, vector<1x16xf32>,
          %get3A_369 = vector.shape_cast %get3A_368 : vector<1x16xf32> to vector<16xf32>
          %add3A_370 = arith.addf %scan3A_363, %get3A_369 : vector<16xf32>
          %get3A_371 = arith.index_cast %scan3A_362 : i32 to index
          %get3A_372 = arith.constant 16 : index
          %get3A_373 = tpu.vector_load %arg9[%get3A_371, %get3A_372] {strides = array<i32>} : memref<96x64xf32, #tpu.memory_space<vmem>>, vector<1x16xf32>,
          %get3A_374 = vector.shape_cast %get3A_373 : vector<1x16xf32> to vector<16xf32>
          %add3A_375 = arith.addf %scan3A_364, %get3A_374 : vector<16xf32>
          %get3A_376 = arith.index_cast %scan3A_362 : i32 to index
          %get3A_377 = arith.constant 32 : index
          %get3A_378 = tpu.vector_load %arg9[%get3A_376, %get3A_377] {strides = array<i32>} : memref<96x64xf32, #tpu.memory_space<vmem>>, vector<1x16xf32>,
          %get3A_379 = vector.shape_cast %get3A_378 : vector<1x16xf32> to vector<16xf32>
          %add3A_380 = arith.addf %scan3A_365, %get3A_379 : vector<16xf32>
          %get3A_381 = arith.index_cast %scan3A_362 : i32 to index
          %get3A_382 = arith.constant 48 : index
          %get3A_383 = tpu.vector_load %arg9[%get3A_381, %get3A_382] {strides = array<i32>} : memref<96x64xf32, #tpu.memory_space<vmem>>, vector<1x16xf32>,
          %get3A_384 = vector.shape_cast %get3A_383 : vector<1x16xf32> to vector<16xf32>
          %add3A_385 = arith.addf %scan3A_366, %get3A_384 : vector<16xf32>
          %scan3A_386 = arith.constant 1 : i32
          %scan3A_387 = arith.addi %scan3A_362, %scan3A_386 : i32
          %get3A_388 = arith.index_cast %scan3A_387 : i32 to index
          %get3A_389 = arith.constant 0 : index
          %get3A_390 = tpu.vector_load %arg9[%get3A_388, %get3A_389] {strides = array<i32>} : memref<96x64xf32, #tpu.memory_space<vmem>>, vector<1x16xf32>,
          %get3A_391 = vector.shape_cast %get3A_390 : vector<1x16xf32> to vector<16xf32>
          %add3A_392 = arith.addf %add3A_370, %get3A_391 : vector<16xf32>
          %get3A_393 = arith.index_cast %scan3A_387 : i32 to index
          %get3A_394 = arith.constant 16 : index
          %get3A_395 = tpu.vector_load %arg9[%get3A_393, %get3A_394] {strides = array<i32>} : memref<96x64xf32, #tpu.memory_space<vmem>>, vector<1x16xf32>,
          %get3A_396 = vector.shape_cast %get3A_395 : vector<1x16xf32> to vector<16xf32>
          %add3A_397 = arith.addf %add3A_375, %get3A_396 : vector<16xf32>
          %get3A_398 = arith.index_cast %scan3A_387 : i32 to index
          %get3A_399 = arith.constant 32 : index
          %get3A_400 = tpu.vector_load %arg9[%get3A_398, %get3A_399] {strides = array<i32>} : memref<96x64xf32, #tpu.memory_space<vmem>>, vector<1x16xf32>,
          %get3A_401 = vector.shape_cast %get3A_400 : vector<1x16xf32> to vector<16xf32>
          %add3A_402 = arith.addf %add3A_380, %get3A_401 : vector<16xf32>
          %get3A_403 = arith.index_cast %scan3A_387 : i32 to index
          %get3A_404 = arith.constant 48 : index
          %get3A_405 = tpu.vector_load %arg9[%get3A_403, %get3A_404] {strides = array<i32>} : memref<96x64xf32, #tpu.memory_space<vmem>>, vector<1x16xf32>,
          %get3A_406 = vector.shape_cast %get3A_405 : vector<1x16xf32> to vector<16xf32>
          %add3A_407 = arith.addf %add3A_385, %get3A_406 : vector<16xf32>
          %scan3A_408 = arith.constant 2 : i32
          %scan3A_409 = arith.addi %scan3A_362, %scan3A_408 : i32
          %get3A_410 = arith.index_cast %scan3A_409 : i32 to index
          %get3A_411 = arith.constant 0 : index
          %get3A_412 = tpu.vector_load %arg9[%get3A_410, %get3A_411] {strides = array<i32>} : memref<96x64xf32, #tpu.memory_space<vmem>>, vector<1x16xf32>,
          %get3A_413 = vector.shape_cast %get3A_412 : vector<1x16xf32> to vector<16xf32>
          %add3A_414 = arith.addf %add3A_392, %get3A_413 : vector<16xf32>
          %get3A_415 = arith.index_cast %scan3A_409 : i32 to index
          %get3A_416 = arith.constant 16 : index
          %get3A_417 = tpu.vector_load %arg9[%get3A_415, %get3A_416] {strides = array<i32>} : memref<96x64xf32, #tpu.memory_space<vmem>>, vector<1x16xf32>,
          %get3A_418 = vector.shape_cast %get3A_417 : vector<1x16xf32> to vector<16xf32>
          %add3A_419 = arith.addf %add3A_397, %get3A_418 : vector<16xf32>
          %get3A_420 = arith.index_cast %scan3A_409 : i32 to index
          %get3A_421 = arith.constant 32 : index
          %get3A_422 = tpu.vector_load %arg9[%get3A_420, %get3A_421] {strides = array<i32>} : memref<96x64xf32, #tpu.memory_space<vmem>>, vector<1x16xf32>,
          %get3A_423 = vector.shape_cast %get3A_422 : vector<1x16xf32> to vector<16xf32>
          %add3A_424 = arith.addf %add3A_402, %get3A_423 : vector<16xf32>
          %get3A_425 = arith.index_cast %scan3A_409 : i32 to index
          %get3A_426 = arith.constant 48 : index
          %get3A_427 = tpu.vector_load %arg9[%get3A_425, %get3A_426] {strides = array<i32>} : memref<96x64xf32, #tpu.memory_space<vmem>>, vector<1x16xf32>,
          %get3A_428 = vector.shape_cast %get3A_427 : vector<1x16xf32> to vector<16xf32>
          %add3A_429 = arith.addf %add3A_407, %get3A_428 : vector<16xf32>
          %scan3A_430 = arith.constant 3 : i32
          %scan3A_431 = arith.addi %scan3A_362, %scan3A_430 : i32
          %get3A_432 = arith.index_cast %scan3A_431 : i32 to index
          %get3A_433 = arith.constant 0 : index
          %get3A_434 = tpu.vector_load %arg9[%get3A_432, %get3A_433] {strides = array<i32>} : memref<96x64xf32, #tpu.memory_space<vmem>>, vector<1x16xf32>,
          %get3A_435 = vector.shape_cast %get3A_434 : vector<1x16xf32> to vector<16xf32>
          %add3A_436 = arith.addf %add3A_414, %get3A_435 : vector<16xf32>
          %get3A_437 = arith.index_cast %scan3A_431 : i32 to index
          %get3A_438 = arith.constant 16 : index
          %get3A_439 = tpu.vector_load %arg9[%get3A_437, %get3A_438] {strides = array<i32>} : memref<96x64xf32, #tpu.memory_space<vmem>>, vector<1x16xf32>,
          %get3A_440 = vector.shape_cast %get3A_439 : vector<1x16xf32> to vector<16xf32>
          %add3A_441 = arith.addf %add3A_419, %get3A_440 : vector<16xf32>
          %get3A_442 = arith.index_cast %scan3A_431 : i32 to index
          %get3A_443 = arith.constant 32 : index
          %get3A_444 = tpu.vector_load %arg9[%get3A_442, %get3A_443] {strides = array<i32>} : memref<96x64xf32, #tpu.memory_space<vmem>>, vector<1x16xf32>,
          %get3A_445 = vector.shape_cast %get3A_444 : vector<1x16xf32> to vector<16xf32>
          %add3A_446 = arith.addf %add3A_424, %get3A_445 : vector<16xf32>
          %get3A_447 = arith.index_cast %scan3A_431 : i32 to index
          %get3A_448 = arith.constant 48 : index
          %get3A_449 = tpu.vector_load %arg9[%get3A_447, %get3A_448] {strides = array<i32>} : memref<96x64xf32, #tpu.memory_space<vmem>>, vector<1x16xf32>,
          %get3A_450 = vector.shape_cast %get3A_449 : vector<1x16xf32> to vector<16xf32>
          %add3A_451 = arith.addf %add3A_429, %get3A_450 : vector<16xf32>
          %scan3A_452 = arith.constant 4 : i32
          %scan3A_453 = arith.addi %scan3A_362, %scan3A_452 : i32
          %get3A_454 = arith.index_cast %scan3A_453 : i32 to index
          %get3A_455 = arith.constant 0 : index
          %get3A_456 = tpu.vector_load %arg9[%get3A_454, %get3A_455] {strides = array<i32>} : memref<96x64xf32, #tpu.memory_space<vmem>>, vector<1x16xf32>,
          %get3A_457 = vector.shape_cast %get3A_456 : vector<1x16xf32> to vector<16xf32>
          %add3A_458 = arith.addf %add3A_436, %get3A_457 : vector<16xf32>
          %get3A_459 = arith.index_cast %scan3A_453 : i32 to index
          %get3A_460 = arith.constant 16 : index
          %get3A_461 = tpu.vector_load %arg9[%get3A_459, %get3A_460] {strides = array<i32>} : memref<96x64xf32, #tpu.memory_space<vmem>>, vector<1x16xf32>,
          %get3A_462 = vector.shape_cast %get3A_461 : vector<1x16xf32> to vector<16xf32>
          %add3A_463 = arith.addf %add3A_441, %get3A_462 : vector<16xf32>
          %get3A_464 = arith.index_cast %scan3A_453 : i32 to index
          %get3A_465 = arith.constant 32 : index
          %get3A_466 = tpu.vector_load %arg9[%get3A_464, %get3A_465] {strides = array<i32>} : memref<96x64xf32, #tpu.memory_space<vmem>>, vector<1x16xf32>,
          %get3A_467 = vector.shape_cast %get3A_466 : vector<1x16xf32> to vector<16xf32>
          %add3A_468 = arith.addf %add3A_446, %get3A_467 : vector<16xf32>
          %get3A_469 = arith.index_cast %scan3A_453 : i32 to index
          %get3A_470 = arith.constant 48 : index
          %get3A_471 = tpu.vector_load %arg9[%get3A_469, %get3A_470] {strides = array<i32>} : memref<96x64xf32, #tpu.memory_space<vmem>>, vector<1x16xf32>,
          %get3A_472 = vector.shape_cast %get3A_471 : vector<1x16xf32> to vector<16xf32>
          %add3A_473 = arith.addf %add3A_451, %get3A_472 : vector<16xf32>
          %scan3A_474 = arith.constant 5 : i32
          %scan3A_475 = arith.addi %scan3A_362, %scan3A_474 : i32
          %get3A_476 = arith.index_cast %scan3A_475 : i32 to index
          %get3A_477 = arith.constant 0 : index
          %get3A_478 = tpu.vector_load %arg9[%get3A_476, %get3A_477] {strides = array<i32>} : memref<96x64xf32, #tpu.memory_space<vmem>>, vector<1x16xf32>,
          %get3A_479 = vector.shape_cast %get3A_478 : vector<1x16xf32> to vector<16xf32>
          %add3A_480 = arith.addf %add3A_458, %get3A_479 : vector<16xf32>
          %get3A_481 = arith.index_cast %scan3A_475 : i32 to index
          %get3A_482 = arith.constant 16 : index
          %get3A_483 = tpu.vector_load %arg9[%get3A_481, %get3A_482] {strides = array<i32>} : memref<96x64xf32, #tpu.memory_space<vmem>>, vector<1x16xf32>,
          %get3A_484 = vector.shape_cast %get3A_483 : vector<1x16xf32> to vector<16xf32>
          %add3A_485 = arith.addf %add3A_463, %get3A_484 : vector<16xf32>
          %get3A_486 = arith.index_cast %scan3A_475 : i32 to index
          %get3A_487 = arith.constant 32 : index
          %get3A_488 = tpu.vector_load %arg9[%get3A_486, %get3A_487] {strides = array<i32>} : memref<96x64xf32, #tpu.memory_space<vmem>>, vector<1x16xf32>,
          %get3A_489 = vector.shape_cast %get3A_488 : vector<1x16xf32> to vector<16xf32>
          %add3A_490 = arith.addf %add3A_468, %get3A_489 : vector<16xf32>
          %get3A_491 = arith.index_cast %scan3A_475 : i32 to index
          %get3A_492 = arith.constant 48 : index
          %get3A_493 = tpu.vector_load %arg9[%get3A_491, %get3A_492] {strides = array<i32>} : memref<96x64xf32, #tpu.memory_space<vmem>>, vector<1x16xf32>,
          %get3A_494 = vector.shape_cast %get3A_493 : vector<1x16xf32> to vector<16xf32>
          %add3A_495 = arith.addf %add3A_473, %get3A_494 : vector<16xf32>
          %scan3A_496 = arith.constant 6 : i32
          %scan3A_497 = arith.addi %scan3A_362, %scan3A_496 : i32
          %get3A_498 = arith.index_cast %scan3A_497 : i32 to index
          %get3A_499 = arith.constant 0 : index
          %get3A_500 = tpu.vector_load %arg9[%get3A_498, %get3A_499] {strides = array<i32>} : memref<96x64xf32, #tpu.memory_space<vmem>>, vector<1x16xf32>,
          %get3A_501 = vector.shape_cast %get3A_500 : vector<1x16xf32> to vector<16xf32>
          %add3A_502 = arith.addf %add3A_480, %get3A_501 : vector<16xf32>
          %get3A_503 = arith.index_cast %scan3A_497 : i32 to index
          %get3A_504 = arith.constant 16 : index
          %get3A_505 = tpu.vector_load %arg9[%get3A_503, %get3A_504] {strides = array<i32>} : memref<96x64xf32, #tpu.memory_space<vmem>>, vector<1x16xf32>,
          %get3A_506 = vector.shape_cast %get3A_505 : vector<1x16xf32> to vector<16xf32>
          %add3A_507 = arith.addf %add3A_485, %get3A_506 : vector<16xf32>
          %get3A_508 = arith.index_cast %scan3A_497 : i32 to index
          %get3A_509 = arith.constant 32 : index
          %get3A_510 = tpu.vector_load %arg9[%get3A_508, %get3A_509] {strides = array<i32>} : memref<96x64xf32, #tpu.memory_space<vmem>>, vector<1x16xf32>,
          %get3A_511 = vector.shape_cast %get3A_510 : vector<1x16xf32> to vector<16xf32>
          %add3A_512 = arith.addf %add3A_490, %get3A_511 : vector<16xf32>
          %get3A_513 = arith.index_cast %scan3A_497 : i32 to index
          %get3A_514 = arith.constant 48 : index
          %get3A_515 = tpu.vector_load %arg9[%get3A_513, %get3A_514] {strides = array<i32>} : memref<96x64xf32, #tpu.memory_space<vmem>>, vector<1x16xf32>,
          %get3A_516 = vector.shape_cast %get3A_515 : vector<1x16xf32> to vector<16xf32>
          %add3A_517 = arith.addf %add3A_495, %get3A_516 : vector<16xf32>
          %scan3A_518 = arith.constant 7 : i32
          %scan3A_519 = arith.addi %scan3A_362, %scan3A_518 : i32
          %get3A_520 = arith.index_cast %scan3A_519 : i32 to index
          %get3A_521 = arith.constant 0 : index
          %get3A_522 = tpu.vector_load %arg9[%get3A_520, %get3A_521] {strides = array<i32>} : memref<96x64xf32, #tpu.memory_space<vmem>>, vector<1x16xf32>,
          %get3A_523 = vector.shape_cast %get3A_522 : vector<1x16xf32> to vector<16xf32>
          %add3A_524 = arith.addf %add3A_502, %get3A_523 : vector<16xf32>
          %get3A_525 = arith.index_cast %scan3A_519 : i32 to index
          %get3A_526 = arith.constant 16 : index
          %get3A_527 = tpu.vector_load %arg9[%get3A_525, %get3A_526] {strides = array<i32>} : memref<96x64xf32, #tpu.memory_space<vmem>>, vector<1x16xf32>,
          %get3A_528 = vector.shape_cast %get3A_527 : vector<1x16xf32> to vector<16xf32>
          %add3A_529 = arith.addf %add3A_507, %get3A_528 : vector<16xf32>
          %get3A_530 = arith.index_cast %scan3A_519 : i32 to index
          %get3A_531 = arith.constant 32 : index
          %get3A_532 = tpu.vector_load %arg9[%get3A_530, %get3A_531] {strides = array<i32>} : memref<96x64xf32, #tpu.memory_space<vmem>>, vector<1x16xf32>,
          %get3A_533 = vector.shape_cast %get3A_532 : vector<1x16xf32> to vector<16xf32>
          %add3A_534 = arith.addf %add3A_512, %get3A_533 : vector<16xf32>
          %get3A_535 = arith.index_cast %scan3A_519 : i32 to index
          %get3A_536 = arith.constant 48 : index
          %get3A_537 = tpu.vector_load %arg9[%get3A_535, %get3A_536] {strides = array<i32>} : memref<96x64xf32, #tpu.memory_space<vmem>>, vector<1x16xf32>,
          %get3A_538 = vector.shape_cast %get3A_537 : vector<1x16xf32> to vector<16xf32>
          %add3A_539 = arith.addf %add3A_517, %get3A_538 : vector<16xf32>
          scf.yield %add3A_524, %add3A_529, %add3A_534, %add3A_539 : vector<16xf32>, vector<16xf32>, vector<16xf32>, vector<16xf32>
        }
        %scan3A_163 = arith.constant 96 : i32
        %add3A_164 = arith.constant 4 : i32
        %add3A_165 = arith.addi %add3A_148, %add3A_164 : i32
        %lt3A_166 = arith.constant 256 : i32
        %lt3A_167 = arith.cmpi slt, %add3A_165, %lt3A_166 : i32
        %convert_element_type3A_168 = arith.extui %lt3A_167 : i1 to i32
        %cond3A_169 = arith.constant 0 : i32
        %cond3A_170 = arith.cmpi ne, %convert_element_type3A_168, %cond3A_169 : i32
        scf.if %cond3A_170 {
          %add3A_362 = arith.constant 4 : i32
          %add3A_363 = arith.addi %add3A_148, %add3A_362 : i32
          %dma_start3A_364 = arith.constant 0 : i32
          %dma_start3A_365 = tpu.memref_slice %arg5[%add3A_363, %dma_start3A_364] : memref<256x96xi32, #tpu.memory_space<vmem>> -> memref<1x96xi32, #tpu.memory_space<vmem>>
          %dma_start3A_366 = tpu.memref_squeeze %dma_start3A_365 : memref<1x96xi32, #tpu.memory_space<vmem>> -> memref<96xi32, #tpu.memory_space<vmem>>
          %dma_start3A_367 = arith.constant 0 : i32
          %dma_start3A_368 = arith.constant 0 : i32
          %dma_start3A_369 = tpu.memref_slice %arg3[%dma_start3A_367, %dma_start3A_368] : memref<1000000x64xf32, #tpu.memory_space<hbm>> -> memref<1000000x64xf32, #tpu.memory_space<hbm>>
          tpu.enqueue_indirect_dma source(%dma_start3A_369 : memref<1000000x64xf32, #tpu.memory_space<hbm>>) target(%arg9 : memref<96x64xf32, #tpu.memory_space<vmem>>) offsets(%dma_start3A_366 : memref<96xi32, #tpu.memory_space<vmem>>) semaphore(%arg18 : memref<!tpu.dma_semaphore, #tpu.memory_space<semaphore_mem>>)
        } else {
        }
        %dma_wait3A_171 = arith.constant 0 : i32
        %dma_wait3A_172 = arith.constant 0 : i32
        %dma_wait3A_173 = tpu.memref_slice %arg6[%dma_wait3A_171, %dma_wait3A_172] : memref<256x104xi32, #tpu.memory_space<vmem>> -> memref<1x104xi32, #tpu.memory_space<vmem>>
        %dma_wait3A_174 = tpu.memref_squeeze %dma_wait3A_173 : memref<1x104xi32, #tpu.memory_space<vmem>> -> memref<104xi32, #tpu.memory_space<vmem>>
        %dma_wait3A_175 = arith.constant 0 : i32
        %dma_wait3A_176 = arith.constant 0 : i32
        %dma_wait3A_177 = tpu.memref_slice %arg3[%dma_wait3A_175, %dma_wait3A_176] : memref<1000000x64xf32, #tpu.memory_space<hbm>> -> memref<1000000x64xf32, #tpu.memory_space<hbm>>
        tpu.wait_indirect_dma semaphore(%arg19 : memref<!tpu.dma_semaphore, #tpu.memory_space<semaphore_mem>>) src(%dma_wait3A_177 : memref<1000000x64xf32, #tpu.memory_space<hbm>>) dst(%arg10 : memref<104x64xf32, #tpu.memory_space<vmem>>)
        %broadcast_in_dim3A_178 = arith.constant 0.000000e+00 : f32
        %broadcast_in_dim3A_179 = vector.broadcast %broadcast_in_dim3A_178 : f32 to vector<16xf32>
        %scan3A_180 = arith.constant 0 : i32
        %scan3A_181 = arith.constant 104 : i32
        %scan3A_182 = arith.addi %scan3A_180, %scan3A_181 : i32
        %scan3A_183 = arith.constant 8 : i32
        %scan3A_184:4 = scf.for %scan3A_362 = %scan3A_180 to %scan3A_182 step %scan3A_183 iter_args(%scan3A_363 = %broadcast_in_dim3A_179, %scan3A_364 = %broadcast_in_dim3A_179, %scan3A_365 = %broadcast_in_dim3A_179, %scan3A_366 = %broadcast_in_dim3A_179) -> (vector<16xf32>, vector<16xf32>, vector<16xf32>, vector<16xf32>)  : i32 {
          %get3A = arith.index_cast %scan3A_362 : i32 to index
          %get3A_367 = arith.constant 0 : index
          %get3A_368 = tpu.vector_load %arg10[%get3A, %get3A_367] {strides = array<i32>} : memref<104x64xf32, #tpu.memory_space<vmem>>, vector<1x16xf32>,
          %get3A_369 = vector.shape_cast %get3A_368 : vector<1x16xf32> to vector<16xf32>
          %add3A_370 = arith.addf %scan3A_363, %get3A_369 : vector<16xf32>
          %get3A_371 = arith.index_cast %scan3A_362 : i32 to index
          %get3A_372 = arith.constant 16 : index
          %get3A_373 = tpu.vector_load %arg10[%get3A_371, %get3A_372] {strides = array<i32>} : memref<104x64xf32, #tpu.memory_space<vmem>>, vector<1x16xf32>,
          %get3A_374 = vector.shape_cast %get3A_373 : vector<1x16xf32> to vector<16xf32>
          %add3A_375 = arith.addf %scan3A_364, %get3A_374 : vector<16xf32>
          %get3A_376 = arith.index_cast %scan3A_362 : i32 to index
          %get3A_377 = arith.constant 32 : index
          %get3A_378 = tpu.vector_load %arg10[%get3A_376, %get3A_377] {strides = array<i32>} : memref<104x64xf32, #tpu.memory_space<vmem>>, vector<1x16xf32>,
          %get3A_379 = vector.shape_cast %get3A_378 : vector<1x16xf32> to vector<16xf32>
          %add3A_380 = arith.addf %scan3A_365, %get3A_379 : vector<16xf32>
          %get3A_381 = arith.index_cast %scan3A_362 : i32 to index
          %get3A_382 = arith.constant 48 : index
          %get3A_383 = tpu.vector_load %arg10[%get3A_381, %get3A_382] {strides = array<i32>} : memref<104x64xf32, #tpu.memory_space<vmem>>, vector<1x16xf32>,
          %get3A_384 = vector.shape_cast %get3A_383 : vector<1x16xf32> to vector<16xf32>
          %add3A_385 = arith.addf %scan3A_366, %get3A_384 : vector<16xf32>
          %scan3A_386 = arith.constant 1 : i32
          %scan3A_387 = arith.addi %scan3A_362, %scan3A_386 : i32
          %get3A_388 = arith.index_cast %scan3A_387 : i32 to index
          %get3A_389 = arith.constant 0 : index
          %get3A_390 = tpu.vector_load %arg10[%get3A_388, %get3A_389] {strides = array<i32>} : memref<104x64xf32, #tpu.memory_space<vmem>>, vector<1x16xf32>,
          %get3A_391 = vector.shape_cast %get3A_390 : vector<1x16xf32> to vector<16xf32>
          %add3A_392 = arith.addf %add3A_370, %get3A_391 : vector<16xf32>
          %get3A_393 = arith.index_cast %scan3A_387 : i32 to index
          %get3A_394 = arith.constant 16 : index
          %get3A_395 = tpu.vector_load %arg10[%get3A_393, %get3A_394] {strides = array<i32>} : memref<104x64xf32, #tpu.memory_space<vmem>>, vector<1x16xf32>,
          %get3A_396 = vector.shape_cast %get3A_395 : vector<1x16xf32> to vector<16xf32>
          %add3A_397 = arith.addf %add3A_375, %get3A_396 : vector<16xf32>
          %get3A_398 = arith.index_cast %scan3A_387 : i32 to index
          %get3A_399 = arith.constant 32 : index
          %get3A_400 = tpu.vector_load %arg10[%get3A_398, %get3A_399] {strides = array<i32>} : memref<104x64xf32, #tpu.memory_space<vmem>>, vector<1x16xf32>,
          %get3A_401 = vector.shape_cast %get3A_400 : vector<1x16xf32> to vector<16xf32>
          %add3A_402 = arith.addf %add3A_380, %get3A_401 : vector<16xf32>
          %get3A_403 = arith.index_cast %scan3A_387 : i32 to index
          %get3A_404 = arith.constant 48 : index
          %get3A_405 = tpu.vector_load %arg10[%get3A_403, %get3A_404] {strides = array<i32>} : memref<104x64xf32, #tpu.memory_space<vmem>>, vector<1x16xf32>,
          %get3A_406 = vector.shape_cast %get3A_405 : vector<1x16xf32> to vector<16xf32>
          %add3A_407 = arith.addf %add3A_385, %get3A_406 : vector<16xf32>
          %scan3A_408 = arith.constant 2 : i32
          %scan3A_409 = arith.addi %scan3A_362, %scan3A_408 : i32
          %get3A_410 = arith.index_cast %scan3A_409 : i32 to index
          %get3A_411 = arith.constant 0 : index
          %get3A_412 = tpu.vector_load %arg10[%get3A_410, %get3A_411] {strides = array<i32>} : memref<104x64xf32, #tpu.memory_space<vmem>>, vector<1x16xf32>,
          %get3A_413 = vector.shape_cast %get3A_412 : vector<1x16xf32> to vector<16xf32>
          %add3A_414 = arith.addf %add3A_392, %get3A_413 : vector<16xf32>
          %get3A_415 = arith.index_cast %scan3A_409 : i32 to index
          %get3A_416 = arith.constant 16 : index
          %get3A_417 = tpu.vector_load %arg10[%get3A_415, %get3A_416] {strides = array<i32>} : memref<104x64xf32, #tpu.memory_space<vmem>>, vector<1x16xf32>,
          %get3A_418 = vector.shape_cast %get3A_417 : vector<1x16xf32> to vector<16xf32>
          %add3A_419 = arith.addf %add3A_397, %get3A_418 : vector<16xf32>
          %get3A_420 = arith.index_cast %scan3A_409 : i32 to index
          %get3A_421 = arith.constant 32 : index
          %get3A_422 = tpu.vector_load %arg10[%get3A_420, %get3A_421] {strides = array<i32>} : memref<104x64xf32, #tpu.memory_space<vmem>>, vector<1x16xf32>,
          %get3A_423 = vector.shape_cast %get3A_422 : vector<1x16xf32> to vector<16xf32>
          %add3A_424 = arith.addf %add3A_402, %get3A_423 : vector<16xf32>
          %get3A_425 = arith.index_cast %scan3A_409 : i32 to index
          %get3A_426 = arith.constant 48 : index
          %get3A_427 = tpu.vector_load %arg10[%get3A_425, %get3A_426] {strides = array<i32>} : memref<104x64xf32, #tpu.memory_space<vmem>>, vector<1x16xf32>,
          %get3A_428 = vector.shape_cast %get3A_427 : vector<1x16xf32> to vector<16xf32>
          %add3A_429 = arith.addf %add3A_407, %get3A_428 : vector<16xf32>
          %scan3A_430 = arith.constant 3 : i32
          %scan3A_431 = arith.addi %scan3A_362, %scan3A_430 : i32
          %get3A_432 = arith.index_cast %scan3A_431 : i32 to index
          %get3A_433 = arith.constant 0 : index
          %get3A_434 = tpu.vector_load %arg10[%get3A_432, %get3A_433] {strides = array<i32>} : memref<104x64xf32, #tpu.memory_space<vmem>>, vector<1x16xf32>,
          %get3A_435 = vector.shape_cast %get3A_434 : vector<1x16xf32> to vector<16xf32>
          %add3A_436 = arith.addf %add3A_414, %get3A_435 : vector<16xf32>
          %get3A_437 = arith.index_cast %scan3A_431 : i32 to index
          %get3A_438 = arith.constant 16 : index
          %get3A_439 = tpu.vector_load %arg10[%get3A_437, %get3A_438] {strides = array<i32>} : memref<104x64xf32, #tpu.memory_space<vmem>>, vector<1x16xf32>,
          %get3A_440 = vector.shape_cast %get3A_439 : vector<1x16xf32> to vector<16xf32>
          %add3A_441 = arith.addf %add3A_419, %get3A_440 : vector<16xf32>
          %get3A_442 = arith.index_cast %scan3A_431 : i32 to index
          %get3A_443 = arith.constant 32 : index
          %get3A_444 = tpu.vector_load %arg10[%get3A_442, %get3A_443] {strides = array<i32>} : memref<104x64xf32, #tpu.memory_space<vmem>>, vector<1x16xf32>,
          %get3A_445 = vector.shape_cast %get3A_444 : vector<1x16xf32> to vector<16xf32>
          %add3A_446 = arith.addf %add3A_424, %get3A_445 : vector<16xf32>
          %get3A_447 = arith.index_cast %scan3A_431 : i32 to index
          %get3A_448 = arith.constant 48 : index
          %get3A_449 = tpu.vector_load %arg10[%get3A_447, %get3A_448] {strides = array<i32>} : memref<104x64xf32, #tpu.memory_space<vmem>>, vector<1x16xf32>,
          %get3A_450 = vector.shape_cast %get3A_449 : vector<1x16xf32> to vector<16xf32>
          %add3A_451 = arith.addf %add3A_429, %get3A_450 : vector<16xf32>
          %scan3A_452 = arith.constant 4 : i32
          %scan3A_453 = arith.addi %scan3A_362, %scan3A_452 : i32
          %get3A_454 = arith.index_cast %scan3A_453 : i32 to index
          %get3A_455 = arith.constant 0 : index
          %get3A_456 = tpu.vector_load %arg10[%get3A_454, %get3A_455] {strides = array<i32>} : memref<104x64xf32, #tpu.memory_space<vmem>>, vector<1x16xf32>,
          %get3A_457 = vector.shape_cast %get3A_456 : vector<1x16xf32> to vector<16xf32>
          %add3A_458 = arith.addf %add3A_436, %get3A_457 : vector<16xf32>
          %get3A_459 = arith.index_cast %scan3A_453 : i32 to index
          %get3A_460 = arith.constant 16 : index
          %get3A_461 = tpu.vector_load %arg10[%get3A_459, %get3A_460] {strides = array<i32>} : memref<104x64xf32, #tpu.memory_space<vmem>>, vector<1x16xf32>,
          %get3A_462 = vector.shape_cast %get3A_461 : vector<1x16xf32> to vector<16xf32>
          %add3A_463 = arith.addf %add3A_441, %get3A_462 : vector<16xf32>
          %get3A_464 = arith.index_cast %scan3A_453 : i32 to index
          %get3A_465 = arith.constant 32 : index
          %get3A_466 = tpu.vector_load %arg10[%get3A_464, %get3A_465] {strides = array<i32>} : memref<104x64xf32, #tpu.memory_space<vmem>>, vector<1x16xf32>,
          %get3A_467 = vector.shape_cast %get3A_466 : vector<1x16xf32> to vector<16xf32>
          %add3A_468 = arith.addf %add3A_446, %get3A_467 : vector<16xf32>
          %get3A_469 = arith.index_cast %scan3A_453 : i32 to index
          %get3A_470 = arith.constant 48 : index
          %get3A_471 = tpu.vector_load %arg10[%get3A_469, %get3A_470] {strides = array<i32>} : memref<104x64xf32, #tpu.memory_space<vmem>>, vector<1x16xf32>,
          %get3A_472 = vector.shape_cast %get3A_471 : vector<1x16xf32> to vector<16xf32>
          %add3A_473 = arith.addf %add3A_451, %get3A_472 : vector<16xf32>
          %scan3A_474 = arith.constant 5 : i32
          %scan3A_475 = arith.addi %scan3A_362, %scan3A_474 : i32
          %get3A_476 = arith.index_cast %scan3A_475 : i32 to index
          %get3A_477 = arith.constant 0 : index
          %get3A_478 = tpu.vector_load %arg10[%get3A_476, %get3A_477] {strides = array<i32>} : memref<104x64xf32, #tpu.memory_space<vmem>>, vector<1x16xf32>,
          %get3A_479 = vector.shape_cast %get3A_478 : vector<1x16xf32> to vector<16xf32>
          %add3A_480 = arith.addf %add3A_458, %get3A_479 : vector<16xf32>
          %get3A_481 = arith.index_cast %scan3A_475 : i32 to index
          %get3A_482 = arith.constant 16 : index
          %get3A_483 = tpu.vector_load %arg10[%get3A_481, %get3A_482] {strides = array<i32>} : memref<104x64xf32, #tpu.memory_space<vmem>>, vector<1x16xf32>,
          %get3A_484 = vector.shape_cast %get3A_483 : vector<1x16xf32> to vector<16xf32>
          %add3A_485 = arith.addf %add3A_463, %get3A_484 : vector<16xf32>
          %get3A_486 = arith.index_cast %scan3A_475 : i32 to index
          %get3A_487 = arith.constant 32 : index
          %get3A_488 = tpu.vector_load %arg10[%get3A_486, %get3A_487] {strides = array<i32>} : memref<104x64xf32, #tpu.memory_space<vmem>>, vector<1x16xf32>,
          %get3A_489 = vector.shape_cast %get3A_488 : vector<1x16xf32> to vector<16xf32>
          %add3A_490 = arith.addf %add3A_468, %get3A_489 : vector<16xf32>
          %get3A_491 = arith.index_cast %scan3A_475 : i32 to index
          %get3A_492 = arith.constant 48 : index
          %get3A_493 = tpu.vector_load %arg10[%get3A_491, %get3A_492] {strides = array<i32>} : memref<104x64xf32, #tpu.memory_space<vmem>>, vector<1x16xf32>,
          %get3A_494 = vector.shape_cast %get3A_493 : vector<1x16xf32> to vector<16xf32>
          %add3A_495 = arith.addf %add3A_473, %get3A_494 : vector<16xf32>
          %scan3A_496 = arith.constant 6 : i32
          %scan3A_497 = arith.addi %scan3A_362, %scan3A_496 : i32
          %get3A_498 = arith.index_cast %scan3A_497 : i32 to index
          %get3A_499 = arith.constant 0 : index
          %get3A_500 = tpu.vector_load %arg10[%get3A_498, %get3A_499] {strides = array<i32>} : memref<104x64xf32, #tpu.memory_space<vmem>>, vector<1x16xf32>,
          %get3A_501 = vector.shape_cast %get3A_500 : vector<1x16xf32> to vector<16xf32>
          %add3A_502 = arith.addf %add3A_480, %get3A_501 : vector<16xf32>
          %get3A_503 = arith.index_cast %scan3A_497 : i32 to index
          %get3A_504 = arith.constant 16 : index
          %get3A_505 = tpu.vector_load %arg10[%get3A_503, %get3A_504] {strides = array<i32>} : memref<104x64xf32, #tpu.memory_space<vmem>>, vector<1x16xf32>,
          %get3A_506 = vector.shape_cast %get3A_505 : vector<1x16xf32> to vector<16xf32>
          %add3A_507 = arith.addf %add3A_485, %get3A_506 : vector<16xf32>
          %get3A_508 = arith.index_cast %scan3A_497 : i32 to index
          %get3A_509 = arith.constant 32 : index
          %get3A_510 = tpu.vector_load %arg10[%get3A_508, %get3A_509] {strides = array<i32>} : memref<104x64xf32, #tpu.memory_space<vmem>>, vector<1x16xf32>,
          %get3A_511 = vector.shape_cast %get3A_510 : vector<1x16xf32> to vector<16xf32>
          %add3A_512 = arith.addf %add3A_490, %get3A_511 : vector<16xf32>
          %get3A_513 = arith.index_cast %scan3A_497 : i32 to index
          %get3A_514 = arith.constant 48 : index
          %get3A_515 = tpu.vector_load %arg10[%get3A_513, %get3A_514] {strides = array<i32>} : memref<104x64xf32, #tpu.memory_space<vmem>>, vector<1x16xf32>,
          %get3A_516 = vector.shape_cast %get3A_515 : vector<1x16xf32> to vector<16xf32>
          %add3A_517 = arith.addf %add3A_495, %get3A_516 : vector<16xf32>
          %scan3A_518 = arith.constant 7 : i32
          %scan3A_519 = arith.addi %scan3A_362, %scan3A_518 : i32
          %get3A_520 = arith.index_cast %scan3A_519 : i32 to index
          %get3A_521 = arith.constant 0 : index
          %get3A_522 = tpu.vector_load %arg10[%get3A_520, %get3A_521] {strides = array<i32>} : memref<104x64xf32, #tpu.memory_space<vmem>>, vector<1x16xf32>,
          %get3A_523 = vector.shape_cast %get3A_522 : vector<1x16xf32> to vector<16xf32>
          %add3A_524 = arith.addf %add3A_502, %get3A_523 : vector<16xf32>
          %get3A_525 = arith.index_cast %scan3A_519 : i32 to index
          %get3A_526 = arith.constant 16 : index
          %get3A_527 = tpu.vector_load %arg10[%get3A_525, %get3A_526] {strides = array<i32>} : memref<104x64xf32, #tpu.memory_space<vmem>>, vector<1x16xf32>,
          %get3A_528 = vector.shape_cast %get3A_527 : vector<1x16xf32> to vector<16xf32>
          %add3A_529 = arith.addf %add3A_507, %get3A_528 : vector<16xf32>
          %get3A_530 = arith.index_cast %scan3A_519 : i32 to index
          %get3A_531 = arith.constant 32 : index
          %get3A_532 = tpu.vector_load %arg10[%get3A_530, %get3A_531] {strides = array<i32>} : memref<104x64xf32, #tpu.memory_space<vmem>>, vector<1x16xf32>,
          %get3A_533 = vector.shape_cast %get3A_532 : vector<1x16xf32> to vector<16xf32>
          %add3A_534 = arith.addf %add3A_512, %get3A_533 : vector<16xf32>
          %get3A_535 = arith.index_cast %scan3A_519 : i32 to index
          %get3A_536 = arith.constant 48 : index
          %get3A_537 = tpu.vector_load %arg10[%get3A_535, %get3A_536] {strides = array<i32>} : memref<104x64xf32, #tpu.memory_space<vmem>>, vector<1x16xf32>,
          %get3A_538 = vector.shape_cast %get3A_537 : vector<1x16xf32> to vector<16xf32>
          %add3A_539 = arith.addf %add3A_517, %get3A_538 : vector<16xf32>
          scf.yield %add3A_524, %add3A_529, %add3A_534, %add3A_539 : vector<16xf32>, vector<16xf32>, vector<16xf32>, vector<16xf32>
        }
        %scan3A_185 = arith.constant 104 : i32
        %add3A_186 = arith.addf %scan3A_162#0, %scan3A_184#0 : vector<16xf32>
        %swap3A_187 = arith.index_cast %add3A_148 : i32 to index
        %swap3A_188 = arith.constant 0 : index
        %swap3A_189 = tpu.vector_load %arg15[%swap3A_187, %swap3A_188] {strides = array<i32>} : memref<256x64xf32, #tpu.memory_space<vmem>>, vector<1x16xf32>,
        %swap3A_190 = vector.shape_cast %swap3A_189 : vector<1x16xf32> to vector<16xf32>
        %swap3A_191 = vector.shape_cast %add3A_186 : vector<16xf32> to vector<1x16xf32>
        tpu.vector_store %arg15[%swap3A_187, %swap3A_188], %swap3A_191 {strides = array<i32>} : memref<256x64xf32, #tpu.memory_space<vmem>>, vector<1x16xf32>,
        %add3A_192 = arith.addf %scan3A_162#1, %scan3A_184#1 : vector<16xf32>
        %swap3A_193 = arith.index_cast %add3A_148 : i32 to index
        %swap3A_194 = arith.constant 16 : index
        %swap3A_195 = tpu.vector_load %arg15[%swap3A_193, %swap3A_194] {strides = array<i32>} : memref<256x64xf32, #tpu.memory_space<vmem>>, vector<1x16xf32>,
        %swap3A_196 = vector.shape_cast %swap3A_195 : vector<1x16xf32> to vector<16xf32>
        %swap3A_197 = vector.shape_cast %add3A_192 : vector<16xf32> to vector<1x16xf32>
        tpu.vector_store %arg15[%swap3A_193, %swap3A_194], %swap3A_197 {strides = array<i32>} : memref<256x64xf32, #tpu.memory_space<vmem>>, vector<1x16xf32>,
        %add3A_198 = arith.addf %scan3A_162#2, %scan3A_184#2 : vector<16xf32>
        %swap3A_199 = arith.index_cast %add3A_148 : i32 to index
        %swap3A_200 = arith.constant 32 : index
        %swap3A_201 = tpu.vector_load %arg15[%swap3A_199, %swap3A_200] {strides = array<i32>} : memref<256x64xf32, #tpu.memory_space<vmem>>, vector<1x16xf32>,
        %swap3A_202 = vector.shape_cast %swap3A_201 : vector<1x16xf32> to vector<16xf32>
        %swap3A_203 = vector.shape_cast %add3A_198 : vector<16xf32> to vector<1x16xf32>
        tpu.vector_store %arg15[%swap3A_199, %swap3A_200], %swap3A_203 {strides = array<i32>} : memref<256x64xf32, #tpu.memory_space<vmem>>, vector<1x16xf32>,
        %add3A_204 = arith.addf %scan3A_162#3, %scan3A_184#3 : vector<16xf32>
        %swap3A_205 = arith.index_cast %add3A_148 : i32 to index
        %swap3A_206 = arith.constant 48 : index
        %swap3A_207 = tpu.vector_load %arg15[%swap3A_205, %swap3A_206] {strides = array<i32>} : memref<256x64xf32, #tpu.memory_space<vmem>>, vector<1x16xf32>,
        %swap3A_208 = vector.shape_cast %swap3A_207 : vector<1x16xf32> to vector<16xf32>
        %swap3A_209 = vector.shape_cast %add3A_204 : vector<16xf32> to vector<1x16xf32>
        tpu.vector_store %arg15[%swap3A_205, %swap3A_206], %swap3A_209 {strides = array<i32>} : memref<256x64xf32, #tpu.memory_space<vmem>>, vector<1x16xf32>,
        %add3A_210 = arith.constant 4 : i32
        %add3A_211 = arith.addi %add3A_148, %add3A_210 : i32
        %lt3A_212 = arith.constant 256 : i32
        %lt3A_213 = arith.cmpi slt, %add3A_211, %lt3A_212 : i32
        %convert_element_type3A_214 = arith.extui %lt3A_213 : i1 to i32
        %cond3A_215 = arith.constant 0 : i32
        %cond3A_216 = arith.cmpi ne, %convert_element_type3A_214, %cond3A_215 : i32
        scf.if %cond3A_216 {
          %add3A_362 = arith.constant 4 : i32
          %add3A_363 = arith.addi %add3A_148, %add3A_362 : i32
          %dma_start3A_364 = arith.constant 0 : i32
          %dma_start3A_365 = tpu.memref_slice %arg6[%add3A_363, %dma_start3A_364] : memref<256x104xi32, #tpu.memory_space<vmem>> -> memref<1x104xi32, #tpu.memory_space<vmem>>
          %dma_start3A_366 = tpu.memref_squeeze %dma_start3A_365 : memref<1x104xi32, #tpu.memory_space<vmem>> -> memref<104xi32, #tpu.memory_space<vmem>>
          %dma_start3A_367 = arith.constant 0 : i32
          %dma_start3A_368 = arith.constant 0 : i32
          %dma_start3A_369 = tpu.memref_slice %arg3[%dma_start3A_367, %dma_start3A_368] : memref<1000000x64xf32, #tpu.memory_space<hbm>> -> memref<1000000x64xf32, #tpu.memory_space<hbm>>
          tpu.enqueue_indirect_dma source(%dma_start3A_369 : memref<1000000x64xf32, #tpu.memory_space<hbm>>) target(%arg10 : memref<104x64xf32, #tpu.memory_space<vmem>>) offsets(%dma_start3A_366 : memref<104xi32, #tpu.memory_space<vmem>>) semaphore(%arg19 : memref<!tpu.dma_semaphore, #tpu.memory_space<semaphore_mem>>)
        } else {
        }
        %mul3A_217 = arith.constant 4 : i32
        %mul3A_218 = arith.muli %mul3A_217, %scan3A_77 : i32
        %add3A_219 = arith.constant 2 : i32
        %add3A_220 = arith.addi %mul3A_218, %add3A_219 : i32
        %dma_wait3A_221 = arith.constant 0 : i32
        %dma_wait3A_222 = arith.constant 0 : i32
        %dma_wait3A_223 = tpu.memref_slice %arg5[%dma_wait3A_221, %dma_wait3A_222] : memref<256x96xi32, #tpu.memory_space<vmem>> -> memref<1x96xi32, #tpu.memory_space<vmem>>
        %dma_wait3A_224 = tpu.memref_squeeze %dma_wait3A_223 : memref<1x96xi32, #tpu.memory_space<vmem>> -> memref<96xi32, #tpu.memory_space<vmem>>
        %dma_wait3A_225 = arith.constant 0 : i32
        %dma_wait3A_226 = arith.constant 0 : i32
        %dma_wait3A_227 = tpu.memref_slice %arg3[%dma_wait3A_225, %dma_wait3A_226] : memref<1000000x64xf32, #tpu.memory_space<hbm>> -> memref<1000000x64xf32, #tpu.memory_space<hbm>>
        tpu.wait_indirect_dma semaphore(%arg20 : memref<!tpu.dma_semaphore, #tpu.memory_space<semaphore_mem>>) src(%dma_wait3A_227 : memref<1000000x64xf32, #tpu.memory_space<hbm>>) dst(%arg11 : memref<96x64xf32, #tpu.memory_space<vmem>>)
        %broadcast_in_dim3A_228 = arith.constant 0.000000e+00 : f32
        %broadcast_in_dim3A_229 = vector.broadcast %broadcast_in_dim3A_228 : f32 to vector<16xf32>
        %scan3A_230 = arith.constant 0 : i32
        %scan3A_231 = arith.constant 96 : i32
        %scan3A_232 = arith.addi %scan3A_230, %scan3A_231 : i32
        %scan3A_233 = arith.constant 8 : i32
        %scan3A_234:4 = scf.for %scan3A_362 = %scan3A_230 to %scan3A_232 step %scan3A_233 iter_args(%scan3A_363 = %broadcast_in_dim3A_229, %scan3A_364 = %broadcast_in_dim3A_229, %scan3A_365 = %broadcast_in_dim3A_229, %scan3A_366 = %broadcast_in_dim3A_229) -> (vector<16xf32>, vector<16xf32>, vector<16xf32>, vector<16xf32>)  : i32 {
          %get3A = arith.index_cast %scan3A_362 : i32 to index
          %get3A_367 = arith.constant 0 : index
          %get3A_368 = tpu.vector_load %arg11[%get3A, %get3A_367] {strides = array<i32>} : memref<96x64xf32, #tpu.memory_space<vmem>>, vector<1x16xf32>,
          %get3A_369 = vector.shape_cast %get3A_368 : vector<1x16xf32> to vector<16xf32>
          %add3A_370 = arith.addf %scan3A_363, %get3A_369 : vector<16xf32>
          %get3A_371 = arith.index_cast %scan3A_362 : i32 to index
          %get3A_372 = arith.constant 16 : index
          %get3A_373 = tpu.vector_load %arg11[%get3A_371, %get3A_372] {strides = array<i32>} : memref<96x64xf32, #tpu.memory_space<vmem>>, vector<1x16xf32>,
          %get3A_374 = vector.shape_cast %get3A_373 : vector<1x16xf32> to vector<16xf32>
          %add3A_375 = arith.addf %scan3A_364, %get3A_374 : vector<16xf32>
          %get3A_376 = arith.index_cast %scan3A_362 : i32 to index
          %get3A_377 = arith.constant 32 : index
          %get3A_378 = tpu.vector_load %arg11[%get3A_376, %get3A_377] {strides = array<i32>} : memref<96x64xf32, #tpu.memory_space<vmem>>, vector<1x16xf32>,
          %get3A_379 = vector.shape_cast %get3A_378 : vector<1x16xf32> to vector<16xf32>
          %add3A_380 = arith.addf %scan3A_365, %get3A_379 : vector<16xf32>
          %get3A_381 = arith.index_cast %scan3A_362 : i32 to index
          %get3A_382 = arith.constant 48 : index
          %get3A_383 = tpu.vector_load %arg11[%get3A_381, %get3A_382] {strides = array<i32>} : memref<96x64xf32, #tpu.memory_space<vmem>>, vector<1x16xf32>,
          %get3A_384 = vector.shape_cast %get3A_383 : vector<1x16xf32> to vector<16xf32>
          %add3A_385 = arith.addf %scan3A_366, %get3A_384 : vector<16xf32>
          %scan3A_386 = arith.constant 1 : i32
          %scan3A_387 = arith.addi %scan3A_362, %scan3A_386 : i32
          %get3A_388 = arith.index_cast %scan3A_387 : i32 to index
          %get3A_389 = arith.constant 0 : index
          %get3A_390 = tpu.vector_load %arg11[%get3A_388, %get3A_389] {strides = array<i32>} : memref<96x64xf32, #tpu.memory_space<vmem>>, vector<1x16xf32>,
          %get3A_391 = vector.shape_cast %get3A_390 : vector<1x16xf32> to vector<16xf32>
          %add3A_392 = arith.addf %add3A_370, %get3A_391 : vector<16xf32>
          %get3A_393 = arith.index_cast %scan3A_387 : i32 to index
          %get3A_394 = arith.constant 16 : index
          %get3A_395 = tpu.vector_load %arg11[%get3A_393, %get3A_394] {strides = array<i32>} : memref<96x64xf32, #tpu.memory_space<vmem>>, vector<1x16xf32>,
          %get3A_396 = vector.shape_cast %get3A_395 : vector<1x16xf32> to vector<16xf32>
          %add3A_397 = arith.addf %add3A_375, %get3A_396 : vector<16xf32>
          %get3A_398 = arith.index_cast %scan3A_387 : i32 to index
          %get3A_399 = arith.constant 32 : index
          %get3A_400 = tpu.vector_load %arg11[%get3A_398, %get3A_399] {strides = array<i32>} : memref<96x64xf32, #tpu.memory_space<vmem>>, vector<1x16xf32>,
          %get3A_401 = vector.shape_cast %get3A_400 : vector<1x16xf32> to vector<16xf32>
          %add3A_402 = arith.addf %add3A_380, %get3A_401 : vector<16xf32>
          %get3A_403 = arith.index_cast %scan3A_387 : i32 to index
          %get3A_404 = arith.constant 48 : index
          %get3A_405 = tpu.vector_load %arg11[%get3A_403, %get3A_404] {strides = array<i32>} : memref<96x64xf32, #tpu.memory_space<vmem>>, vector<1x16xf32>,
          %get3A_406 = vector.shape_cast %get3A_405 : vector<1x16xf32> to vector<16xf32>
          %add3A_407 = arith.addf %add3A_385, %get3A_406 : vector<16xf32>
          %scan3A_408 = arith.constant 2 : i32
          %scan3A_409 = arith.addi %scan3A_362, %scan3A_408 : i32
          %get3A_410 = arith.index_cast %scan3A_409 : i32 to index
          %get3A_411 = arith.constant 0 : index
          %get3A_412 = tpu.vector_load %arg11[%get3A_410, %get3A_411] {strides = array<i32>} : memref<96x64xf32, #tpu.memory_space<vmem>>, vector<1x16xf32>,
          %get3A_413 = vector.shape_cast %get3A_412 : vector<1x16xf32> to vector<16xf32>
          %add3A_414 = arith.addf %add3A_392, %get3A_413 : vector<16xf32>
          %get3A_415 = arith.index_cast %scan3A_409 : i32 to index
          %get3A_416 = arith.constant 16 : index
          %get3A_417 = tpu.vector_load %arg11[%get3A_415, %get3A_416] {strides = array<i32>} : memref<96x64xf32, #tpu.memory_space<vmem>>, vector<1x16xf32>,
          %get3A_418 = vector.shape_cast %get3A_417 : vector<1x16xf32> to vector<16xf32>
          %add3A_419 = arith.addf %add3A_397, %get3A_418 : vector<16xf32>
          %get3A_420 = arith.index_cast %scan3A_409 : i32 to index
          %get3A_421 = arith.constant 32 : index
          %get3A_422 = tpu.vector_load %arg11[%get3A_420, %get3A_421] {strides = array<i32>} : memref<96x64xf32, #tpu.memory_space<vmem>>, vector<1x16xf32>,
          %get3A_423 = vector.shape_cast %get3A_422 : vector<1x16xf32> to vector<16xf32>
          %add3A_424 = arith.addf %add3A_402, %get3A_423 : vector<16xf32>
          %get3A_425 = arith.index_cast %scan3A_409 : i32 to index
          %get3A_426 = arith.constant 48 : index
          %get3A_427 = tpu.vector_load %arg11[%get3A_425, %get3A_426] {strides = array<i32>} : memref<96x64xf32, #tpu.memory_space<vmem>>, vector<1x16xf32>,
          %get3A_428 = vector.shape_cast %get3A_427 : vector<1x16xf32> to vector<16xf32>
          %add3A_429 = arith.addf %add3A_407, %get3A_428 : vector<16xf32>
          %scan3A_430 = arith.constant 3 : i32
          %scan3A_431 = arith.addi %scan3A_362, %scan3A_430 : i32
          %get3A_432 = arith.index_cast %scan3A_431 : i32 to index
          %get3A_433 = arith.constant 0 : index
          %get3A_434 = tpu.vector_load %arg11[%get3A_432, %get3A_433] {strides = array<i32>} : memref<96x64xf32, #tpu.memory_space<vmem>>, vector<1x16xf32>,
          %get3A_435 = vector.shape_cast %get3A_434 : vector<1x16xf32> to vector<16xf32>
          %add3A_436 = arith.addf %add3A_414, %get3A_435 : vector<16xf32>
          %get3A_437 = arith.index_cast %scan3A_431 : i32 to index
          %get3A_438 = arith.constant 16 : index
          %get3A_439 = tpu.vector_load %arg11[%get3A_437, %get3A_438] {strides = array<i32>} : memref<96x64xf32, #tpu.memory_space<vmem>>, vector<1x16xf32>,
          %get3A_440 = vector.shape_cast %get3A_439 : vector<1x16xf32> to vector<16xf32>
          %add3A_441 = arith.addf %add3A_419, %get3A_440 : vector<16xf32>
          %get3A_442 = arith.index_cast %scan3A_431 : i32 to index
          %get3A_443 = arith.constant 32 : index
          %get3A_444 = tpu.vector_load %arg11[%get3A_442, %get3A_443] {strides = array<i32>} : memref<96x64xf32, #tpu.memory_space<vmem>>, vector<1x16xf32>,
          %get3A_445 = vector.shape_cast %get3A_444 : vector<1x16xf32> to vector<16xf32>
          %add3A_446 = arith.addf %add3A_424, %get3A_445 : vector<16xf32>
          %get3A_447 = arith.index_cast %scan3A_431 : i32 to index
          %get3A_448 = arith.constant 48 : index
          %get3A_449 = tpu.vector_load %arg11[%get3A_447, %get3A_448] {strides = array<i32>} : memref<96x64xf32, #tpu.memory_space<vmem>>, vector<1x16xf32>,
          %get3A_450 = vector.shape_cast %get3A_449 : vector<1x16xf32> to vector<16xf32>
          %add3A_451 = arith.addf %add3A_429, %get3A_450 : vector<16xf32>
          %scan3A_452 = arith.constant 4 : i32
          %scan3A_453 = arith.addi %scan3A_362, %scan3A_452 : i32
          %get3A_454 = arith.index_cast %scan3A_453 : i32 to index
          %get3A_455 = arith.constant 0 : index
          %get3A_456 = tpu.vector_load %arg11[%get3A_454, %get3A_455] {strides = array<i32>} : memref<96x64xf32, #tpu.memory_space<vmem>>, vector<1x16xf32>,
          %get3A_457 = vector.shape_cast %get3A_456 : vector<1x16xf32> to vector<16xf32>
          %add3A_458 = arith.addf %add3A_436, %get3A_457 : vector<16xf32>
          %get3A_459 = arith.index_cast %scan3A_453 : i32 to index
          %get3A_460 = arith.constant 16 : index
          %get3A_461 = tpu.vector_load %arg11[%get3A_459, %get3A_460] {strides = array<i32>} : memref<96x64xf32, #tpu.memory_space<vmem>>, vector<1x16xf32>,
          %get3A_462 = vector.shape_cast %get3A_461 : vector<1x16xf32> to vector<16xf32>
          %add3A_463 = arith.addf %add3A_441, %get3A_462 : vector<16xf32>
          %get3A_464 = arith.index_cast %scan3A_453 : i32 to index
          %get3A_465 = arith.constant 32 : index
          %get3A_466 = tpu.vector_load %arg11[%get3A_464, %get3A_465] {strides = array<i32>} : memref<96x64xf32, #tpu.memory_space<vmem>>, vector<1x16xf32>,
          %get3A_467 = vector.shape_cast %get3A_466 : vector<1x16xf32> to vector<16xf32>
          %add3A_468 = arith.addf %add3A_446, %get3A_467 : vector<16xf32>
          %get3A_469 = arith.index_cast %scan3A_453 : i32 to index
          %get3A_470 = arith.constant 48 : index
          %get3A_471 = tpu.vector_load %arg11[%get3A_469, %get3A_470] {strides = array<i32>} : memref<96x64xf32, #tpu.memory_space<vmem>>, vector<1x16xf32>,
          %get3A_472 = vector.shape_cast %get3A_471 : vector<1x16xf32> to vector<16xf32>
          %add3A_473 = arith.addf %add3A_451, %get3A_472 : vector<16xf32>
          %scan3A_474 = arith.constant 5 : i32
          %scan3A_475 = arith.addi %scan3A_362, %scan3A_474 : i32
          %get3A_476 = arith.index_cast %scan3A_475 : i32 to index
          %get3A_477 = arith.constant 0 : index
          %get3A_478 = tpu.vector_load %arg11[%get3A_476, %get3A_477] {strides = array<i32>} : memref<96x64xf32, #tpu.memory_space<vmem>>, vector<1x16xf32>,
          %get3A_479 = vector.shape_cast %get3A_478 : vector<1x16xf32> to vector<16xf32>
          %add3A_480 = arith.addf %add3A_458, %get3A_479 : vector<16xf32>
          %get3A_481 = arith.index_cast %scan3A_475 : i32 to index
          %get3A_482 = arith.constant 16 : index
          %get3A_483 = tpu.vector_load %arg11[%get3A_481, %get3A_482] {strides = array<i32>} : memref<96x64xf32, #tpu.memory_space<vmem>>, vector<1x16xf32>,
          %get3A_484 = vector.shape_cast %get3A_483 : vector<1x16xf32> to vector<16xf32>
          %add3A_485 = arith.addf %add3A_463, %get3A_484 : vector<16xf32>
          %get3A_486 = arith.index_cast %scan3A_475 : i32 to index
          %get3A_487 = arith.constant 32 : index
          %get3A_488 = tpu.vector_load %arg11[%get3A_486, %get3A_487] {strides = array<i32>} : memref<96x64xf32, #tpu.memory_space<vmem>>, vector<1x16xf32>,
          %get3A_489 = vector.shape_cast %get3A_488 : vector<1x16xf32> to vector<16xf32>
          %add3A_490 = arith.addf %add3A_468, %get3A_489 : vector<16xf32>
          %get3A_491 = arith.index_cast %scan3A_475 : i32 to index
          %get3A_492 = arith.constant 48 : index
          %get3A_493 = tpu.vector_load %arg11[%get3A_491, %get3A_492] {strides = array<i32>} : memref<96x64xf32, #tpu.memory_space<vmem>>, vector<1x16xf32>,
          %get3A_494 = vector.shape_cast %get3A_493 : vector<1x16xf32> to vector<16xf32>
          %add3A_495 = arith.addf %add3A_473, %get3A_494 : vector<16xf32>
          %scan3A_496 = arith.constant 6 : i32
          %scan3A_497 = arith.addi %scan3A_362, %scan3A_496 : i32
          %get3A_498 = arith.index_cast %scan3A_497 : i32 to index
          %get3A_499 = arith.constant 0 : index
          %get3A_500 = tpu.vector_load %arg11[%get3A_498, %get3A_499] {strides = array<i32>} : memref<96x64xf32, #tpu.memory_space<vmem>>, vector<1x16xf32>,
          %get3A_501 = vector.shape_cast %get3A_500 : vector<1x16xf32> to vector<16xf32>
          %add3A_502 = arith.addf %add3A_480, %get3A_501 : vector<16xf32>
          %get3A_503 = arith.index_cast %scan3A_497 : i32 to index
          %get3A_504 = arith.constant 16 : index
          %get3A_505 = tpu.vector_load %arg11[%get3A_503, %get3A_504] {strides = array<i32>} : memref<96x64xf32, #tpu.memory_space<vmem>>, vector<1x16xf32>,
          %get3A_506 = vector.shape_cast %get3A_505 : vector<1x16xf32> to vector<16xf32>
          %add3A_507 = arith.addf %add3A_485, %get3A_506 : vector<16xf32>
          %get3A_508 = arith.index_cast %scan3A_497 : i32 to index
          %get3A_509 = arith.constant 32 : index
          %get3A_510 = tpu.vector_load %arg11[%get3A_508, %get3A_509] {strides = array<i32>} : memref<96x64xf32, #tpu.memory_space<vmem>>, vector<1x16xf32>,
          %get3A_511 = vector.shape_cast %get3A_510 : vector<1x16xf32> to vector<16xf32>
          %add3A_512 = arith.addf %add3A_490, %get3A_511 : vector<16xf32>
          %get3A_513 = arith.index_cast %scan3A_497 : i32 to index
          %get3A_514 = arith.constant 48 : index
          %get3A_515 = tpu.vector_load %arg11[%get3A_513, %get3A_514] {strides = array<i32>} : memref<96x64xf32, #tpu.memory_space<vmem>>, vector<1x16xf32>,
          %get3A_516 = vector.shape_cast %get3A_515 : vector<1x16xf32> to vector<16xf32>
          %add3A_517 = arith.addf %add3A_495, %get3A_516 : vector<16xf32>
          %scan3A_518 = arith.constant 7 : i32
          %scan3A_519 = arith.addi %scan3A_362, %scan3A_518 : i32
          %get3A_520 = arith.index_cast %scan3A_519 : i32 to index
          %get3A_521 = arith.constant 0 : index
          %get3A_522 = tpu.vector_load %arg11[%get3A_520, %get3A_521] {strides = array<i32>} : memref<96x64xf32, #tpu.memory_space<vmem>>, vector<1x16xf32>,
          %get3A_523 = vector.shape_cast %get3A_522 : vector<1x16xf32> to vector<16xf32>
          %add3A_524 = arith.addf %add3A_502, %get3A_523 : vector<16xf32>
          %get3A_525 = arith.index_cast %scan3A_519 : i32 to index
          %get3A_526 = arith.constant 16 : index
          %get3A_527 = tpu.vector_load %arg11[%get3A_525, %get3A_526] {strides = array<i32>} : memref<96x64xf32, #tpu.memory_space<vmem>>, vector<1x16xf32>,
          %get3A_528 = vector.shape_cast %get3A_527 : vector<1x16xf32> to vector<16xf32>
          %add3A_529 = arith.addf %add3A_507, %get3A_528 : vector<16xf32>
          %get3A_530 = arith.index_cast %scan3A_519 : i32 to index
          %get3A_531 = arith.constant 32 : index
          %get3A_532 = tpu.vector_load %arg11[%get3A_530, %get3A_531] {strides = array<i32>} : memref<96x64xf32, #tpu.memory_space<vmem>>, vector<1x16xf32>,
          %get3A_533 = vector.shape_cast %get3A_532 : vector<1x16xf32> to vector<16xf32>
          %add3A_534 = arith.addf %add3A_512, %get3A_533 : vector<16xf32>
          %get3A_535 = arith.index_cast %scan3A_519 : i32 to index
          %get3A_536 = arith.constant 48 : index
          %get3A_537 = tpu.vector_load %arg11[%get3A_535, %get3A_536] {strides = array<i32>} : memref<96x64xf32, #tpu.memory_space<vmem>>, vector<1x16xf32>,
          %get3A_538 = vector.shape_cast %get3A_537 : vector<1x16xf32> to vector<16xf32>
          %add3A_539 = arith.addf %add3A_517, %get3A_538 : vector<16xf32>
          scf.yield %add3A_524, %add3A_529, %add3A_534, %add3A_539 : vector<16xf32>, vector<16xf32>, vector<16xf32>, vector<16xf32>
        }
        %scan3A_235 = arith.constant 96 : i32
        %add3A_236 = arith.constant 4 : i32
        %add3A_237 = arith.addi %add3A_220, %add3A_236 : i32
        %lt3A_238 = arith.constant 256 : i32
        %lt3A_239 = arith.cmpi slt, %add3A_237, %lt3A_238 : i32
        %convert_element_type3A_240 = arith.extui %lt3A_239 : i1 to i32
        %cond3A_241 = arith.constant 0 : i32
        %cond3A_242 = arith.cmpi ne, %convert_element_type3A_240, %cond3A_241 : i32
        scf.if %cond3A_242 {
          %add3A_362 = arith.constant 4 : i32
          %add3A_363 = arith.addi %add3A_220, %add3A_362 : i32
          %dma_start3A_364 = arith.constant 0 : i32
          %dma_start3A_365 = tpu.memref_slice %arg5[%add3A_363, %dma_start3A_364] : memref<256x96xi32, #tpu.memory_space<vmem>> -> memref<1x96xi32, #tpu.memory_space<vmem>>
          %dma_start3A_366 = tpu.memref_squeeze %dma_start3A_365 : memref<1x96xi32, #tpu.memory_space<vmem>> -> memref<96xi32, #tpu.memory_space<vmem>>
          %dma_start3A_367 = arith.constant 0 : i32
          %dma_start3A_368 = arith.constant 0 : i32
          %dma_start3A_369 = tpu.memref_slice %arg3[%dma_start3A_367, %dma_start3A_368] : memref<1000000x64xf32, #tpu.memory_space<hbm>> -> memref<1000000x64xf32, #tpu.memory_space<hbm>>
          tpu.enqueue_indirect_dma source(%dma_start3A_369 : memref<1000000x64xf32, #tpu.memory_space<hbm>>) target(%arg11 : memref<96x64xf32, #tpu.memory_space<vmem>>) offsets(%dma_start3A_366 : memref<96xi32, #tpu.memory_space<vmem>>) semaphore(%arg20 : memref<!tpu.dma_semaphore, #tpu.memory_space<semaphore_mem>>)
        } else {
        }
        %dma_wait3A_243 = arith.constant 0 : i32
        %dma_wait3A_244 = arith.constant 0 : i32
        %dma_wait3A_245 = tpu.memref_slice %arg6[%dma_wait3A_243, %dma_wait3A_244] : memref<256x104xi32, #tpu.memory_space<vmem>> -> memref<1x104xi32, #tpu.memory_space<vmem>>
        %dma_wait3A_246 = tpu.memref_squeeze %dma_wait3A_245 : memref<1x104xi32, #tpu.memory_space<vmem>> -> memref<104xi32, #tpu.memory_space<vmem>>
        %dma_wait3A_247 = arith.constant 0 : i32
        %dma_wait3A_248 = arith.constant 0 : i32
        %dma_wait3A_249 = tpu.memref_slice %arg3[%dma_wait3A_247, %dma_wait3A_248] : memref<1000000x64xf32, #tpu.memory_space<hbm>> -> memref<1000000x64xf32, #tpu.memory_space<hbm>>
        tpu.wait_indirect_dma semaphore(%arg21 : memref<!tpu.dma_semaphore, #tpu.memory_space<semaphore_mem>>) src(%dma_wait3A_249 : memref<1000000x64xf32, #tpu.memory_space<hbm>>) dst(%arg12 : memref<104x64xf32, #tpu.memory_space<vmem>>)
        %broadcast_in_dim3A_250 = arith.constant 0.000000e+00 : f32
        %broadcast_in_dim3A_251 = vector.broadcast %broadcast_in_dim3A_250 : f32 to vector<16xf32>
        %scan3A_252 = arith.constant 0 : i32
        %scan3A_253 = arith.constant 104 : i32
        %scan3A_254 = arith.addi %scan3A_252, %scan3A_253 : i32
        %scan3A_255 = arith.constant 8 : i32
        %scan3A_256:4 = scf.for %scan3A_362 = %scan3A_252 to %scan3A_254 step %scan3A_255 iter_args(%scan3A_363 = %broadcast_in_dim3A_251, %scan3A_364 = %broadcast_in_dim3A_251, %scan3A_365 = %broadcast_in_dim3A_251, %scan3A_366 = %broadcast_in_dim3A_251) -> (vector<16xf32>, vector<16xf32>, vector<16xf32>, vector<16xf32>)  : i32 {
          %get3A = arith.index_cast %scan3A_362 : i32 to index
          %get3A_367 = arith.constant 0 : index
          %get3A_368 = tpu.vector_load %arg12[%get3A, %get3A_367] {strides = array<i32>} : memref<104x64xf32, #tpu.memory_space<vmem>>, vector<1x16xf32>,
          %get3A_369 = vector.shape_cast %get3A_368 : vector<1x16xf32> to vector<16xf32>
          %add3A_370 = arith.addf %scan3A_363, %get3A_369 : vector<16xf32>
          %get3A_371 = arith.index_cast %scan3A_362 : i32 to index
          %get3A_372 = arith.constant 16 : index
          %get3A_373 = tpu.vector_load %arg12[%get3A_371, %get3A_372] {strides = array<i32>} : memref<104x64xf32, #tpu.memory_space<vmem>>, vector<1x16xf32>,
          %get3A_374 = vector.shape_cast %get3A_373 : vector<1x16xf32> to vector<16xf32>
          %add3A_375 = arith.addf %scan3A_364, %get3A_374 : vector<16xf32>
          %get3A_376 = arith.index_cast %scan3A_362 : i32 to index
          %get3A_377 = arith.constant 32 : index
          %get3A_378 = tpu.vector_load %arg12[%get3A_376, %get3A_377] {strides = array<i32>} : memref<104x64xf32, #tpu.memory_space<vmem>>, vector<1x16xf32>,
          %get3A_379 = vector.shape_cast %get3A_378 : vector<1x16xf32> to vector<16xf32>
          %add3A_380 = arith.addf %scan3A_365, %get3A_379 : vector<16xf32>
          %get3A_381 = arith.index_cast %scan3A_362 : i32 to index
          %get3A_382 = arith.constant 48 : index
          %get3A_383 = tpu.vector_load %arg12[%get3A_381, %get3A_382] {strides = array<i32>} : memref<104x64xf32, #tpu.memory_space<vmem>>, vector<1x16xf32>,
          %get3A_384 = vector.shape_cast %get3A_383 : vector<1x16xf32> to vector<16xf32>
          %add3A_385 = arith.addf %scan3A_366, %get3A_384 : vector<16xf32>
          %scan3A_386 = arith.constant 1 : i32
          %scan3A_387 = arith.addi %scan3A_362, %scan3A_386 : i32
          %get3A_388 = arith.index_cast %scan3A_387 : i32 to index
          %get3A_389 = arith.constant 0 : index
          %get3A_390 = tpu.vector_load %arg12[%get3A_388, %get3A_389] {strides = array<i32>} : memref<104x64xf32, #tpu.memory_space<vmem>>, vector<1x16xf32>,
          %get3A_391 = vector.shape_cast %get3A_390 : vector<1x16xf32> to vector<16xf32>
          %add3A_392 = arith.addf %add3A_370, %get3A_391 : vector<16xf32>
          %get3A_393 = arith.index_cast %scan3A_387 : i32 to index
          %get3A_394 = arith.constant 16 : index
          %get3A_395 = tpu.vector_load %arg12[%get3A_393, %get3A_394] {strides = array<i32>} : memref<104x64xf32, #tpu.memory_space<vmem>>, vector<1x16xf32>,
          %get3A_396 = vector.shape_cast %get3A_395 : vector<1x16xf32> to vector<16xf32>
          %add3A_397 = arith.addf %add3A_375, %get3A_396 : vector<16xf32>
          %get3A_398 = arith.index_cast %scan3A_387 : i32 to index
          %get3A_399 = arith.constant 32 : index
          %get3A_400 = tpu.vector_load %arg12[%get3A_398, %get3A_399] {strides = array<i32>} : memref<104x64xf32, #tpu.memory_space<vmem>>, vector<1x16xf32>,
          %get3A_401 = vector.shape_cast %get3A_400 : vector<1x16xf32> to vector<16xf32>
          %add3A_402 = arith.addf %add3A_380, %get3A_401 : vector<16xf32>
          %get3A_403 = arith.index_cast %scan3A_387 : i32 to index
          %get3A_404 = arith.constant 48 : index
          %get3A_405 = tpu.vector_load %arg12[%get3A_403, %get3A_404] {strides = array<i32>} : memref<104x64xf32, #tpu.memory_space<vmem>>, vector<1x16xf32>,
          %get3A_406 = vector.shape_cast %get3A_405 : vector<1x16xf32> to vector<16xf32>
          %add3A_407 = arith.addf %add3A_385, %get3A_406 : vector<16xf32>
          %scan3A_408 = arith.constant 2 : i32
          %scan3A_409 = arith.addi %scan3A_362, %scan3A_408 : i32
          %get3A_410 = arith.index_cast %scan3A_409 : i32 to index
          %get3A_411 = arith.constant 0 : index
          %get3A_412 = tpu.vector_load %arg12[%get3A_410, %get3A_411] {strides = array<i32>} : memref<104x64xf32, #tpu.memory_space<vmem>>, vector<1x16xf32>,
          %get3A_413 = vector.shape_cast %get3A_412 : vector<1x16xf32> to vector<16xf32>
          %add3A_414 = arith.addf %add3A_392, %get3A_413 : vector<16xf32>
          %get3A_415 = arith.index_cast %scan3A_409 : i32 to index
          %get3A_416 = arith.constant 16 : index
          %get3A_417 = tpu.vector_load %arg12[%get3A_415, %get3A_416] {strides = array<i32>} : memref<104x64xf32, #tpu.memory_space<vmem>>, vector<1x16xf32>,
          %get3A_418 = vector.shape_cast %get3A_417 : vector<1x16xf32> to vector<16xf32>
          %add3A_419 = arith.addf %add3A_397, %get3A_418 : vector<16xf32>
          %get3A_420 = arith.index_cast %scan3A_409 : i32 to index
          %get3A_421 = arith.constant 32 : index
          %get3A_422 = tpu.vector_load %arg12[%get3A_420, %get3A_421] {strides = array<i32>} : memref<104x64xf32, #tpu.memory_space<vmem>>, vector<1x16xf32>,
          %get3A_423 = vector.shape_cast %get3A_422 : vector<1x16xf32> to vector<16xf32>
          %add3A_424 = arith.addf %add3A_402, %get3A_423 : vector<16xf32>
          %get3A_425 = arith.index_cast %scan3A_409 : i32 to index
          %get3A_426 = arith.constant 48 : index
          %get3A_427 = tpu.vector_load %arg12[%get3A_425, %get3A_426] {strides = array<i32>} : memref<104x64xf32, #tpu.memory_space<vmem>>, vector<1x16xf32>,
          %get3A_428 = vector.shape_cast %get3A_427 : vector<1x16xf32> to vector<16xf32>
          %add3A_429 = arith.addf %add3A_407, %get3A_428 : vector<16xf32>
          %scan3A_430 = arith.constant 3 : i32
          %scan3A_431 = arith.addi %scan3A_362, %scan3A_430 : i32
          %get3A_432 = arith.index_cast %scan3A_431 : i32 to index
          %get3A_433 = arith.constant 0 : index
          %get3A_434 = tpu.vector_load %arg12[%get3A_432, %get3A_433] {strides = array<i32>} : memref<104x64xf32, #tpu.memory_space<vmem>>, vector<1x16xf32>,
          %get3A_435 = vector.shape_cast %get3A_434 : vector<1x16xf32> to vector<16xf32>
          %add3A_436 = arith.addf %add3A_414, %get3A_435 : vector<16xf32>
          %get3A_437 = arith.index_cast %scan3A_431 : i32 to index
          %get3A_438 = arith.constant 16 : index
          %get3A_439 = tpu.vector_load %arg12[%get3A_437, %get3A_438] {strides = array<i32>} : memref<104x64xf32, #tpu.memory_space<vmem>>, vector<1x16xf32>,
          %get3A_440 = vector.shape_cast %get3A_439 : vector<1x16xf32> to vector<16xf32>
          %add3A_441 = arith.addf %add3A_419, %get3A_440 : vector<16xf32>
          %get3A_442 = arith.index_cast %scan3A_431 : i32 to index
          %get3A_443 = arith.constant 32 : index
          %get3A_444 = tpu.vector_load %arg12[%get3A_442, %get3A_443] {strides = array<i32>} : memref<104x64xf32, #tpu.memory_space<vmem>>, vector<1x16xf32>,
          %get3A_445 = vector.shape_cast %get3A_444 : vector<1x16xf32> to vector<16xf32>
          %add3A_446 = arith.addf %add3A_424, %get3A_445 : vector<16xf32>
          %get3A_447 = arith.index_cast %scan3A_431 : i32 to index
          %get3A_448 = arith.constant 48 : index
          %get3A_449 = tpu.vector_load %arg12[%get3A_447, %get3A_448] {strides = array<i32>} : memref<104x64xf32, #tpu.memory_space<vmem>>, vector<1x16xf32>,
          %get3A_450 = vector.shape_cast %get3A_449 : vector<1x16xf32> to vector<16xf32>
          %add3A_451 = arith.addf %add3A_429, %get3A_450 : vector<16xf32>
          %scan3A_452 = arith.constant 4 : i32
          %scan3A_453 = arith.addi %scan3A_362, %scan3A_452 : i32
          %get3A_454 = arith.index_cast %scan3A_453 : i32 to index
          %get3A_455 = arith.constant 0 : index
          %get3A_456 = tpu.vector_load %arg12[%get3A_454, %get3A_455] {strides = array<i32>} : memref<104x64xf32, #tpu.memory_space<vmem>>, vector<1x16xf32>,
          %get3A_457 = vector.shape_cast %get3A_456 : vector<1x16xf32> to vector<16xf32>
          %add3A_458 = arith.addf %add3A_436, %get3A_457 : vector<16xf32>
          %get3A_459 = arith.index_cast %scan3A_453 : i32 to index
          %get3A_460 = arith.constant 16 : index
          %get3A_461 = tpu.vector_load %arg12[%get3A_459, %get3A_460] {strides = array<i32>} : memref<104x64xf32, #tpu.memory_space<vmem>>, vector<1x16xf32>,
          %get3A_462 = vector.shape_cast %get3A_461 : vector<1x16xf32> to vector<16xf32>
          %add3A_463 = arith.addf %add3A_441, %get3A_462 : vector<16xf32>
          %get3A_464 = arith.index_cast %scan3A_453 : i32 to index
          %get3A_465 = arith.constant 32 : index
          %get3A_466 = tpu.vector_load %arg12[%get3A_464, %get3A_465] {strides = array<i32>} : memref<104x64xf32, #tpu.memory_space<vmem>>, vector<1x16xf32>,
          %get3A_467 = vector.shape_cast %get3A_466 : vector<1x16xf32> to vector<16xf32>
          %add3A_468 = arith.addf %add3A_446, %get3A_467 : vector<16xf32>
          %get3A_469 = arith.index_cast %scan3A_453 : i32 to index
          %get3A_470 = arith.constant 48 : index
          %get3A_471 = tpu.vector_load %arg12[%get3A_469, %get3A_470] {strides = array<i32>} : memref<104x64xf32, #tpu.memory_space<vmem>>, vector<1x16xf32>,
          %get3A_472 = vector.shape_cast %get3A_471 : vector<1x16xf32> to vector<16xf32>
          %add3A_473 = arith.addf %add3A_451, %get3A_472 : vector<16xf32>
          %scan3A_474 = arith.constant 5 : i32
          %scan3A_475 = arith.addi %scan3A_362, %scan3A_474 : i32
          %get3A_476 = arith.index_cast %scan3A_475 : i32 to index
          %get3A_477 = arith.constant 0 : index
          %get3A_478 = tpu.vector_load %arg12[%get3A_476, %get3A_477] {strides = array<i32>} : memref<104x64xf32, #tpu.memory_space<vmem>>, vector<1x16xf32>,
          %get3A_479 = vector.shape_cast %get3A_478 : vector<1x16xf32> to vector<16xf32>
          %add3A_480 = arith.addf %add3A_458, %get3A_479 : vector<16xf32>
          %get3A_481 = arith.index_cast %scan3A_475 : i32 to index
          %get3A_482 = arith.constant 16 : index
          %get3A_483 = tpu.vector_load %arg12[%get3A_481, %get3A_482] {strides = array<i32>} : memref<104x64xf32, #tpu.memory_space<vmem>>, vector<1x16xf32>,
          %get3A_484 = vector.shape_cast %get3A_483 : vector<1x16xf32> to vector<16xf32>
          %add3A_485 = arith.addf %add3A_463, %get3A_484 : vector<16xf32>
          %get3A_486 = arith.index_cast %scan3A_475 : i32 to index
          %get3A_487 = arith.constant 32 : index
          %get3A_488 = tpu.vector_load %arg12[%get3A_486, %get3A_487] {strides = array<i32>} : memref<104x64xf32, #tpu.memory_space<vmem>>, vector<1x16xf32>,
          %get3A_489 = vector.shape_cast %get3A_488 : vector<1x16xf32> to vector<16xf32>
          %add3A_490 = arith.addf %add3A_468, %get3A_489 : vector<16xf32>
          %get3A_491 = arith.index_cast %scan3A_475 : i32 to index
          %get3A_492 = arith.constant 48 : index
          %get3A_493 = tpu.vector_load %arg12[%get3A_491, %get3A_492] {strides = array<i32>} : memref<104x64xf32, #tpu.memory_space<vmem>>, vector<1x16xf32>,
          %get3A_494 = vector.shape_cast %get3A_493 : vector<1x16xf32> to vector<16xf32>
          %add3A_495 = arith.addf %add3A_473, %get3A_494 : vector<16xf32>
          %scan3A_496 = arith.constant 6 : i32
          %scan3A_497 = arith.addi %scan3A_362, %scan3A_496 : i32
          %get3A_498 = arith.index_cast %scan3A_497 : i32 to index
          %get3A_499 = arith.constant 0 : index
          %get3A_500 = tpu.vector_load %arg12[%get3A_498, %get3A_499] {strides = array<i32>} : memref<104x64xf32, #tpu.memory_space<vmem>>, vector<1x16xf32>,
          %get3A_501 = vector.shape_cast %get3A_500 : vector<1x16xf32> to vector<16xf32>
          %add3A_502 = arith.addf %add3A_480, %get3A_501 : vector<16xf32>
          %get3A_503 = arith.index_cast %scan3A_497 : i32 to index
          %get3A_504 = arith.constant 16 : index
          %get3A_505 = tpu.vector_load %arg12[%get3A_503, %get3A_504] {strides = array<i32>} : memref<104x64xf32, #tpu.memory_space<vmem>>, vector<1x16xf32>,
          %get3A_506 = vector.shape_cast %get3A_505 : vector<1x16xf32> to vector<16xf32>
          %add3A_507 = arith.addf %add3A_485, %get3A_506 : vector<16xf32>
          %get3A_508 = arith.index_cast %scan3A_497 : i32 to index
          %get3A_509 = arith.constant 32 : index
          %get3A_510 = tpu.vector_load %arg12[%get3A_508, %get3A_509] {strides = array<i32>} : memref<104x64xf32, #tpu.memory_space<vmem>>, vector<1x16xf32>,
          %get3A_511 = vector.shape_cast %get3A_510 : vector<1x16xf32> to vector<16xf32>
          %add3A_512 = arith.addf %add3A_490, %get3A_511 : vector<16xf32>
          %get3A_513 = arith.index_cast %scan3A_497 : i32 to index
          %get3A_514 = arith.constant 48 : index
          %get3A_515 = tpu.vector_load %arg12[%get3A_513, %get3A_514] {strides = array<i32>} : memref<104x64xf32, #tpu.memory_space<vmem>>, vector<1x16xf32>,
          %get3A_516 = vector.shape_cast %get3A_515 : vector<1x16xf32> to vector<16xf32>
          %add3A_517 = arith.addf %add3A_495, %get3A_516 : vector<16xf32>
          %scan3A_518 = arith.constant 7 : i32
          %scan3A_519 = arith.addi %scan3A_362, %scan3A_518 : i32
          %get3A_520 = arith.index_cast %scan3A_519 : i32 to index
          %get3A_521 = arith.constant 0 : index
          %get3A_522 = tpu.vector_load %arg12[%get3A_520, %get3A_521] {strides = array<i32>} : memref<104x64xf32, #tpu.memory_space<vmem>>, vector<1x16xf32>,
          %get3A_523 = vector.shape_cast %get3A_522 : vector<1x16xf32> to vector<16xf32>
          %add3A_524 = arith.addf %add3A_502, %get3A_523 : vector<16xf32>
          %get3A_525 = arith.index_cast %scan3A_519 : i32 to index
          %get3A_526 = arith.constant 16 : index
          %get3A_527 = tpu.vector_load %arg12[%get3A_525, %get3A_526] {strides = array<i32>} : memref<104x64xf32, #tpu.memory_space<vmem>>, vector<1x16xf32>,
          %get3A_528 = vector.shape_cast %get3A_527 : vector<1x16xf32> to vector<16xf32>
          %add3A_529 = arith.addf %add3A_507, %get3A_528 : vector<16xf32>
          %get3A_530 = arith.index_cast %scan3A_519 : i32 to index
          %get3A_531 = arith.constant 32 : index
          %get3A_532 = tpu.vector_load %arg12[%get3A_530, %get3A_531] {strides = array<i32>} : memref<104x64xf32, #tpu.memory_space<vmem>>, vector<1x16xf32>,
          %get3A_533 = vector.shape_cast %get3A_532 : vector<1x16xf32> to vector<16xf32>
          %add3A_534 = arith.addf %add3A_512, %get3A_533 : vector<16xf32>
          %get3A_535 = arith.index_cast %scan3A_519 : i32 to index
          %get3A_536 = arith.constant 48 : index
          %get3A_537 = tpu.vector_load %arg12[%get3A_535, %get3A_536] {strides = array<i32>} : memref<104x64xf32, #tpu.memory_space<vmem>>, vector<1x16xf32>,
          %get3A_538 = vector.shape_cast %get3A_537 : vector<1x16xf32> to vector<16xf32>
          %add3A_539 = arith.addf %add3A_517, %get3A_538 : vector<16xf32>
          scf.yield %add3A_524, %add3A_529, %add3A_534, %add3A_539 : vector<16xf32>, vector<16xf32>, vector<16xf32>, vector<16xf32>
        }
        %scan3A_257 = arith.constant 104 : i32
        %add3A_258 = arith.addf %scan3A_234#0, %scan3A_256#0 : vector<16xf32>
        %swap3A_259 = arith.index_cast %add3A_220 : i32 to index
        %swap3A_260 = arith.constant 0 : index
        %swap3A_261 = tpu.vector_load %arg15[%swap3A_259, %swap3A_260] {strides = array<i32>} : memref<256x64xf32, #tpu.memory_space<vmem>>, vector<1x16xf32>,
        %swap3A_262 = vector.shape_cast %swap3A_261 : vector<1x16xf32> to vector<16xf32>
        %swap3A_263 = vector.shape_cast %add3A_258 : vector<16xf32> to vector<1x16xf32>
        tpu.vector_store %arg15[%swap3A_259, %swap3A_260], %swap3A_263 {strides = array<i32>} : memref<256x64xf32, #tpu.memory_space<vmem>>, vector<1x16xf32>,
        %add3A_264 = arith.addf %scan3A_234#1, %scan3A_256#1 : vector<16xf32>
        %swap3A_265 = arith.index_cast %add3A_220 : i32 to index
        %swap3A_266 = arith.constant 16 : index
        %swap3A_267 = tpu.vector_load %arg15[%swap3A_265, %swap3A_266] {strides = array<i32>} : memref<256x64xf32, #tpu.memory_space<vmem>>, vector<1x16xf32>,
        %swap3A_268 = vector.shape_cast %swap3A_267 : vector<1x16xf32> to vector<16xf32>
        %swap3A_269 = vector.shape_cast %add3A_264 : vector<16xf32> to vector<1x16xf32>
        tpu.vector_store %arg15[%swap3A_265, %swap3A_266], %swap3A_269 {strides = array<i32>} : memref<256x64xf32, #tpu.memory_space<vmem>>, vector<1x16xf32>,
        %add3A_270 = arith.addf %scan3A_234#2, %scan3A_256#2 : vector<16xf32>
        %swap3A_271 = arith.index_cast %add3A_220 : i32 to index
        %swap3A_272 = arith.constant 32 : index
        %swap3A_273 = tpu.vector_load %arg15[%swap3A_271, %swap3A_272] {strides = array<i32>} : memref<256x64xf32, #tpu.memory_space<vmem>>, vector<1x16xf32>,
        %swap3A_274 = vector.shape_cast %swap3A_273 : vector<1x16xf32> to vector<16xf32>
        %swap3A_275 = vector.shape_cast %add3A_270 : vector<16xf32> to vector<1x16xf32>
        tpu.vector_store %arg15[%swap3A_271, %swap3A_272], %swap3A_275 {strides = array<i32>} : memref<256x64xf32, #tpu.memory_space<vmem>>, vector<1x16xf32>,
        %add3A_276 = arith.addf %scan3A_234#3, %scan3A_256#3 : vector<16xf32>
        %swap3A_277 = arith.index_cast %add3A_220 : i32 to index
        %swap3A_278 = arith.constant 48 : index
        %swap3A_279 = tpu.vector_load %arg15[%swap3A_277, %swap3A_278] {strides = array<i32>} : memref<256x64xf32, #tpu.memory_space<vmem>>, vector<1x16xf32>,
        %swap3A_280 = vector.shape_cast %swap3A_279 : vector<1x16xf32> to vector<16xf32>
        %swap3A_281 = vector.shape_cast %add3A_276 : vector<16xf32> to vector<1x16xf32>
        tpu.vector_store %arg15[%swap3A_277, %swap3A_278], %swap3A_281 {strides = array<i32>} : memref<256x64xf32, #tpu.memory_space<vmem>>, vector<1x16xf32>,
        %add3A_282 = arith.constant 4 : i32
        %add3A_283 = arith.addi %add3A_220, %add3A_282 : i32
        %lt3A_284 = arith.constant 256 : i32
        %lt3A_285 = arith.cmpi slt, %add3A_283, %lt3A_284 : i32
        %convert_element_type3A_286 = arith.extui %lt3A_285 : i1 to i32
        %cond3A_287 = arith.constant 0 : i32
        %cond3A_288 = arith.cmpi ne, %convert_element_type3A_286, %cond3A_287 : i32
        scf.if %cond3A_288 {
          %add3A_362 = arith.constant 4 : i32
          %add3A_363 = arith.addi %add3A_220, %add3A_362 : i32
          %dma_start3A_364 = arith.constant 0 : i32
          %dma_start3A_365 = tpu.memref_slice %arg6[%add3A_363, %dma_start3A_364] : memref<256x104xi32, #tpu.memory_space<vmem>> -> memref<1x104xi32, #tpu.memory_space<vmem>>
          %dma_start3A_366 = tpu.memref_squeeze %dma_start3A_365 : memref<1x104xi32, #tpu.memory_space<vmem>> -> memref<104xi32, #tpu.memory_space<vmem>>
          %dma_start3A_367 = arith.constant 0 : i32
          %dma_start3A_368 = arith.constant 0 : i32
          %dma_start3A_369 = tpu.memref_slice %arg3[%dma_start3A_367, %dma_start3A_368] : memref<1000000x64xf32, #tpu.memory_space<hbm>> -> memref<1000000x64xf32, #tpu.memory_space<hbm>>
          tpu.enqueue_indirect_dma source(%dma_start3A_369 : memref<1000000x64xf32, #tpu.memory_space<hbm>>) target(%arg12 : memref<104x64xf32, #tpu.memory_space<vmem>>) offsets(%dma_start3A_366 : memref<104xi32, #tpu.memory_space<vmem>>) semaphore(%arg21 : memref<!tpu.dma_semaphore, #tpu.memory_space<semaphore_mem>>)
        } else {
        }
        %mul3A_289 = arith.constant 4 : i32
        %mul3A_290 = arith.muli %mul3A_289, %scan3A_77 : i32
        %add3A_291 = arith.constant 3 : i32
        %add3A_292 = arith.addi %mul3A_290, %add3A_291 : i32
        %dma_wait3A_293 = arith.constant 0 : i32
        %dma_wait3A_294 = arith.constant 0 : i32
        %dma_wait3A_295 = tpu.memref_slice %arg5[%dma_wait3A_293, %dma_wait3A_294] : memref<256x96xi32, #tpu.memory_space<vmem>> -> memref<1x96xi32, #tpu.memory_space<vmem>>
        %dma_wait3A_296 = tpu.memref_squeeze %dma_wait3A_295 : memref<1x96xi32, #tpu.memory_space<vmem>> -> memref<96xi32, #tpu.memory_space<vmem>>
        %dma_wait3A_297 = arith.constant 0 : i32
        %dma_wait3A_298 = arith.constant 0 : i32
        %dma_wait3A_299 = tpu.memref_slice %arg3[%dma_wait3A_297, %dma_wait3A_298] : memref<1000000x64xf32, #tpu.memory_space<hbm>> -> memref<1000000x64xf32, #tpu.memory_space<hbm>>
        tpu.wait_indirect_dma semaphore(%arg22 : memref<!tpu.dma_semaphore, #tpu.memory_space<semaphore_mem>>) src(%dma_wait3A_299 : memref<1000000x64xf32, #tpu.memory_space<hbm>>) dst(%arg13 : memref<96x64xf32, #tpu.memory_space<vmem>>)
        %broadcast_in_dim3A_300 = arith.constant 0.000000e+00 : f32
        %broadcast_in_dim3A_301 = vector.broadcast %broadcast_in_dim3A_300 : f32 to vector<16xf32>
        %scan3A_302 = arith.constant 0 : i32
        %scan3A_303 = arith.constant 96 : i32
        %scan3A_304 = arith.addi %scan3A_302, %scan3A_303 : i32
        %scan3A_305 = arith.constant 8 : i32
        %scan3A_306:4 = scf.for %scan3A_362 = %scan3A_302 to %scan3A_304 step %scan3A_305 iter_args(%scan3A_363 = %broadcast_in_dim3A_301, %scan3A_364 = %broadcast_in_dim3A_301, %scan3A_365 = %broadcast_in_dim3A_301, %scan3A_366 = %broadcast_in_dim3A_301) -> (vector<16xf32>, vector<16xf32>, vector<16xf32>, vector<16xf32>)  : i32 {
          %get3A = arith.index_cast %scan3A_362 : i32 to index
          %get3A_367 = arith.constant 0 : index
          %get3A_368 = tpu.vector_load %arg13[%get3A, %get3A_367] {strides = array<i32>} : memref<96x64xf32, #tpu.memory_space<vmem>>, vector<1x16xf32>,
          %get3A_369 = vector.shape_cast %get3A_368 : vector<1x16xf32> to vector<16xf32>
          %add3A_370 = arith.addf %scan3A_363, %get3A_369 : vector<16xf32>
          %get3A_371 = arith.index_cast %scan3A_362 : i32 to index
          %get3A_372 = arith.constant 16 : index
          %get3A_373 = tpu.vector_load %arg13[%get3A_371, %get3A_372] {strides = array<i32>} : memref<96x64xf32, #tpu.memory_space<vmem>>, vector<1x16xf32>,
          %get3A_374 = vector.shape_cast %get3A_373 : vector<1x16xf32> to vector<16xf32>
          %add3A_375 = arith.addf %scan3A_364, %get3A_374 : vector<16xf32>
          %get3A_376 = arith.index_cast %scan3A_362 : i32 to index
          %get3A_377 = arith.constant 32 : index
          %get3A_378 = tpu.vector_load %arg13[%get3A_376, %get3A_377] {strides = array<i32>} : memref<96x64xf32, #tpu.memory_space<vmem>>, vector<1x16xf32>,
          %get3A_379 = vector.shape_cast %get3A_378 : vector<1x16xf32> to vector<16xf32>
          %add3A_380 = arith.addf %scan3A_365, %get3A_379 : vector<16xf32>
          %get3A_381 = arith.index_cast %scan3A_362 : i32 to index
          %get3A_382 = arith.constant 48 : index
          %get3A_383 = tpu.vector_load %arg13[%get3A_381, %get3A_382] {strides = array<i32>} : memref<96x64xf32, #tpu.memory_space<vmem>>, vector<1x16xf32>,
          %get3A_384 = vector.shape_cast %get3A_383 : vector<1x16xf32> to vector<16xf32>
          %add3A_385 = arith.addf %scan3A_366, %get3A_384 : vector<16xf32>
          %scan3A_386 = arith.constant 1 : i32
          %scan3A_387 = arith.addi %scan3A_362, %scan3A_386 : i32
          %get3A_388 = arith.index_cast %scan3A_387 : i32 to index
          %get3A_389 = arith.constant 0 : index
          %get3A_390 = tpu.vector_load %arg13[%get3A_388, %get3A_389] {strides = array<i32>} : memref<96x64xf32, #tpu.memory_space<vmem>>, vector<1x16xf32>,
          %get3A_391 = vector.shape_cast %get3A_390 : vector<1x16xf32> to vector<16xf32>
          %add3A_392 = arith.addf %add3A_370, %get3A_391 : vector<16xf32>
          %get3A_393 = arith.index_cast %scan3A_387 : i32 to index
          %get3A_394 = arith.constant 16 : index
          %get3A_395 = tpu.vector_load %arg13[%get3A_393, %get3A_394] {strides = array<i32>} : memref<96x64xf32, #tpu.memory_space<vmem>>, vector<1x16xf32>,
          %get3A_396 = vector.shape_cast %get3A_395 : vector<1x16xf32> to vector<16xf32>
          %add3A_397 = arith.addf %add3A_375, %get3A_396 : vector<16xf32>
          %get3A_398 = arith.index_cast %scan3A_387 : i32 to index
          %get3A_399 = arith.constant 32 : index
          %get3A_400 = tpu.vector_load %arg13[%get3A_398, %get3A_399] {strides = array<i32>} : memref<96x64xf32, #tpu.memory_space<vmem>>, vector<1x16xf32>,
          %get3A_401 = vector.shape_cast %get3A_400 : vector<1x16xf32> to vector<16xf32>
          %add3A_402 = arith.addf %add3A_380, %get3A_401 : vector<16xf32>
          %get3A_403 = arith.index_cast %scan3A_387 : i32 to index
          %get3A_404 = arith.constant 48 : index
          %get3A_405 = tpu.vector_load %arg13[%get3A_403, %get3A_404] {strides = array<i32>} : memref<96x64xf32, #tpu.memory_space<vmem>>, vector<1x16xf32>,
          %get3A_406 = vector.shape_cast %get3A_405 : vector<1x16xf32> to vector<16xf32>
          %add3A_407 = arith.addf %add3A_385, %get3A_406 : vector<16xf32>
          %scan3A_408 = arith.constant 2 : i32
          %scan3A_409 = arith.addi %scan3A_362, %scan3A_408 : i32
          %get3A_410 = arith.index_cast %scan3A_409 : i32 to index
          %get3A_411 = arith.constant 0 : index
          %get3A_412 = tpu.vector_load %arg13[%get3A_410, %get3A_411] {strides = array<i32>} : memref<96x64xf32, #tpu.memory_space<vmem>>, vector<1x16xf32>,
          %get3A_413 = vector.shape_cast %get3A_412 : vector<1x16xf32> to vector<16xf32>
          %add3A_414 = arith.addf %add3A_392, %get3A_413 : vector<16xf32>
          %get3A_415 = arith.index_cast %scan3A_409 : i32 to index
          %get3A_416 = arith.constant 16 : index
          %get3A_417 = tpu.vector_load %arg13[%get3A_415, %get3A_416] {strides = array<i32>} : memref<96x64xf32, #tpu.memory_space<vmem>>, vector<1x16xf32>,
          %get3A_418 = vector.shape_cast %get3A_417 : vector<1x16xf32> to vector<16xf32>
          %add3A_419 = arith.addf %add3A_397, %get3A_418 : vector<16xf32>
          %get3A_420 = arith.index_cast %scan3A_409 : i32 to index
          %get3A_421 = arith.constant 32 : index
          %get3A_422 = tpu.vector_load %arg13[%get3A_420, %get3A_421] {strides = array<i32>} : memref<96x64xf32, #tpu.memory_space<vmem>>, vector<1x16xf32>,
          %get3A_423 = vector.shape_cast %get3A_422 : vector<1x16xf32> to vector<16xf32>
          %add3A_424 = arith.addf %add3A_402, %get3A_423 : vector<16xf32>
          %get3A_425 = arith.index_cast %scan3A_409 : i32 to index
          %get3A_426 = arith.constant 48 : index
          %get3A_427 = tpu.vector_load %arg13[%get3A_425, %get3A_426] {strides = array<i32>} : memref<96x64xf32, #tpu.memory_space<vmem>>, vector<1x16xf32>,
          %get3A_428 = vector.shape_cast %get3A_427 : vector<1x16xf32> to vector<16xf32>
          %add3A_429 = arith.addf %add3A_407, %get3A_428 : vector<16xf32>
          %scan3A_430 = arith.constant 3 : i32
          %scan3A_431 = arith.addi %scan3A_362, %scan3A_430 : i32
          %get3A_432 = arith.index_cast %scan3A_431 : i32 to index
          %get3A_433 = arith.constant 0 : index
          %get3A_434 = tpu.vector_load %arg13[%get3A_432, %get3A_433] {strides = array<i32>} : memref<96x64xf32, #tpu.memory_space<vmem>>, vector<1x16xf32>,
          %get3A_435 = vector.shape_cast %get3A_434 : vector<1x16xf32> to vector<16xf32>
          %add3A_436 = arith.addf %add3A_414, %get3A_435 : vector<16xf32>
          %get3A_437 = arith.index_cast %scan3A_431 : i32 to index
          %get3A_438 = arith.constant 16 : index
          %get3A_439 = tpu.vector_load %arg13[%get3A_437, %get3A_438] {strides = array<i32>} : memref<96x64xf32, #tpu.memory_space<vmem>>, vector<1x16xf32>,
          %get3A_440 = vector.shape_cast %get3A_439 : vector<1x16xf32> to vector<16xf32>
          %add3A_441 = arith.addf %add3A_419, %get3A_440 : vector<16xf32>
          %get3A_442 = arith.index_cast %scan3A_431 : i32 to index
          %get3A_443 = arith.constant 32 : index
          %get3A_444 = tpu.vector_load %arg13[%get3A_442, %get3A_443] {strides = array<i32>} : memref<96x64xf32, #tpu.memory_space<vmem>>, vector<1x16xf32>,
          %get3A_445 = vector.shape_cast %get3A_444 : vector<1x16xf32> to vector<16xf32>
          %add3A_446 = arith.addf %add3A_424, %get3A_445 : vector<16xf32>
          %get3A_447 = arith.index_cast %scan3A_431 : i32 to index
          %get3A_448 = arith.constant 48 : index
          %get3A_449 = tpu.vector_load %arg13[%get3A_447, %get3A_448] {strides = array<i32>} : memref<96x64xf32, #tpu.memory_space<vmem>>, vector<1x16xf32>,
          %get3A_450 = vector.shape_cast %get3A_449 : vector<1x16xf32> to vector<16xf32>
          %add3A_451 = arith.addf %add3A_429, %get3A_450 : vector<16xf32>
          %scan3A_452 = arith.constant 4 : i32
          %scan3A_453 = arith.addi %scan3A_362, %scan3A_452 : i32
          %get3A_454 = arith.index_cast %scan3A_453 : i32 to index
          %get3A_455 = arith.constant 0 : index
          %get3A_456 = tpu.vector_load %arg13[%get3A_454, %get3A_455] {strides = array<i32>} : memref<96x64xf32, #tpu.memory_space<vmem>>, vector<1x16xf32>,
          %get3A_457 = vector.shape_cast %get3A_456 : vector<1x16xf32> to vector<16xf32>
          %add3A_458 = arith.addf %add3A_436, %get3A_457 : vector<16xf32>
          %get3A_459 = arith.index_cast %scan3A_453 : i32 to index
          %get3A_460 = arith.constant 16 : index
          %get3A_461 = tpu.vector_load %arg13[%get3A_459, %get3A_460] {strides = array<i32>} : memref<96x64xf32, #tpu.memory_space<vmem>>, vector<1x16xf32>,
          %get3A_462 = vector.shape_cast %get3A_461 : vector<1x16xf32> to vector<16xf32>
          %add3A_463 = arith.addf %add3A_441, %get3A_462 : vector<16xf32>
          %get3A_464 = arith.index_cast %scan3A_453 : i32 to index
          %get3A_465 = arith.constant 32 : index
          %get3A_466 = tpu.vector_load %arg13[%get3A_464, %get3A_465] {strides = array<i32>} : memref<96x64xf32, #tpu.memory_space<vmem>>, vector<1x16xf32>,
          %get3A_467 = vector.shape_cast %get3A_466 : vector<1x16xf32> to vector<16xf32>
          %add3A_468 = arith.addf %add3A_446, %get3A_467 : vector<16xf32>
          %get3A_469 = arith.index_cast %scan3A_453 : i32 to index
          %get3A_470 = arith.constant 48 : index
          %get3A_471 = tpu.vector_load %arg13[%get3A_469, %get3A_470] {strides = array<i32>} : memref<96x64xf32, #tpu.memory_space<vmem>>, vector<1x16xf32>,
          %get3A_472 = vector.shape_cast %get3A_471 : vector<1x16xf32> to vector<16xf32>
          %add3A_473 = arith.addf %add3A_451, %get3A_472 : vector<16xf32>
          %scan3A_474 = arith.constant 5 : i32
          %scan3A_475 = arith.addi %scan3A_362, %scan3A_474 : i32
          %get3A_476 = arith.index_cast %scan3A_475 : i32 to index
          %get3A_477 = arith.constant 0 : index
          %get3A_478 = tpu.vector_load %arg13[%get3A_476, %get3A_477] {strides = array<i32>} : memref<96x64xf32, #tpu.memory_space<vmem>>, vector<1x16xf32>,
          %get3A_479 = vector.shape_cast %get3A_478 : vector<1x16xf32> to vector<16xf32>
          %add3A_480 = arith.addf %add3A_458, %get3A_479 : vector<16xf32>
          %get3A_481 = arith.index_cast %scan3A_475 : i32 to index
          %get3A_482 = arith.constant 16 : index
          %get3A_483 = tpu.vector_load %arg13[%get3A_481, %get3A_482] {strides = array<i32>} : memref<96x64xf32, #tpu.memory_space<vmem>>, vector<1x16xf32>,
          %get3A_484 = vector.shape_cast %get3A_483 : vector<1x16xf32> to vector<16xf32>
          %add3A_485 = arith.addf %add3A_463, %get3A_484 : vector<16xf32>
          %get3A_486 = arith.index_cast %scan3A_475 : i32 to index
          %get3A_487 = arith.constant 32 : index
          %get3A_488 = tpu.vector_load %arg13[%get3A_486, %get3A_487] {strides = array<i32>} : memref<96x64xf32, #tpu.memory_space<vmem>>, vector<1x16xf32>,
          %get3A_489 = vector.shape_cast %get3A_488 : vector<1x16xf32> to vector<16xf32>
          %add3A_490 = arith.addf %add3A_468, %get3A_489 : vector<16xf32>
          %get3A_491 = arith.index_cast %scan3A_475 : i32 to index
          %get3A_492 = arith.constant 48 : index
          %get3A_493 = tpu.vector_load %arg13[%get3A_491, %get3A_492] {strides = array<i32>} : memref<96x64xf32, #tpu.memory_space<vmem>>, vector<1x16xf32>,
          %get3A_494 = vector.shape_cast %get3A_493 : vector<1x16xf32> to vector<16xf32>
          %add3A_495 = arith.addf %add3A_473, %get3A_494 : vector<16xf32>
          %scan3A_496 = arith.constant 6 : i32
          %scan3A_497 = arith.addi %scan3A_362, %scan3A_496 : i32
          %get3A_498 = arith.index_cast %scan3A_497 : i32 to index
          %get3A_499 = arith.constant 0 : index
          %get3A_500 = tpu.vector_load %arg13[%get3A_498, %get3A_499] {strides = array<i32>} : memref<96x64xf32, #tpu.memory_space<vmem>>, vector<1x16xf32>,
          %get3A_501 = vector.shape_cast %get3A_500 : vector<1x16xf32> to vector<16xf32>
          %add3A_502 = arith.addf %add3A_480, %get3A_501 : vector<16xf32>
          %get3A_503 = arith.index_cast %scan3A_497 : i32 to index
          %get3A_504 = arith.constant 16 : index
          %get3A_505 = tpu.vector_load %arg13[%get3A_503, %get3A_504] {strides = array<i32>} : memref<96x64xf32, #tpu.memory_space<vmem>>, vector<1x16xf32>,
          %get3A_506 = vector.shape_cast %get3A_505 : vector<1x16xf32> to vector<16xf32>
          %add3A_507 = arith.addf %add3A_485, %get3A_506 : vector<16xf32>
          %get3A_508 = arith.index_cast %scan3A_497 : i32 to index
          %get3A_509 = arith.constant 32 : index
          %get3A_510 = tpu.vector_load %arg13[%get3A_508, %get3A_509] {strides = array<i32>} : memref<96x64xf32, #tpu.memory_space<vmem>>, vector<1x16xf32>,
          %get3A_511 = vector.shape_cast %get3A_510 : vector<1x16xf32> to vector<16xf32>
          %add3A_512 = arith.addf %add3A_490, %get3A_511 : vector<16xf32>
          %get3A_513 = arith.index_cast %scan3A_497 : i32 to index
          %get3A_514 = arith.constant 48 : index
          %get3A_515 = tpu.vector_load %arg13[%get3A_513, %get3A_514] {strides = array<i32>} : memref<96x64xf32, #tpu.memory_space<vmem>>, vector<1x16xf32>,
          %get3A_516 = vector.shape_cast %get3A_515 : vector<1x16xf32> to vector<16xf32>
          %add3A_517 = arith.addf %add3A_495, %get3A_516 : vector<16xf32>
          %scan3A_518 = arith.constant 7 : i32
          %scan3A_519 = arith.addi %scan3A_362, %scan3A_518 : i32
          %get3A_520 = arith.index_cast %scan3A_519 : i32 to index
          %get3A_521 = arith.constant 0 : index
          %get3A_522 = tpu.vector_load %arg13[%get3A_520, %get3A_521] {strides = array<i32>} : memref<96x64xf32, #tpu.memory_space<vmem>>, vector<1x16xf32>,
          %get3A_523 = vector.shape_cast %get3A_522 : vector<1x16xf32> to vector<16xf32>
          %add3A_524 = arith.addf %add3A_502, %get3A_523 : vector<16xf32>
          %get3A_525 = arith.index_cast %scan3A_519 : i32 to index
          %get3A_526 = arith.constant 16 : index
          %get3A_527 = tpu.vector_load %arg13[%get3A_525, %get3A_526] {strides = array<i32>} : memref<96x64xf32, #tpu.memory_space<vmem>>, vector<1x16xf32>,
          %get3A_528 = vector.shape_cast %get3A_527 : vector<1x16xf32> to vector<16xf32>
          %add3A_529 = arith.addf %add3A_507, %get3A_528 : vector<16xf32>
          %get3A_530 = arith.index_cast %scan3A_519 : i32 to index
          %get3A_531 = arith.constant 32 : index
          %get3A_532 = tpu.vector_load %arg13[%get3A_530, %get3A_531] {strides = array<i32>} : memref<96x64xf32, #tpu.memory_space<vmem>>, vector<1x16xf32>,
          %get3A_533 = vector.shape_cast %get3A_532 : vector<1x16xf32> to vector<16xf32>
          %add3A_534 = arith.addf %add3A_512, %get3A_533 : vector<16xf32>
          %get3A_535 = arith.index_cast %scan3A_519 : i32 to index
          %get3A_536 = arith.constant 48 : index
          %get3A_537 = tpu.vector_load %arg13[%get3A_535, %get3A_536] {strides = array<i32>} : memref<96x64xf32, #tpu.memory_space<vmem>>, vector<1x16xf32>,
          %get3A_538 = vector.shape_cast %get3A_537 : vector<1x16xf32> to vector<16xf32>
          %add3A_539 = arith.addf %add3A_517, %get3A_538 : vector<16xf32>
          scf.yield %add3A_524, %add3A_529, %add3A_534, %add3A_539 : vector<16xf32>, vector<16xf32>, vector<16xf32>, vector<16xf32>
        }
        %scan3A_307 = arith.constant 96 : i32
        %add3A_308 = arith.constant 4 : i32
        %add3A_309 = arith.addi %add3A_292, %add3A_308 : i32
        %lt3A_310 = arith.constant 256 : i32
        %lt3A_311 = arith.cmpi slt, %add3A_309, %lt3A_310 : i32
        %convert_element_type3A_312 = arith.extui %lt3A_311 : i1 to i32
        %cond3A_313 = arith.constant 0 : i32
        %cond3A_314 = arith.cmpi ne, %convert_element_type3A_312, %cond3A_313 : i32
        scf.if %cond3A_314 {
          %add3A_362 = arith.constant 4 : i32
          %add3A_363 = arith.addi %add3A_292, %add3A_362 : i32
          %dma_start3A_364 = arith.constant 0 : i32
          %dma_start3A_365 = tpu.memref_slice %arg5[%add3A_363, %dma_start3A_364] : memref<256x96xi32, #tpu.memory_space<vmem>> -> memref<1x96xi32, #tpu.memory_space<vmem>>
          %dma_start3A_366 = tpu.memref_squeeze %dma_start3A_365 : memref<1x96xi32, #tpu.memory_space<vmem>> -> memref<96xi32, #tpu.memory_space<vmem>>
          %dma_start3A_367 = arith.constant 0 : i32
          %dma_start3A_368 = arith.constant 0 : i32
          %dma_start3A_369 = tpu.memref_slice %arg3[%dma_start3A_367, %dma_start3A_368] : memref<1000000x64xf32, #tpu.memory_space<hbm>> -> memref<1000000x64xf32, #tpu.memory_space<hbm>>
          tpu.enqueue_indirect_dma source(%dma_start3A_369 : memref<1000000x64xf32, #tpu.memory_space<hbm>>) target(%arg13 : memref<96x64xf32, #tpu.memory_space<vmem>>) offsets(%dma_start3A_366 : memref<96xi32, #tpu.memory_space<vmem>>) semaphore(%arg22 : memref<!tpu.dma_semaphore, #tpu.memory_space<semaphore_mem>>)
        } else {
        }
        %dma_wait3A_315 = arith.constant 0 : i32
        %dma_wait3A_316 = arith.constant 0 : i32
        %dma_wait3A_317 = tpu.memref_slice %arg6[%dma_wait3A_315, %dma_wait3A_316] : memref<256x104xi32, #tpu.memory_space<vmem>> -> memref<1x104xi32, #tpu.memory_space<vmem>>
        %dma_wait3A_318 = tpu.memref_squeeze %dma_wait3A_317 : memref<1x104xi32, #tpu.memory_space<vmem>> -> memref<104xi32, #tpu.memory_space<vmem>>
        %dma_wait3A_319 = arith.constant 0 : i32
        %dma_wait3A_320 = arith.constant 0 : i32
        %dma_wait3A_321 = tpu.memref_slice %arg3[%dma_wait3A_319, %dma_wait3A_320] : memref<1000000x64xf32, #tpu.memory_space<hbm>> -> memref<1000000x64xf32, #tpu.memory_space<hbm>>
        tpu.wait_indirect_dma semaphore(%arg23 : memref<!tpu.dma_semaphore, #tpu.memory_space<semaphore_mem>>) src(%dma_wait3A_321 : memref<1000000x64xf32, #tpu.memory_space<hbm>>) dst(%arg14 : memref<104x64xf32, #tpu.memory_space<vmem>>)
        %broadcast_in_dim3A_322 = arith.constant 0.000000e+00 : f32
        %broadcast_in_dim3A_323 = vector.broadcast %broadcast_in_dim3A_322 : f32 to vector<16xf32>
        %scan3A_324 = arith.constant 0 : i32
        %scan3A_325 = arith.constant 104 : i32
        %scan3A_326 = arith.addi %scan3A_324, %scan3A_325 : i32
        %scan3A_327 = arith.constant 8 : i32
        %scan3A_328:4 = scf.for %scan3A_362 = %scan3A_324 to %scan3A_326 step %scan3A_327 iter_args(%scan3A_363 = %broadcast_in_dim3A_323, %scan3A_364 = %broadcast_in_dim3A_323, %scan3A_365 = %broadcast_in_dim3A_323, %scan3A_366 = %broadcast_in_dim3A_323) -> (vector<16xf32>, vector<16xf32>, vector<16xf32>, vector<16xf32>)  : i32 {
          %get3A = arith.index_cast %scan3A_362 : i32 to index
          %get3A_367 = arith.constant 0 : index
          %get3A_368 = tpu.vector_load %arg14[%get3A, %get3A_367] {strides = array<i32>} : memref<104x64xf32, #tpu.memory_space<vmem>>, vector<1x16xf32>,
          %get3A_369 = vector.shape_cast %get3A_368 : vector<1x16xf32> to vector<16xf32>
          %add3A_370 = arith.addf %scan3A_363, %get3A_369 : vector<16xf32>
          %get3A_371 = arith.index_cast %scan3A_362 : i32 to index
          %get3A_372 = arith.constant 16 : index
          %get3A_373 = tpu.vector_load %arg14[%get3A_371, %get3A_372] {strides = array<i32>} : memref<104x64xf32, #tpu.memory_space<vmem>>, vector<1x16xf32>,
          %get3A_374 = vector.shape_cast %get3A_373 : vector<1x16xf32> to vector<16xf32>
          %add3A_375 = arith.addf %scan3A_364, %get3A_374 : vector<16xf32>
          %get3A_376 = arith.index_cast %scan3A_362 : i32 to index
          %get3A_377 = arith.constant 32 : index
          %get3A_378 = tpu.vector_load %arg14[%get3A_376, %get3A_377] {strides = array<i32>} : memref<104x64xf32, #tpu.memory_space<vmem>>, vector<1x16xf32>,
          %get3A_379 = vector.shape_cast %get3A_378 : vector<1x16xf32> to vector<16xf32>
          %add3A_380 = arith.addf %scan3A_365, %get3A_379 : vector<16xf32>
          %get3A_381 = arith.index_cast %scan3A_362 : i32 to index
          %get3A_382 = arith.constant 48 : index
          %get3A_383 = tpu.vector_load %arg14[%get3A_381, %get3A_382] {strides = array<i32>} : memref<104x64xf32, #tpu.memory_space<vmem>>, vector<1x16xf32>,
          %get3A_384 = vector.shape_cast %get3A_383 : vector<1x16xf32> to vector<16xf32>
          %add3A_385 = arith.addf %scan3A_366, %get3A_384 : vector<16xf32>
          %scan3A_386 = arith.constant 1 : i32
          %scan3A_387 = arith.addi %scan3A_362, %scan3A_386 : i32
          %get3A_388 = arith.index_cast %scan3A_387 : i32 to index
          %get3A_389 = arith.constant 0 : index
          %get3A_390 = tpu.vector_load %arg14[%get3A_388, %get3A_389] {strides = array<i32>} : memref<104x64xf32, #tpu.memory_space<vmem>>, vector<1x16xf32>,
          %get3A_391 = vector.shape_cast %get3A_390 : vector<1x16xf32> to vector<16xf32>
          %add3A_392 = arith.addf %add3A_370, %get3A_391 : vector<16xf32>
          %get3A_393 = arith.index_cast %scan3A_387 : i32 to index
          %get3A_394 = arith.constant 16 : index
          %get3A_395 = tpu.vector_load %arg14[%get3A_393, %get3A_394] {strides = array<i32>} : memref<104x64xf32, #tpu.memory_space<vmem>>, vector<1x16xf32>,
          %get3A_396 = vector.shape_cast %get3A_395 : vector<1x16xf32> to vector<16xf32>
          %add3A_397 = arith.addf %add3A_375, %get3A_396 : vector<16xf32>
          %get3A_398 = arith.index_cast %scan3A_387 : i32 to index
          %get3A_399 = arith.constant 32 : index
          %get3A_400 = tpu.vector_load %arg14[%get3A_398, %get3A_399] {strides = array<i32>} : memref<104x64xf32, #tpu.memory_space<vmem>>, vector<1x16xf32>,
          %get3A_401 = vector.shape_cast %get3A_400 : vector<1x16xf32> to vector<16xf32>
          %add3A_402 = arith.addf %add3A_380, %get3A_401 : vector<16xf32>
          %get3A_403 = arith.index_cast %scan3A_387 : i32 to index
          %get3A_404 = arith.constant 48 : index
          %get3A_405 = tpu.vector_load %arg14[%get3A_403, %get3A_404] {strides = array<i32>} : memref<104x64xf32, #tpu.memory_space<vmem>>, vector<1x16xf32>,
          %get3A_406 = vector.shape_cast %get3A_405 : vector<1x16xf32> to vector<16xf32>
          %add3A_407 = arith.addf %add3A_385, %get3A_406 : vector<16xf32>
          %scan3A_408 = arith.constant 2 : i32
          %scan3A_409 = arith.addi %scan3A_362, %scan3A_408 : i32
          %get3A_410 = arith.index_cast %scan3A_409 : i32 to index
          %get3A_411 = arith.constant 0 : index
          %get3A_412 = tpu.vector_load %arg14[%get3A_410, %get3A_411] {strides = array<i32>} : memref<104x64xf32, #tpu.memory_space<vmem>>, vector<1x16xf32>,
          %get3A_413 = vector.shape_cast %get3A_412 : vector<1x16xf32> to vector<16xf32>
          %add3A_414 = arith.addf %add3A_392, %get3A_413 : vector<16xf32>
          %get3A_415 = arith.index_cast %scan3A_409 : i32 to index
          %get3A_416 = arith.constant 16 : index
          %get3A_417 = tpu.vector_load %arg14[%get3A_415, %get3A_416] {strides = array<i32>} : memref<104x64xf32, #tpu.memory_space<vmem>>, vector<1x16xf32>,
          %get3A_418 = vector.shape_cast %get3A_417 : vector<1x16xf32> to vector<16xf32>
          %add3A_419 = arith.addf %add3A_397, %get3A_418 : vector<16xf32>
          %get3A_420 = arith.index_cast %scan3A_409 : i32 to index
          %get3A_421 = arith.constant 32 : index
          %get3A_422 = tpu.vector_load %arg14[%get3A_420, %get3A_421] {strides = array<i32>} : memref<104x64xf32, #tpu.memory_space<vmem>>, vector<1x16xf32>,
          %get3A_423 = vector.shape_cast %get3A_422 : vector<1x16xf32> to vector<16xf32>
          %add3A_424 = arith.addf %add3A_402, %get3A_423 : vector<16xf32>
          %get3A_425 = arith.index_cast %scan3A_409 : i32 to index
          %get3A_426 = arith.constant 48 : index
          %get3A_427 = tpu.vector_load %arg14[%get3A_425, %get3A_426] {strides = array<i32>} : memref<104x64xf32, #tpu.memory_space<vmem>>, vector<1x16xf32>,
          %get3A_428 = vector.shape_cast %get3A_427 : vector<1x16xf32> to vector<16xf32>
          %add3A_429 = arith.addf %add3A_407, %get3A_428 : vector<16xf32>
          %scan3A_430 = arith.constant 3 : i32
          %scan3A_431 = arith.addi %scan3A_362, %scan3A_430 : i32
          %get3A_432 = arith.index_cast %scan3A_431 : i32 to index
          %get3A_433 = arith.constant 0 : index
          %get3A_434 = tpu.vector_load %arg14[%get3A_432, %get3A_433] {strides = array<i32>} : memref<104x64xf32, #tpu.memory_space<vmem>>, vector<1x16xf32>,
          %get3A_435 = vector.shape_cast %get3A_434 : vector<1x16xf32> to vector<16xf32>
          %add3A_436 = arith.addf %add3A_414, %get3A_435 : vector<16xf32>
          %get3A_437 = arith.index_cast %scan3A_431 : i32 to index
          %get3A_438 = arith.constant 16 : index
          %get3A_439 = tpu.vector_load %arg14[%get3A_437, %get3A_438] {strides = array<i32>} : memref<104x64xf32, #tpu.memory_space<vmem>>, vector<1x16xf32>,
          %get3A_440 = vector.shape_cast %get3A_439 : vector<1x16xf32> to vector<16xf32>
          %add3A_441 = arith.addf %add3A_419, %get3A_440 : vector<16xf32>
          %get3A_442 = arith.index_cast %scan3A_431 : i32 to index
          %get3A_443 = arith.constant 32 : index
          %get3A_444 = tpu.vector_load %arg14[%get3A_442, %get3A_443] {strides = array<i32>} : memref<104x64xf32, #tpu.memory_space<vmem>>, vector<1x16xf32>,
          %get3A_445 = vector.shape_cast %get3A_444 : vector<1x16xf32> to vector<16xf32>
          %add3A_446 = arith.addf %add3A_424, %get3A_445 : vector<16xf32>
          %get3A_447 = arith.index_cast %scan3A_431 : i32 to index
          %get3A_448 = arith.constant 48 : index
          %get3A_449 = tpu.vector_load %arg14[%get3A_447, %get3A_448] {strides = array<i32>} : memref<104x64xf32, #tpu.memory_space<vmem>>, vector<1x16xf32>,
          %get3A_450 = vector.shape_cast %get3A_449 : vector<1x16xf32> to vector<16xf32>
          %add3A_451 = arith.addf %add3A_429, %get3A_450 : vector<16xf32>
          %scan3A_452 = arith.constant 4 : i32
          %scan3A_453 = arith.addi %scan3A_362, %scan3A_452 : i32
          %get3A_454 = arith.index_cast %scan3A_453 : i32 to index
          %get3A_455 = arith.constant 0 : index
          %get3A_456 = tpu.vector_load %arg14[%get3A_454, %get3A_455] {strides = array<i32>} : memref<104x64xf32, #tpu.memory_space<vmem>>, vector<1x16xf32>,
          %get3A_457 = vector.shape_cast %get3A_456 : vector<1x16xf32> to vector<16xf32>
          %add3A_458 = arith.addf %add3A_436, %get3A_457 : vector<16xf32>
          %get3A_459 = arith.index_cast %scan3A_453 : i32 to index
          %get3A_460 = arith.constant 16 : index
          %get3A_461 = tpu.vector_load %arg14[%get3A_459, %get3A_460] {strides = array<i32>} : memref<104x64xf32, #tpu.memory_space<vmem>>, vector<1x16xf32>,
          %get3A_462 = vector.shape_cast %get3A_461 : vector<1x16xf32> to vector<16xf32>
          %add3A_463 = arith.addf %add3A_441, %get3A_462 : vector<16xf32>
          %get3A_464 = arith.index_cast %scan3A_453 : i32 to index
          %get3A_465 = arith.constant 32 : index
          %get3A_466 = tpu.vector_load %arg14[%get3A_464, %get3A_465] {strides = array<i32>} : memref<104x64xf32, #tpu.memory_space<vmem>>, vector<1x16xf32>,
          %get3A_467 = vector.shape_cast %get3A_466 : vector<1x16xf32> to vector<16xf32>
          %add3A_468 = arith.addf %add3A_446, %get3A_467 : vector<16xf32>
          %get3A_469 = arith.index_cast %scan3A_453 : i32 to index
          %get3A_470 = arith.constant 48 : index
          %get3A_471 = tpu.vector_load %arg14[%get3A_469, %get3A_470] {strides = array<i32>} : memref<104x64xf32, #tpu.memory_space<vmem>>, vector<1x16xf32>,
          %get3A_472 = vector.shape_cast %get3A_471 : vector<1x16xf32> to vector<16xf32>
          %add3A_473 = arith.addf %add3A_451, %get3A_472 : vector<16xf32>
          %scan3A_474 = arith.constant 5 : i32
          %scan3A_475 = arith.addi %scan3A_362, %scan3A_474 : i32
          %get3A_476 = arith.index_cast %scan3A_475 : i32 to index
          %get3A_477 = arith.constant 0 : index
          %get3A_478 = tpu.vector_load %arg14[%get3A_476, %get3A_477] {strides = array<i32>} : memref<104x64xf32, #tpu.memory_space<vmem>>, vector<1x16xf32>,
          %get3A_479 = vector.shape_cast %get3A_478 : vector<1x16xf32> to vector<16xf32>
          %add3A_480 = arith.addf %add3A_458, %get3A_479 : vector<16xf32>
          %get3A_481 = arith.index_cast %scan3A_475 : i32 to index
          %get3A_482 = arith.constant 16 : index
          %get3A_483 = tpu.vector_load %arg14[%get3A_481, %get3A_482] {strides = array<i32>} : memref<104x64xf32, #tpu.memory_space<vmem>>, vector<1x16xf32>,
          %get3A_484 = vector.shape_cast %get3A_483 : vector<1x16xf32> to vector<16xf32>
          %add3A_485 = arith.addf %add3A_463, %get3A_484 : vector<16xf32>
          %get3A_486 = arith.index_cast %scan3A_475 : i32 to index
          %get3A_487 = arith.constant 32 : index
          %get3A_488 = tpu.vector_load %arg14[%get3A_486, %get3A_487] {strides = array<i32>} : memref<104x64xf32, #tpu.memory_space<vmem>>, vector<1x16xf32>,
          %get3A_489 = vector.shape_cast %get3A_488 : vector<1x16xf32> to vector<16xf32>
          %add3A_490 = arith.addf %add3A_468, %get3A_489 : vector<16xf32>
          %get3A_491 = arith.index_cast %scan3A_475 : i32 to index
          %get3A_492 = arith.constant 48 : index
          %get3A_493 = tpu.vector_load %arg14[%get3A_491, %get3A_492] {strides = array<i32>} : memref<104x64xf32, #tpu.memory_space<vmem>>, vector<1x16xf32>,
          %get3A_494 = vector.shape_cast %get3A_493 : vector<1x16xf32> to vector<16xf32>
          %add3A_495 = arith.addf %add3A_473, %get3A_494 : vector<16xf32>
          %scan3A_496 = arith.constant 6 : i32
          %scan3A_497 = arith.addi %scan3A_362, %scan3A_496 : i32
          %get3A_498 = arith.index_cast %scan3A_497 : i32 to index
          %get3A_499 = arith.constant 0 : index
          %get3A_500 = tpu.vector_load %arg14[%get3A_498, %get3A_499] {strides = array<i32>} : memref<104x64xf32, #tpu.memory_space<vmem>>, vector<1x16xf32>,
          %get3A_501 = vector.shape_cast %get3A_500 : vector<1x16xf32> to vector<16xf32>
          %add3A_502 = arith.addf %add3A_480, %get3A_501 : vector<16xf32>
          %get3A_503 = arith.index_cast %scan3A_497 : i32 to index
          %get3A_504 = arith.constant 16 : index
          %get3A_505 = tpu.vector_load %arg14[%get3A_503, %get3A_504] {strides = array<i32>} : memref<104x64xf32, #tpu.memory_space<vmem>>, vector<1x16xf32>,
          %get3A_506 = vector.shape_cast %get3A_505 : vector<1x16xf32> to vector<16xf32>
          %add3A_507 = arith.addf %add3A_485, %get3A_506 : vector<16xf32>
          %get3A_508 = arith.index_cast %scan3A_497 : i32 to index
          %get3A_509 = arith.constant 32 : index
          %get3A_510 = tpu.vector_load %arg14[%get3A_508, %get3A_509] {strides = array<i32>} : memref<104x64xf32, #tpu.memory_space<vmem>>, vector<1x16xf32>,
          %get3A_511 = vector.shape_cast %get3A_510 : vector<1x16xf32> to vector<16xf32>
          %add3A_512 = arith.addf %add3A_490, %get3A_511 : vector<16xf32>
          %get3A_513 = arith.index_cast %scan3A_497 : i32 to index
          %get3A_514 = arith.constant 48 : index
          %get3A_515 = tpu.vector_load %arg14[%get3A_513, %get3A_514] {strides = array<i32>} : memref<104x64xf32, #tpu.memory_space<vmem>>, vector<1x16xf32>,
          %get3A_516 = vector.shape_cast %get3A_515 : vector<1x16xf32> to vector<16xf32>
          %add3A_517 = arith.addf %add3A_495, %get3A_516 : vector<16xf32>
          %scan3A_518 = arith.constant 7 : i32
          %scan3A_519 = arith.addi %scan3A_362, %scan3A_518 : i32
          %get3A_520 = arith.index_cast %scan3A_519 : i32 to index
          %get3A_521 = arith.constant 0 : index
          %get3A_522 = tpu.vector_load %arg14[%get3A_520, %get3A_521] {strides = array<i32>} : memref<104x64xf32, #tpu.memory_space<vmem>>, vector<1x16xf32>,
          %get3A_523 = vector.shape_cast %get3A_522 : vector<1x16xf32> to vector<16xf32>
          %add3A_524 = arith.addf %add3A_502, %get3A_523 : vector<16xf32>
          %get3A_525 = arith.index_cast %scan3A_519 : i32 to index
          %get3A_526 = arith.constant 16 : index
          %get3A_527 = tpu.vector_load %arg14[%get3A_525, %get3A_526] {strides = array<i32>} : memref<104x64xf32, #tpu.memory_space<vmem>>, vector<1x16xf32>,
          %get3A_528 = vector.shape_cast %get3A_527 : vector<1x16xf32> to vector<16xf32>
          %add3A_529 = arith.addf %add3A_507, %get3A_528 : vector<16xf32>
          %get3A_530 = arith.index_cast %scan3A_519 : i32 to index
          %get3A_531 = arith.constant 32 : index
          %get3A_532 = tpu.vector_load %arg14[%get3A_530, %get3A_531] {strides = array<i32>} : memref<104x64xf32, #tpu.memory_space<vmem>>, vector<1x16xf32>,
          %get3A_533 = vector.shape_cast %get3A_532 : vector<1x16xf32> to vector<16xf32>
          %add3A_534 = arith.addf %add3A_512, %get3A_533 : vector<16xf32>
          %get3A_535 = arith.index_cast %scan3A_519 : i32 to index
          %get3A_536 = arith.constant 48 : index
          %get3A_537 = tpu.vector_load %arg14[%get3A_535, %get3A_536] {strides = array<i32>} : memref<104x64xf32, #tpu.memory_space<vmem>>, vector<1x16xf32>,
          %get3A_538 = vector.shape_cast %get3A_537 : vector<1x16xf32> to vector<16xf32>
          %add3A_539 = arith.addf %add3A_517, %get3A_538 : vector<16xf32>
          scf.yield %add3A_524, %add3A_529, %add3A_534, %add3A_539 : vector<16xf32>, vector<16xf32>, vector<16xf32>, vector<16xf32>
        }
        %scan3A_329 = arith.constant 104 : i32
        %add3A_330 = arith.addf %scan3A_306#0, %scan3A_328#0 : vector<16xf32>
        %swap3A_331 = arith.index_cast %add3A_292 : i32 to index
        %swap3A_332 = arith.constant 0 : index
        %swap3A_333 = tpu.vector_load %arg15[%swap3A_331, %swap3A_332] {strides = array<i32>} : memref<256x64xf32, #tpu.memory_space<vmem>>, vector<1x16xf32>,
        %swap3A_334 = vector.shape_cast %swap3A_333 : vector<1x16xf32> to vector<16xf32>
        %swap3A_335 = vector.shape_cast %add3A_330 : vector<16xf32> to vector<1x16xf32>
        tpu.vector_store %arg15[%swap3A_331, %swap3A_332], %swap3A_335 {strides = array<i32>} : memref<256x64xf32, #tpu.memory_space<vmem>>, vector<1x16xf32>,
        %add3A_336 = arith.addf %scan3A_306#1, %scan3A_328#1 : vector<16xf32>
        %swap3A_337 = arith.index_cast %add3A_292 : i32 to index
        %swap3A_338 = arith.constant 16 : index
        %swap3A_339 = tpu.vector_load %arg15[%swap3A_337, %swap3A_338] {strides = array<i32>} : memref<256x64xf32, #tpu.memory_space<vmem>>, vector<1x16xf32>,
        %swap3A_340 = vector.shape_cast %swap3A_339 : vector<1x16xf32> to vector<16xf32>
        %swap3A_341 = vector.shape_cast %add3A_336 : vector<16xf32> to vector<1x16xf32>
        tpu.vector_store %arg15[%swap3A_337, %swap3A_338], %swap3A_341 {strides = array<i32>} : memref<256x64xf32, #tpu.memory_space<vmem>>, vector<1x16xf32>,
        %add3A_342 = arith.addf %scan3A_306#2, %scan3A_328#2 : vector<16xf32>
        %swap3A_343 = arith.index_cast %add3A_292 : i32 to index
        %swap3A_344 = arith.constant 32 : index
        %swap3A_345 = tpu.vector_load %arg15[%swap3A_343, %swap3A_344] {strides = array<i32>} : memref<256x64xf32, #tpu.memory_space<vmem>>, vector<1x16xf32>,
        %swap3A_346 = vector.shape_cast %swap3A_345 : vector<1x16xf32> to vector<16xf32>
        %swap3A_347 = vector.shape_cast %add3A_342 : vector<16xf32> to vector<1x16xf32>
        tpu.vector_store %arg15[%swap3A_343, %swap3A_344], %swap3A_347 {strides = array<i32>} : memref<256x64xf32, #tpu.memory_space<vmem>>, vector<1x16xf32>,
        %add3A_348 = arith.addf %scan3A_306#3, %scan3A_328#3 : vector<16xf32>
        %swap3A_349 = arith.index_cast %add3A_292 : i32 to index
        %swap3A_350 = arith.constant 48 : index
        %swap3A_351 = tpu.vector_load %arg15[%swap3A_349, %swap3A_350] {strides = array<i32>} : memref<256x64xf32, #tpu.memory_space<vmem>>, vector<1x16xf32>,
        %swap3A_352 = vector.shape_cast %swap3A_351 : vector<1x16xf32> to vector<16xf32>
        %swap3A_353 = vector.shape_cast %add3A_348 : vector<16xf32> to vector<1x16xf32>
        tpu.vector_store %arg15[%swap3A_349, %swap3A_350], %swap3A_353 {strides = array<i32>} : memref<256x64xf32, #tpu.memory_space<vmem>>, vector<1x16xf32>,
        %add3A_354 = arith.constant 4 : i32
        %add3A_355 = arith.addi %add3A_292, %add3A_354 : i32
        %lt3A_356 = arith.constant 256 : i32
        %lt3A_357 = arith.cmpi slt, %add3A_355, %lt3A_356 : i32
        %convert_element_type3A_358 = arith.extui %lt3A_357 : i1 to i32
        %cond3A_359 = arith.constant 0 : i32
        %cond3A_360 = arith.cmpi ne, %convert_element_type3A_358, %cond3A_359 : i32
        scf.if %cond3A_360 {
          %add3A_362 = arith.constant 4 : i32
          %add3A_363 = arith.addi %add3A_292, %add3A_362 : i32
          %dma_start3A_364 = arith.constant 0 : i32
          %dma_start3A_365 = tpu.memref_slice %arg6[%add3A_363, %dma_start3A_364] : memref<256x104xi32, #tpu.memory_space<vmem>> -> memref<1x104xi32, #tpu.memory_space<vmem>>
          %dma_start3A_366 = tpu.memref_squeeze %dma_start3A_365 : memref<1x104xi32, #tpu.memory_space<vmem>> -> memref<104xi32, #tpu.memory_space<vmem>>
          %dma_start3A_367 = arith.constant 0 : i32
          %dma_start3A_368 = arith.constant 0 : i32
          %dma_start3A_369 = tpu.memref_slice %arg3[%dma_start3A_367, %dma_start3A_368] : memref<1000000x64xf32, #tpu.memory_space<hbm>> -> memref<1000000x64xf32, #tpu.memory_space<hbm>>
          tpu.enqueue_indirect_dma source(%dma_start3A_369 : memref<1000000x64xf32, #tpu.memory_space<hbm>>) target(%arg14 : memref<104x64xf32, #tpu.memory_space<vmem>>) offsets(%dma_start3A_366 : memref<104xi32, #tpu.memory_space<vmem>>) semaphore(%arg23 : memref<!tpu.dma_semaphore, #tpu.memory_space<semaphore_mem>>)
        } else {
        }
        %scan3A_361 = arith.constant 0 : i32
        scf.yield %scan3A_361 : i32
      }
      %scan3A_75 = arith.constant 64 : i32
      "tpu.region"() ({
        %run_scoped3A = tpu.sem_alloc : memref<!tpu.dma_semaphore, #tpu.memory_space<semaphore_mem>>
        %dma_start3A_77 = arith.constant 0 : i32
        %dma_start3A_78 = tpu.memref_slice %arg4[%add3A_13, %dma_start3A_77] : memref<16384x64xf32, #tpu.memory_space<hbm>> -> memref<256x64xf32, #tpu.memory_space<hbm>>
        %dma_start3A_79 = arith.constant 0 : i32
        %dma_start3A_80 = tpu.memref_slice %arg4[%add3A_13, %dma_start3A_79] : memref<16384x64xf32, #tpu.memory_space<hbm>> -> memref<256x64xf32, #tpu.memory_space<hbm>>
        tpu.enqueue_dma source(%arg15 : memref<256x64xf32, #tpu.memory_space<vmem>>) target(%dma_start3A_80 : memref<256x64xf32, #tpu.memory_space<hbm>>) target_semaphore(%run_scoped3A : memref<!tpu.dma_semaphore, #tpu.memory_space<semaphore_mem>>)
        %dma_wait3A = arith.constant 0 : i32
        %dma_wait3A_81 = tpu.memref_slice %arg4[%add3A_13, %dma_wait3A] : memref<16384x64xf32, #tpu.memory_space<hbm>> -> memref<256x64xf32, #tpu.memory_space<hbm>>
        %dma_wait3A_82 = arith.constant 0 : i32
        %dma_wait3A_83 = tpu.memref_slice %arg4[%add3A_13, %dma_wait3A_82] : memref<16384x64xf32, #tpu.memory_space<hbm>> -> memref<256x64xf32, #tpu.memory_space<hbm>>
        tpu.wait_dma2 semaphore(%run_scoped3A : memref<!tpu.dma_semaphore, #tpu.memory_space<semaphore_mem>>) src(%arg15 : memref<256x64xf32, #tpu.memory_space<vmem>>) dst(%dma_wait3A_83 : memref<256x64xf32, #tpu.memory_space<hbm>>)
        tpu.yield
      }) : () -> ()
      %scan3A_76 = arith.constant 0 : i32
      scf.yield %scan3A_76 : i32
    }
    %scan3A_8 = arith.constant 2 : i32
    return
  }
}

</mosaic_0001>

<sc_bundles>
// kernel: _pool.3.cloned.1.call-start
scs
__scs_entry_jumppad:
0x0: {  	(pc) =	sbr.rel $0x88, $3  }
0x1: {  	(tag) =	ssettag $0x0;
	lr =	simm.s32 $0x1  }
0x2: {  	[smem:$0x3F9F] =	sst lr;
	_ =	strace $0xD0000000  }
0x3: {  	_ = 	snop  }
0x4: {  	_ = 	snop  }
0x5: {  	_ = 	snop  }
0x6: {  	_ = 	snop  }
0x7: {  	_ = 	snop  }
__scs_overlays_trampoline_lowered:
0x8: {  	[smem:$0x3FAE] =	sst s0  }
0x9: {  	[smem:$0x3FAF] =	sst s1  }
0xa: {  	[smem:$0x3FB0] =	sst s2  }
0xb: {  	[smem:$0x3FB1] =	sst s3  }
0xc: {  	[smem:$0x3FB2] =	sst s4  }
0xd: {  	[smem:$0x3FB3] =	sst s5  }
0xe: {  	[smem:$0x3FB4] =	sst s6  }
0xf: {  	[smem:$0x3FB5] =	sst s7  }
0x10: {  	[smem:$0x3FB6] =	sst s8  }
0x11: {  	[smem:$0x3FB7] =	sst s9;
	s0 =	simm.s32 @!p0 $0x0  }
0x12: {  	s1 =	sld [smem:$0x3F9D];
	s0 =	simm.s32 @p0 $0x1  }
0x13: {  	[smem:$0x3FB8] =	sst s0;
	s0 =	simm.s32 @!p1 $0x0  }
0x14: {  	s2 =	sld [smem:$0x3F9C];
	s0 =	simm.s32 @p1 $0x1  }
0x15: {  	[smem:$0x3FB9] =	sst s0;
	s0 =	simm.s32 @!p2 $0x0  }
0x16: {  	s3 =	sld [smem:$0x3FDB];
	s0 =	simm.s32 @p2 $0x1  }
0x17: {  	s4 =	simm.s32 $0x1BF5;
	[smem:$0x3FBB] =	sst s0  }
0x18: {  	s0 =	sld [smem:$0x3F9E];
	_ =	swait.ge [sflag:s4], $0x0  }
0x19: {  	s7 =	sld [smem:$0x3F9F]  }
0x1a: {  	s8 =	sadd.s32 $0xFFFFE003, lr  }
0x1b: {  	s9 =	sadd.s32 $0xFFFFFEF7, lr;
	s5 =	simm.s32 $0xFFFFFFFF;
	p2 =	slt.u32 s8, $0xFFFFF086  }
0x1c: {  	p1 =	slt.u32 s9, $0xF7A;
	s5 =	simm.s32 @!p2 $0x0  }
0x1d: {  	s5 =	simm.s32 @p1 $0x1;
	p0 =	seq.s32 s7, s2  }
0x1e: {  	s7 =	smul.u32 @!p0 $0xF7A, s2;
	p2 =	seq.s32 @!p0 s5, $0x0  }
0x1f: {  	s9 =	smul.u32 $0xF7A, s1;
	s8 =	simm.s32 @!p0 $0x1BF5;
	p2 =	por !p2, p0  }
0x20: {  	[sflag:s8] =	ssyncset.s32 @!p0 $0xFFFFF086;
	s6 =	sadd.s32 @!p0 s3, s7;
	s7 =	simm.s32 @!p0 $0x108  }
0x21: {  	s3 =	sadd.s32 s3, s9;
	s6 =	sadd.s32 @!p0 $0x88, s6;
	s7 =	simm.s32 @p2 $0x1082  }
0x22: {  	[simem:s7], [sflag:s8] =	dma.local @!p0 [hbm:s6], $0xF7A  }
0x23: {  	s9 =	sor.u32 $0xD0000000, s2;
	s6 =	simm.s32 $0x108;
	_ =	swait.ge @!p0 [sflag:s8], $0x0  }
0x24: {  	s3 =	sadd.s32 $0x88, s3;
	s6 =	simm.s32 @!p1 $0x1082;
	[sflag:s4] =	ssyncset.s32 $0xFFFFF086  }
0x25: {  	[simem:s6], [sflag:s4] =	dma.local [hbm:s3], $0xF7A  }
0x26: {  	[smem:$0x3F9F] =	sst s1;
	(tag) =	ssettag s2;
	_ =	strace s9  }
0x27: {  	s1 =	sld [smem:$0x3FAF]  }
0x28: {  	s2 =	sld [smem:$0x3FB0]  }
0x29: {  	s4 =	sld [smem:$0x3FB2]  }
0x2a: {  	p0 =	seq.s32 s5, $0x0;
	s5 =	sld [smem:$0x3FB3]  }
0x2b: {  	s6 =	sld [smem:$0x3FB4]  }
0x2c: {  	s7 =	sld [smem:$0x3FB5]  }
0x2d: {  	s3 =	simm.s32 $0x108;
	s8 =	sld [smem:$0x3FB6]  }
0x2e: {  	s3 =	simm.s32 @!p0 $0x1082;
	s9 =	sld [smem:$0x3FB7]  }
0x2f: {  	lr =	sadd.s32 s0, s3;
	s0 =	sld [smem:$0x3FAE]  }
0x30: {  	s3 =	sld [smem:$0x3FB1]  }
0x31: {  	[smem:$0x3FBA] =	sst s10  }
0x32: {  	s10 =	sld [smem:$0x3FB8];
	_ =	sdelay $0x3  }
0x33: {  	p0 =	seq.s32 s10, $0x1;
	s10 =	sld [smem:$0x3FBA];
	_ =	sdelay $0x3  }
0x34: {  	[smem:$0x3FBA] =	sst s10  }
0x35: {  	s10 =	sld [smem:$0x3FB9];
	_ =	sdelay $0x3  }
0x36: {  	p1 =	seq.s32 s10, $0x1;
	s10 =	sld [smem:$0x3FBA];
	_ =	sdelay $0x3  }
0x37: {  	[smem:$0x3FBA] =	sst s10  }
0x38: {  	s10 =	sld [smem:$0x3FBB]  }
0x39: {  	_ = 	snop;
	(pc) =	sbr.ind lr, $3  }
0x3a: {  	_ = 	snop  }
0x3b: {  	_ = 	snop  }
0x3c: {  	p2 =	seq.s32 s10, $0x1;
	s10 =	sld [smem:$0x3FBA]  }
0x3d: {  	_ =	shalt  }
0x3e: {  	_ =	shalt  }
0x3f: {  	_ =	shalt  }
0x40: {  	_ =	shalt  }
0x41: {  	_ =	shalt  }
0x42: {  	_ =	shalt  }
0x43: {  	_ =	shalt  }
0x44: {  	_ =	shalt  }
0x45: {  	_ =	shalt  }
0x46: {  	_ =	shalt  }
0x47: {  	_ =	shalt  }
0x48: {  	_ =	shalt  }
0x49: {  	_ =	shalt  }
0x4a: {  	_ =	shalt  }
0x4b: {  	_ =	shalt  }
0x4c: {  	_ =	shalt  }
0x4d: {  	_ =	shalt  }
0x4e: {  	_ =	shalt  }
0x4f: {  	_ =	shalt  }
0x50: {  	_ =	shalt  }
0x51: {  	_ =	shalt  }
0x52: {  	_ =	shalt  }
0x53: {  	_ =	shalt  }
0x54: {  	_ =	shalt  }
0x55: {  	_ =	shalt  }
0x56: {  	_ =	shalt  }
0x57: {  	_ =	shalt  }
0x58: {  	_ =	shalt  }
0x59: {  	_ =	shalt  }
0x5a: {  	_ =	shalt  }
0x5b: {  	_ =	shalt  }
0x5c: {  	_ =	shalt  }
0x5d: {  	_ =	shalt  }
0x5e: {  	_ =	shalt  }
0x5f: {  	_ =	shalt  }
0x60: {  	_ =	shalt  }
0x61: {  	_ =	shalt  }
0x62: {  	_ =	shalt  }
0x63: {  	_ =	shalt  }
0x64: {  	_ =	shalt  }
0x65: {  	_ =	shalt  }
0x66: {  	_ =	shalt  }
0x67: {  	_ =	shalt  }
0x68: {  	_ =	shalt  }
0x69: {  	_ =	shalt  }
0x6a: {  	_ =	shalt  }
0x6b: {  	_ =	shalt  }
0x6c: {  	_ =	shalt  }
0x6d: {  	_ =	shalt  }
0x6e: {  	_ =	shalt  }
0x6f: {  	_ =	shalt  }
0x70: {  	_ =	shalt  }
0x71: {  	_ =	shalt  }
0x72: {  	_ =	shalt  }
0x73: {  	_ =	shalt  }
0x74: {  	_ =	shalt  }
0x75: {  	_ =	shalt  }
0x76: {  	_ =	shalt  }
0x77: {  	_ =	shalt  }
0x78: {  	_ =	shalt  }
0x79: {  	_ =	shalt  }
0x7a: {  	_ =	shalt  }
0x7b: {  	_ =	shalt  }
0x7c: {  	_ =	shalt  }
0x7d: {  	_ =	shalt  }
0x7e: {  	_ =	shalt  }
0x7f: {  	_ =	shalt  }
0x80: {  	_ =	shalt  }
0x81: {  	_ =	shalt  }
0x82: {  	_ =	shalt  }
0x83: {  	_ =	shalt  }
0x84: {  	_ =	shalt  }
0x85: {  	_ =	shalt  }
0x86: {  	_ =	shalt  }
0x87: {  	_ =	shalt  }
.Lfunc_end0:
.L_simem_size_0:
called_computation_lowered:
.L_overlay_start_0:
0x88: {  	s2 =	sld [smem:$0x3FD9]  }
0x89: {  	s3 =	sld [smem:$0x3FFE];
	_ =	sdelay $0x1  }
0x8a: {  	s1 =	srdreg.scid  }
0x8b: {  	s0 =	sand.u32 $0x1, s1  }
0x8c: {  	s17 =	sshll.u32 s0, $0xA;
	s2 =	sadd.s32 s3, s2  }
0x8d: {  	s2 =	sadd.s32 s2, s17  }
0x8e: {  	[smem:$0x3FC6] =	sst s2  }
0x8f: {  	_ = 	snop  }
0x90: {  	s2 =	sld [smem:$0x3FD0];
	(tm) =	ssettm $0x1  }
0x91: {  	s18 =	sld [smem:$0x3FFB];
	_ =	sdelay $0x3  }
0x92: {  	_ =	strace s18  }
0x93: {  	s3 =	sld [smem:$0x3FFC];
	_ =	sdelay $0x3  }
0x94: {  	_ =	strace s3  }
0x95: {  	s3 =	sld [smem:$0x3FFD];
	_ =	sdelay $0x3  }
0x96: {  	_ =	strace s3  }
0x97: {  	_ =	strace $0x8FFFFFFF  }
0x98: {  	s19 =	sld [smem:$0x3FDB];
	_ =	sdelay $0x1  }
0x99: {  	s4 =	simm.s32 $_scs_section_size  }
0x9a: {  	s5 =	simm.s32 $_size__tile_overlayer_lowered;
	s6 =	simm.s32 $_tile_overlayer_lowered  }
0x9b: {  	s22 =	simm.s32 $0x1BFF;
	s21 =	sshll.u32 s6, $0x1;
	s3 =	sadd.s32 s4, s19  }
0x9c: {  	s7 =	simm.s32 $0x0;
	s20 =	sshll.u32 s5, $0x1;
	s5 =	sadd.s32 s21, s3  }
0x9d: {  	[timem:s7], [sflag:s22] =	dma.local [hbm:s5], s20  }
0x9e: {  	_ =	swait.ge [sflag:s22], s20  }
0x9f: {  	s4 =	ssub.s32 $0x0, s20;
	[sflag:s22] =	ssyncset.done $0x0  }
0xa0: {  	[sflag:s22] =	ssyncadd.s32 s4;
	_ =	sdelay $0x1  }
0xa1: {  	s23 =	simm.s32 $0x1B8B  }
0xa2: {  	_ =	swait.ge [sflag:s23], $0x1  }
0xa3: {  	[sflag:s23] =	ssyncset.done $0x0  }
0xa4: {  	s25 =	simm.s32 $0x1B8E;
	s24 =	sld [smem:$0x3FFE];
	[sflag:s23] =	ssyncadd.s32 $0xFFFFFFFF  }
0xa5: {  	s26 =	simm.s32 $execute0_lowered;
	[smem:$0x3FD2] =	sst s25  }
0xa6: {  	s5 =	sshll.u32 s26, $0x1;
	_ =	strace $0x80000046;
	[dreg:$0x1] =	wrdreg $0xFFFFFFFF  }
0xa7: {  	s28 =	simm.s32 $_size_execute0_lowered;
	s3 =	sadd.s32 s3, s5;
	[dreg:$0x0] =	wrdreg $0x0  }
0xa8: {  	s5 =	sshll.u32 s28, $0x1;
	[dreg:$0x2] =	wrdreg s3  }
0xa9: {  	[dreg:$0x3] =	wrdreg s5  }
0xaa: {  	[dreg:$0x4] =	wrdreg $0xC0  }
0xab: {  	_ =	task [dreg:s7], $0x5FFFF  }
0xac: {  	[dreg:$0x1] =	wrdreg $0xFFFFFFFF  }
0xad: {  	[dreg:$0x0] =	wrdreg $0x60  }
0xae: {  	[dreg:$0x2] =	wrdreg s24  }
0xaf: {  	[dreg:$0x3] =	wrdreg s2  }
0xb0: {  	[dreg:$0x4] =	wrdreg $0x9  }
0xb1: {  	_ =	task.clear_ibuf [dreg:s7], $0x5FFFF;
	_ =	strace $0x90000046  }
0xb2: {  	s29 =	simm.s32 $0x9;
	_ =	strace $0x80000048  }
0xb3: {  	_ =	swait.ge [sflag:s29], $0x1  }
0xb4: {  	[sflag:s29] =	ssyncadd.s32 $0xFFFFFFFF  }
0xb5: {  	_ =	strace $0x90000048  }
0xb6: {  	_ =	sfence  }
0xb7: {  	s30 =	sld [smem:$0x0];
	_ =	sdelay $0x2  }
0xb8: {  	s31 =	sshll.u32 s1, $0xD;
	s1 =	sshrl.u32 s1, $0x2  }
0xb9: {  	s3 =	sand.u32 $0x4000, s31;
	s1 =	sadd.s32 s1, s30  }
0xba: {  	s0 =	sor.u32 s3, s0;
	s1 =	sshll.u32 s1, $0x11  }
0xbb: {  	s0 =	sor.u32 s1, s0  }
0xbc: {  	s0 =	sadd.s32 $0x8F2B, s0  }
0xbd: {  	[sflag:s0] =	ssyncadd.remote.s32 $0x1  }
0xbe: {  	_ =	sfence.sel $0xFFFF  }
0xbf: {  	[dreg:$0x0] =	wrdreg $0xFFFFFFFF;
	(pc) =	sbr.abs _section_cstart, $3  }
0xc0: {  	[dreg:$0x1] =	wrdreg $0xFFFFFFFF  }
0xc1: {  	_ =	task.clear_ibuf [dreg:s7], $0x2FFFF;
	_ =	strace $0x9FFFFFFF  }
0xc2: {  	(tm) =	ssettm $0x7FFFFFFF  }
0xc3: {  	_ =	shalt  }
tec
execute0_lowered:
.L_overlay_start_1:
0x0: {  	(tag) =	ssettag $0x1  }
0x1: {  	s0 =	rddreg [dreg:$0x0];
	s1 =	simm.s32 $0x0;
	s25 =	srdreg.scid  }
0x2: {  	s5 =	stileid.u32;
	s9 =	simm.s32 $0x60;
	s10 =	simm.s32 $0xC8  }
0x3: {  	s11 =	simm.s32 $0x9;
	s12 =	simm.s32 $0x68;
	s13 =	simm.s32 $0x6000  }
0x4: {  	s22 =	simm.s32 $0x14400;
	s23 =	simm.s32 $0x120;
	s24 =	simm.s32 $0x15E00  }
0x5: {  	s28 =	simm.s32 $0x1;
	s29 =	simm.s32 $0x2;
	s30 =	simm.s32 $0x3  }
0x6: {  	s31 =	simm.s32 $0x4;
	s8 =	simm.s32 $0x7;
	s15 =	simm.s32 $0x0  }
0x7: {  	[smem:$0x7FF] =	sst s1;
	s1 =	sand.u32 $0x1, s25;
	s4 =	sadd.s32 $0x600, s0  }
0x8: {  	s6 =	sshll.u32 s5, $0xA;
	s5 =	sadd.s32 $0xF42A00, s0;
	s7 =	sadd.s32 $0x60C, s0  }
.Ltmp0:
0x9: {  	s25 =	simm.s32 $0x6138;
	s2 =	ssub.s32 $0x2, s1;
	(pc) =	sbr.rel .LBB2_1-.Ltmp0, $4  }
0xa: {  	s0 =	simm.s32 $0x5;
	s1 =	sshll.u32 s1, $0x9;
	s3 =	sshrl.u32 s2, $0x1  }
0xb: {  	_ =	strace $0x80000047;
	s6 =	sor.u32 s1, s6;
	s2 =	ssub.s32 s2, s3  }
0xc: {  	s1 =	simm.s32 $0x8;
	s3 =	simm.s32 $0x6;
	s26 =	smax.u32 s2, $0x1  }
0xd: {  	s2 =	simm.s32 $0x19000;
	[dreg:$0x3] =	wrdreg s26;
	s26 =	simm.s32 $0x17600  }
.LBB2_22:
0xe: {  	s15 =	rddreg [dreg:$0x4]  }
0xf: {  	s14 =	rddreg [dreg:$0x3];
	s15 =	sadd.s32 $0x1, s15  }
0x10: {  	p0 =	sne.s32 s15, s14  }
.Ltmp1:
0x11: {  	_ = 	snop;
	(pc) =	sbr.rel @!p0 .LBB2_23-.Ltmp1, $1  }
0x12: {  	_ =	sdelay $0x3  }
.LBB2_1:
.Ltmp2:
0x13: {  	(pc) =	sbr.rel .LBB2_2-.Ltmp2, $2  }
0x14: {  	_ =	sdelay $0x2  }
0x15: {  	[dreg:$0x4] =	wrdreg s15;
	p1 =	por $0x1, $0x1;
	s14 =	simm.s32 $0x0  }
.LBB2_21:
0x16: {  	s14 =	sshll.u32 s14, $0x3;
	s15 =	rddreg [dreg:$0x1]  }
.Ltmp3:
0x17: {  	s21 =	simm.s32 $0x0;
	s14 =	sadd.s32 s15, s14;
	(pc) =	sbr.rel @!p0 .LBB2_22-.Ltmp3, $4  }
0x18: {  	[hbm4b:s14+s21] =	stream.linear.scatter [tilespmem:s2], [sflag:$0x9], $0x4000, $0x38;
	[tilespmem:$0x1D000] =	vst v63  }
0x19: {  	_ =	swait.ge [sflag:s11], $0x4000  }
0x1a: {  	[sflag:s11] =	ssyncset.done $0x0  }
0x1b: {  	p1 =	por $0x0, $0x0;
	s14 =	simm.s32 $0x100;
	[sflag:s11] =	ssyncadd.s32 $0xFFFFC000  }
.LBB2_2:
0x1c: {  	s14 =	sor.u32 s6, s14  }
0x1d: {  	s16 =	smul.u32 $0x19, s14;
	_ =	sdelay $0x1  }
0x1e: {  	s15 =	simm.s32 $0x0;
	s17 =	sadd.s32 s4, s16  }
0x1f: {  	[tilespmem:s15], [sflag:$0x9] =	stream.strided.gather [hbm4b:s17+s9], $0x6000, s10, s9, $0x38;
	[tilespmem:$0x1D000] =	vst v63  }
0x20: {  	_ =	swait.ge [sflag:s11], $0x6000  }
0x21: {  	[sflag:s11] =	ssyncset.done $0x0  }
0x22: {  	s16 =	sadd.s32 s16, s7;
	[sflag:s11] =	ssyncadd.s32 $0xFFFFA000  }
0x23: {  	[tilespmem:s13], [sflag:$0x9] =	stream.strided.gather [hbm4b:s16+s12], $0x6800, s10, s12, $0x38;
	[tilespmem:$0x1D000] =	vst v63  }
0x24: {  	_ =	swait.ge [sflag:s11], $0x6800  }
0x25: {  	[sflag:s11] =	ssyncset.done $0x0  }
0x26: {  	s19 =	simm.s32 $0xC800;
	[sflag:s11] =	ssyncadd.s32 $0xFFFF9800  }
0x27: {  	[tilespmem:s19], [sflag:$0x1] =	stream.indirect.gather [hbm4b:s5+s9], $0x40, s15, s9, $0xb8;
	[tilespmem:$0x1D000] =	vst v63  }
0x28: {  	s20 =	simm.s32 $0xE000  }
0x29: {  	[tilespmem:s20], [sflag:$0x2] =	stream.indirect.gather [hbm4b:s5+s12], $0x40, s13, s12, $0xb8;
	[tilespmem:$0x1D000] =	vst v63  }
0x2a: {  	s21 =	simm.s32 $0xFA00  }
0x2b: {  	[tilespmem:s21], [sflag:$0x3] =	stream.indirect.gather [hbm4b:s5+s9], $0x40, s9, s9, $0xb8;
	[tilespmem:$0x1D000] =	vst v63  }
0x2c: {  	s18 =	simm.s32 $0x11200;
	s17 =	simm.s32 $0x6068  }
0x2d: {  	[tilespmem:s18], [sflag:$0x4] =	stream.indirect.gather [hbm4b:s5+s12], $0x40, s17, s12, $0xb8;
	[tilespmem:$0x1D000] =	vst v63  }
0x2e: {  	s19 =	simm.s32 $0xC0;
	s20 =	simm.s32 $0x12C00  }
0x2f: {  	[tilespmem:s20], [sflag:$0x5] =	stream.indirect.gather [hbm4b:s5+s9], $0x40, s19, s9, $0xb8;
	[tilespmem:$0x1D000] =	vst v63  }
0x30: {  	s21 =	simm.s32 $0x60D0  }
0x31: {  	[tilespmem:s22], [sflag:$0x6] =	stream.indirect.gather [hbm4b:s5+s12], $0x40, s21, s12, $0xb8;
	[tilespmem:$0x1D000] =	vst v63  }
0x32: {  	_ = 	snop  }
0x33: {  	[tilespmem:s24], [sflag:$0x7] =	stream.indirect.gather [hbm4b:s5+s9], $0x40, s23, s9, $0xb8;
	[tilespmem:$0x1D000] =	vst v63  }
0x34: {  	p0 =	por p1, p1  }
0x35: {  	[tilespmem:s26], [sflag:$0x8] =	stream.indirect.gather [hbm4b:s5+s12], $0x40, s25, s12, $0xb8;
	[tilespmem:$0x1D000] =	vst v63  }
.LBB2_3:
0x36: {  	_ =	swait.ge [sflag:s28], $0x1800  }
0x37: {  	[sflag:s28] =	ssyncset.done $0x0  }
0x38: {  	s17 =	simm.s32 $0xC900;
	[sflag:s28] =	ssyncadd.s32 $0xFFFFE800  }
0x39: {  	v0 =	vld [tilespmem:s17+$0xC0]  }
0x3a: {  	v1 =	vld [tilespmem:s17+$0xD0]  }
0x3b: {  	v2 =	vld [tilespmem:s17+$0x80]  }
0x3c: {  	v3 =	vld [tilespmem:s17+$0x90]  }
0x3d: {  	v4 =	vld [tilespmem:s17+$0x40]  }
0x3e: {  	v5 =	vld [tilespmem:s17+$0x50]  }
0x3f: {  	v6 =	vld [tilespmem:s17+$0x0]  }
0x40: {  	v7 =	vld [tilespmem:s17+$0x10]  }
0x41: {  	v9 =	vld [tilespmem:s17+$0xFFFFFFC0]  }
0x42: {  	v10 =	vld [tilespmem:s17+$0xFFFFFFD0]  }
0x43: {  	v8 =	vld [tilespmem:s17+$0xFFFFFF80]  }
0x44: {  	v11 =	vld [tilespmem:s17+$0xFFFFFF90]  }
0x45: {  	v12 =	vld [tilespmem:s17+$0xFFFFFF40]  }
0x46: {  	v13 =	vld [tilespmem:s17+$0xFFFFFF50]  }
0x47: {  	v14 =	vld [tilespmem:s17+$0xFFFFFF00]  }
0x48: {  	v15 =	vld [tilespmem:s17+$0xFFFFFF10]  }
0x49: {  	v16 =	vld [tilespmem:s17+$0xFFFFFF20]  }
0x4a: {  	v17 =	vld [tilespmem:s17+$0xFFFFFF30]  }
0x4b: {  	v18 =	vld [tilespmem:s17+$0xFFFFFF60]  }
0x4c: {  	v19 =	vld [tilespmem:s17+$0xFFFFFF70]  }
0x4d: {  	v20 =	vimm.f32 $0.0e+00;
	v21 =	vld [tilespmem:s17+$0xFFFFFFA0]  }
0x4e: {  	v22 =	vld [tilespmem:s17+$0xFFFFFFB0];
	v14 =	vadd.f32 v14, v20;
	v15 =	vadd.f32 v15, v20  }
0x4f: {  	v63 =	vld [tilespmem:s17+$0xFFFFFFE0];
	v16 =	vadd.f32 v16, v20;
	v17 =	vadd.f32 v17, v20  }
0x50: {  	v12 =	vadd.f32 v12, v14;
	v13 =	vadd.f32 v13, v15;
	v14 =	vld [tilespmem:s17+$0xFFFFFFF0]  }
0x51: {  	v15 =	vadd.f32 v18, v16;
	v16 =	vadd.f32 v19, v17;
	v17 =	vld [tilespmem:s17+$0x20]  }
0x52: {  	v12 =	vadd.f32 v8, v12;
	v11 =	vadd.f32 v11, v13;
	v13 =	vld [tilespmem:s17+$0x30]  }
0x53: {  	v15 =	vadd.f32 v21, v15;
	v16 =	vadd.f32 v22, v16;
	v8 =	vld [tilespmem:s17+$0x60]  }
0x54: {  	v12 =	vadd.f32 v9, v12;
	v10 =	vadd.f32 v10, v11;
	v11 =	vld [tilespmem:s17+$0x70]  }
0x55: {  	v15 =	vadd.f32 v63, v15;
	v9 =	vld [tilespmem:s17+$0xA0];
	v16 =	vadd.f32 v14, v16  }
0x56: {  	v6 =	vadd.f32 v6, v12;
	v7 =	vadd.f32 v7, v10;
	v12 =	vld [tilespmem:s17+$0xB0]  }
0x57: {  	v14 =	vadd.f32 v17, v15;
	v10 =	vld [tilespmem:s17+$0xE0];
	v15 =	vadd.f32 v13, v16  }
0x58: {  	s16 =	simm.s32 $0x0;
	v13 =	vld [tilespmem:s17+$0xF0];
	s17 =	simm.s32 $0xCB00;
	v16 =	vadd.f32 v4, v6;
	v17 =	vadd.f32 v5, v7  }
.LBB2_4:
0x59: {  	v4 =	vld [tilespmem:s17+$0xC0];
	v5 =	vadd.f32 v8, v14;
	v6 =	vadd.f32 v11, v15  }
0x5a: {  	v7 =	vld [tilespmem:s17+$0xD0];
	v8 =	vadd.f32 v2, v16;
	v11 =	vadd.f32 v3, v17  }
0x5b: {  	v2 =	vld [tilespmem:s17+$0x80];
	v5 =	vadd.f32 v9, v5;
	v6 =	vadd.f32 v12, v6  }
0x5c: {  	v3 =	vld [tilespmem:s17+$0x90];
	v8 =	vadd.f32 v0, v8;
	v9 =	vadd.f32 v1, v11  }
0x5d: {  	v16 =	vld [tilespmem:s17+$0x40];
	v5 =	vadd.f32 v10, v5;
	v6 =	vadd.f32 v13, v6  }
0x5e: {  	v13 =	vld [tilespmem:s17+$0x50];
	v0 =	vmov v4  }
0x5f: {  	v4 =	vld [tilespmem:s17+$0x0];
	v1 =	vmov v7  }
0x60: {  	v7 =	vld [tilespmem:s17+$0x10]  }
0x61: {  	v10 =	vld [tilespmem:s17+$0xFFFFFFC0]  }
0x62: {  	v11 =	vld [tilespmem:s17+$0xFFFFFFD0]  }
0x63: {  	v12 =	vld [tilespmem:s17+$0xFFFFFF80]  }
0x64: {  	v14 =	vld [tilespmem:s17+$0xFFFFFF90]  }
0x65: {  	v15 =	vld [tilespmem:s17+$0xFFFFFF40]  }
0x66: {  	v17 =	vld [tilespmem:s17+$0xFFFFFF50]  }
0x67: {  	v18 =	vld [tilespmem:s17+$0xFFFFFF00]  }
0x68: {  	v19 =	vld [tilespmem:s17+$0xFFFFFF10]  }
0x69: {  	v20 =	vld [tilespmem:s17+$0xFFFFFF20]  }
0x6a: {  	s16 =	sadd.s32 $0x8, s16;
	v21 =	vld [tilespmem:s17+$0xFFFFFF30]  }
0x6b: {  	p1 =	slt.u32 s16, $0x58;
	v22 =	vld [tilespmem:s17+$0xFFFFFF60]  }
0x6c: {  	v23 =	vld [tilespmem:s17+$0xFFFFFF70]  }
0x6d: {  	v24 =	vld [tilespmem:s17+$0xFFFFFFA0]  }
0x6e: {  	v8 =	vadd.f32 v18, v8;
	v9 =	vadd.f32 v19, v9;
	v18 =	vld [tilespmem:s17+$0xFFFFFFB0]  }
0x6f: {  	v5 =	vadd.f32 v20, v5;
	v6 =	vadd.f32 v21, v6;
	v19 =	vld [tilespmem:s17+$0xFFFFFFE0]  }
0x70: {  	v8 =	vadd.f32 v15, v8;
	v9 =	vadd.f32 v17, v9;
	v15 =	vld [tilespmem:s17+$0xFFFFFFF0]  }
0x71: {  	v5 =	vadd.f32 v22, v5;
	v6 =	vadd.f32 v23, v6;
	v17 =	vld [tilespmem:s17+$0x20]  }
0x72: {  	v12 =	vadd.f32 v12, v8;
	v9 =	vadd.f32 v14, v9;
	v20 =	vld [tilespmem:s17+$0x30]  }
0x73: {  	v5 =	vadd.f32 v24, v5;
	v6 =	vadd.f32 v18, v6;
	v8 =	vld [tilespmem:s17+$0x60]  }
.Ltmp4:
0x74: {  	v10 =	vadd.f32 v10, v12;
	v12 =	vadd.f32 v11, v9;
	v11 =	vld [tilespmem:s17+$0x70];
	(pc) =	sbr.rel @p1 .LBB2_4-.Ltmp4, $4  }
0x75: {  	v5 =	vadd.f32 v19, v5;
	v6 =	vadd.f32 v15, v6;
	v9 =	vld [tilespmem:s17+$0xA0]  }
0x76: {  	v4 =	vadd.f32 v4, v10;
	v7 =	vadd.f32 v7, v12;
	v12 =	vld [tilespmem:s17+$0xB0]  }
0x77: {  	v14 =	vadd.f32 v17, v5;
	v15 =	vadd.f32 v20, v6;
	v10 =	vld [tilespmem:s17+$0xE0]  }
0x78: {  	v16 =	vadd.f32 v16, v4;
	v17 =	vadd.f32 v13, v7;
	v13 =	vld [tilespmem:s17+$0xF0];
	s17 =	sadd.s32 $0x200, s17  }
0x79: {  	s17 =	sshll.u32 s15, $0x2  }
0x7a: {  	p1 =	seq.s32 s15, $0x3F;
	s18 =	sadd.s32 $0x4, s17  }
0x7b: {  	s16 =	smul.u32 @!p1 $0x180, s18;
	_ =	sdelay $0x1  }
0x7c: {  	s19 =	simm.s32 @!p1 $0x60;
	s20 =	simm.s32 @!p1 $0xC800;
	s16 =	sshra.s32 @!p1 s16, $0x2  }
0x7d: {  	[tilespmem:s20], [sflag:$0x1] =	stream.indirect.gather @!p1 [hbm4b:s5+s19], $0x40, s16, s19, $0xb8;
	[tilespmem:$0x1D000] =	vst v63  }
0x7e: {  	_ =	swait.ge [sflag:s29], $0x1A00  }
0x7f: {  	[sflag:s29] =	ssyncset.done $0x0  }
0x80: {  	s21 =	simm.s32 $0xE100;
	[sflag:s29] =	ssyncadd.s32 $0xFFFFE600  }
0x81: {  	v4 =	vld [tilespmem:s21+$0xC0]  }
0x82: {  	v5 =	vld [tilespmem:s21+$0xD0]  }
0x83: {  	v6 =	vld [tilespmem:s21+$0x80]  }
0x84: {  	v7 =	vld [tilespmem:s21+$0x90]  }
0x85: {  	v18 =	vld [tilespmem:s21+$0x40]  }
0x86: {  	v19 =	vld [tilespmem:s21+$0x50]  }
0x87: {  	v20 =	vld [tilespmem:s21+$0x0]  }
0x88: {  	v21 =	vld [tilespmem:s21+$0x10]  }
0x89: {  	v22 =	vld [tilespmem:s21+$0xFFFFFFC0]  }
0x8a: {  	v23 =	vld [tilespmem:s21+$0xFFFFFFD0]  }
0x8b: {  	v24 =	vld [tilespmem:s21+$0xFFFFFF80]  }
0x8c: {  	v25 =	vld [tilespmem:s21+$0xFFFFFF90]  }
0x8d: {  	v26 =	vld [tilespmem:s21+$0xFFFFFF40]  }
0x8e: {  	v27 =	vld [tilespmem:s21+$0xFFFFFF50]  }
0x8f: {  	v28 =	vld [tilespmem:s21+$0xFFFFFF00]  }
0x90: {  	v29 =	vld [tilespmem:s21+$0xFFFFFF10]  }
0x91: {  	v8 =	vadd.f32 v8, v14;
	v11 =	vadd.f32 v11, v15;
	v14 =	vld [tilespmem:s21+$0xFFFFFF20]  }
0x92: {  	v2 =	vadd.f32 v2, v16;
	v15 =	vadd.f32 v3, v17;
	v16 =	vld [tilespmem:s21+$0xFFFFFF30]  }
0x93: {  	v8 =	vadd.f32 v9, v8;
	v9 =	vadd.f32 v12, v11;
	v11 =	vld [tilespmem:s21+$0xFFFFFF60]  }
0x94: {  	v3 =	vadd.f32 v0, v2;
	v1 =	vadd.f32 v1, v15;
	v12 =	vld [tilespmem:s21+$0xFFFFFF70]  }
0x95: {  	v2 =	vadd.f32 v10, v8;
	v0 =	vadd.f32 v13, v9;
	v8 =	vimm.f32 $0.0e+00;
	v9 =	vld [tilespmem:s21+$0xFFFFFFA0]  }
0x96: {  	v15 =	vld [tilespmem:s21+$0xFFFFFFB0];
	v10 =	vadd.f32 v28, v8;
	v13 =	vadd.f32 v29, v8  }
0x97: {  	v17 =	vld [tilespmem:s21+$0xFFFFFFF0];
	v14 =	vadd.f32 v14, v8;
	v8 =	vadd.f32 v16, v8  }
0x98: {  	v16 =	vld [tilespmem:s21+$0xFFFFFFE0];
	v10 =	vadd.f32 v26, v10;
	v13 =	vadd.f32 v27, v13  }
0x99: {  	v11 =	vadd.f32 v11, v14;
	v8 =	vadd.f32 v12, v8;
	v14 =	vld [tilespmem:s21+$0x20]  }
0x9a: {  	v10 =	vadd.f32 v24, v10;
	v12 =	vadd.f32 v25, v13;
	v13 =	vld [tilespmem:s21+$0x30]  }
0x9b: {  	v9 =	vadd.f32 v9, v11;
	v11 =	vadd.f32 v15, v8;
	v8 =	vld [tilespmem:s21+$0x60]  }
0x9c: {  	v15 =	vadd.f32 v22, v10;
	v12 =	vadd.f32 v23, v12;
	v10 =	vld [tilespmem:s21+$0x70]  }
0x9d: {  	v16 =	vadd.f32 v16, v9;
	v11 =	vadd.f32 v17, v11;
	v9 =	vld [tilespmem:s21+$0xA0]  }
0x9e: {  	v17 =	vadd.f32 v20, v15;
	v63 =	vadd.f32 v21, v12;
	v12 =	vld [tilespmem:s21+$0xB0]  }
0x9f: {  	v15 =	vadd.f32 v14, v16;
	v14 =	vadd.f32 v13, v11;
	v11 =	vld [tilespmem:s21+$0xE0]  }
0xa0: {  	s16 =	simm.s32 $0x0;
	s19 =	simm.s32 $0xE300;
	v13 =	vld [tilespmem:s21+$0xF0];
	v17 =	vadd.f32 v18, v17;
	v16 =	vadd.f32 v19, v63  }
.LBB2_6:
0xa1: {  	v18 =	vld [tilespmem:s19+$0xC0];
	v8 =	vadd.f32 v8, v15;
	v10 =	vadd.f32 v10, v14  }
0xa2: {  	v14 =	vld [tilespmem:s19+$0xD0];
	v15 =	vadd.f32 v6, v17;
	v16 =	vadd.f32 v7, v16  }
0xa3: {  	v6 =	vld [tilespmem:s19+$0x80];
	v8 =	vadd.f32 v9, v8;
	v9 =	vadd.f32 v12, v10  }
0xa4: {  	v7 =	vld [tilespmem:s19+$0x90];
	v10 =	vadd.f32 v4, v15;
	v12 =	vadd.f32 v5, v16  }
0xa5: {  	v16 =	vld [tilespmem:s19+$0x40];
	v8 =	vadd.f32 v11, v8;
	v9 =	vadd.f32 v13, v9  }
0xa6: {  	v13 =	vld [tilespmem:s19+$0x50];
	v4 =	vmov v18  }
0xa7: {  	v11 =	vld [tilespmem:s19+$0x0];
	v5 =	vmov v14  }
0xa8: {  	v14 =	vld [tilespmem:s19+$0x10]  }
0xa9: {  	v15 =	vld [tilespmem:s19+$0xFFFFFFC0]  }
0xaa: {  	v17 =	vld [tilespmem:s19+$0xFFFFFFD0]  }
0xab: {  	v18 =	vld [tilespmem:s19+$0xFFFFFF80]  }
0xac: {  	v19 =	vld [tilespmem:s19+$0xFFFFFF90]  }
0xad: {  	v20 =	vld [tilespmem:s19+$0xFFFFFF40]  }
0xae: {  	v21 =	vld [tilespmem:s19+$0xFFFFFF50]  }
0xaf: {  	v22 =	vld [tilespmem:s19+$0xFFFFFF00]  }
0xb0: {  	v23 =	vld [tilespmem:s19+$0xFFFFFF10]  }
0xb1: {  	v24 =	vld [tilespmem:s19+$0xFFFFFF20]  }
0xb2: {  	s16 =	sadd.s32 $0x8, s16;
	v25 =	vld [tilespmem:s19+$0xFFFFFF30]  }
0xb3: {  	p2 =	slt.u32 s16, $0x60;
	v26 =	vld [tilespmem:s19+$0xFFFFFF60]  }
0xb4: {  	v27 =	vld [tilespmem:s19+$0xFFFFFF70]  }
0xb5: {  	v28 =	vld [tilespmem:s19+$0xFFFFFFA0]  }
0xb6: {  	v10 =	vadd.f32 v22, v10;
	v12 =	vadd.f32 v23, v12;
	v22 =	vld [tilespmem:s19+$0xFFFFFFB0]  }
0xb7: {  	v8 =	vadd.f32 v24, v8;
	v9 =	vadd.f32 v25, v9;
	v23 =	vld [tilespmem:s19+$0xFFFFFFE0]  }
0xb8: {  	v10 =	vadd.f32 v20, v10;
	v12 =	vadd.f32 v21, v12;
	v20 =	vld [tilespmem:s19+$0xFFFFFFF0]  }
0xb9: {  	v8 =	vadd.f32 v26, v8;
	v9 =	vadd.f32 v27, v9;
	v21 =	vld [tilespmem:s19+$0x20]  }
0xba: {  	v10 =	vadd.f32 v18, v10;
	v12 =	vadd.f32 v19, v12;
	v18 =	vld [tilespmem:s19+$0x30]  }
0xbb: {  	v19 =	vadd.f32 v28, v8;
	v9 =	vadd.f32 v22, v9;
	v8 =	vld [tilespmem:s19+$0x60]  }
.Ltmp5:
0xbc: {  	v15 =	vadd.f32 v15, v10;
	v12 =	vadd.f32 v17, v12;
	v10 =	vld [tilespmem:s19+$0x70];
	(pc) =	sbr.rel @p2 .LBB2_6-.Ltmp5, $4  }
0xbd: {  	v17 =	vadd.f32 v23, v19;
	v19 =	vadd.f32 v20, v9;
	v9 =	vld [tilespmem:s19+$0xA0]  }
0xbe: {  	v20 =	vadd.f32 v11, v15;
	v22 =	vadd.f32 v14, v12;
	v12 =	vld [tilespmem:s19+$0xB0]  }
0xbf: {  	v15 =	vadd.f32 v21, v17;
	v14 =	vadd.f32 v18, v19;
	v11 =	vld [tilespmem:s19+$0xE0]  }
0xc0: {  	v17 =	vadd.f32 v16, v20;
	v16 =	vadd.f32 v13, v22;
	v13 =	vld [tilespmem:s19+$0xF0];
	s19 =	sadd.s32 $0x200, s19  }
0xc1: {  	_ = 	snop  }
0xc2: {  	v8 =	vadd.f32 v8, v15;
	v6 =	vadd.f32 v6, v17  }
0xc3: {  	v10 =	vadd.f32 v10, v14;
	v7 =	vadd.f32 v7, v16  }
0xc4: {  	v8 =	vadd.f32 v9, v8;
	v4 =	vadd.f32 v4, v6  }
0xc5: {  	v6 =	vadd.f32 v12, v10;
	v5 =	vadd.f32 v5, v7  }
0xc6: {  	s16 =	sshll.u32 s15, $0x8;
	v7 =	vadd.f32 v11, v8;
	v3 =	vadd.f32 v4, v3  }
0xc7: {  	s16 =	sand.u32 $0x3FFFFF00, s16;
	v4 =	vadd.f32 v13, v6;
	v1 =	vadd.f32 v5, v1  }
0xc8: {  	s18 =	smul.u32 @!p1 $0x1A0, s18;
	v2 =	vadd.f32 v7, v2;
	[tilespmem:s16+$0x19000] =	vst v3  }
0xc9: {  	[tilespmem:s16+$0x19010] =	vst v1;
	v0 =	vadd.f32 v4, v0  }
0xca: {  	s18 =	sshra.s32 @!p1 s18, $0x2;
	[tilespmem:s16+$0x19020] =	vst v2  }
0xcb: {  	s19 =	simm.s32 @!p1 $0x68;
	s20 =	simm.s32 @!p1 $0xE000;
	s18 =	sadd.s32 @!p1 $0x6000, s18;
	[tilespmem:s16+$0x19030] =	vst v0  }
0xcc: {  	[tilespmem:s20], [sflag:$0x2] =	stream.indirect.gather @!p1 [hbm4b:s5+s19], $0x40, s18, s19, $0xb8;
	[tilespmem:$0x1D000] =	vst v63  }
0xcd: {  	_ =	swait.ge [sflag:s30], $0x1800  }
0xce: {  	[sflag:s30] =	ssyncset.done $0x0  }
0xcf: {  	s21 =	simm.s32 $0xFB00;
	[sflag:s30] =	ssyncadd.s32 $0xFFFFE800  }
0xd0: {  	v0 =	vld [tilespmem:s21+$0xC0]  }
0xd1: {  	v1 =	vld [tilespmem:s21+$0xD0]  }
0xd2: {  	v2 =	vld [tilespmem:s21+$0x80]  }
0xd3: {  	v3 =	vld [tilespmem:s21+$0x90]  }
0xd4: {  	v4 =	vld [tilespmem:s21+$0x40]  }
0xd5: {  	v5 =	vld [tilespmem:s21+$0x50]  }
0xd6: {  	v6 =	vld [tilespmem:s21+$0x0]  }
0xd7: {  	v7 =	vld [tilespmem:s21+$0x10]  }
0xd8: {  	v9 =	vld [tilespmem:s21+$0xFFFFFFC0]  }
0xd9: {  	v10 =	vld [tilespmem:s21+$0xFFFFFFD0]  }
0xda: {  	v8 =	vld [tilespmem:s21+$0xFFFFFF80]  }
0xdb: {  	v11 =	vld [tilespmem:s21+$0xFFFFFF90]  }
0xdc: {  	v12 =	vld [tilespmem:s21+$0xFFFFFF40]  }
0xdd: {  	v13 =	vld [tilespmem:s21+$0xFFFFFF50]  }
0xde: {  	v14 =	vld [tilespmem:s21+$0xFFFFFF00]  }
0xdf: {  	v15 =	vld [tilespmem:s21+$0xFFFFFF10]  }
0xe0: {  	v16 =	vld [tilespmem:s21+$0xFFFFFF20]  }
0xe1: {  	v17 =	vld [tilespmem:s21+$0xFFFFFF30]  }
0xe2: {  	v18 =	vld [tilespmem:s21+$0xFFFFFF60]  }
0xe3: {  	v19 =	vld [tilespmem:s21+$0xFFFFFF70]  }
0xe4: {  	v20 =	vimm.f32 $0.0e+00;
	v21 =	vld [tilespmem:s21+$0xFFFFFFA0]  }
0xe5: {  	v22 =	vld [tilespmem:s21+$0xFFFFFFB0];
	v14 =	vadd.f32 v14, v20;
	v15 =	vadd.f32 v15, v20  }
0xe6: {  	v63 =	vld [tilespmem:s21+$0xFFFFFFE0];
	v16 =	vadd.f32 v16, v20;
	v17 =	vadd.f32 v17, v20  }
0xe7: {  	v12 =	vadd.f32 v12, v14;
	v13 =	vadd.f32 v13, v15;
	v14 =	vld [tilespmem:s21+$0xFFFFFFF0]  }
0xe8: {  	v15 =	vadd.f32 v18, v16;
	v16 =	vadd.f32 v19, v17;
	v17 =	vld [tilespmem:s21+$0x20]  }
0xe9: {  	v12 =	vadd.f32 v8, v12;
	v11 =	vadd.f32 v11, v13;
	v13 =	vld [tilespmem:s21+$0x30]  }
0xea: {  	v15 =	vadd.f32 v21, v15;
	v16 =	vadd.f32 v22, v16;
	v8 =	vld [tilespmem:s21+$0x60]  }
0xeb: {  	v12 =	vadd.f32 v9, v12;
	v10 =	vadd.f32 v10, v11;
	v11 =	vld [tilespmem:s21+$0x70]  }
0xec: {  	v15 =	vadd.f32 v63, v15;
	v9 =	vld [tilespmem:s21+$0xA0];
	v16 =	vadd.f32 v14, v16  }
0xed: {  	v6 =	vadd.f32 v6, v12;
	v7 =	vadd.f32 v7, v10;
	v12 =	vld [tilespmem:s21+$0xB0]  }
0xee: {  	v14 =	vadd.f32 v17, v15;
	v10 =	vld [tilespmem:s21+$0xE0];
	v15 =	vadd.f32 v13, v16  }
0xef: {  	s18 =	simm.s32 $0x0;
	s19 =	simm.s32 $0xFD00;
	v13 =	vld [tilespmem:s21+$0xF0];
	v16 =	vadd.f32 v4, v6;
	v17 =	vadd.f32 v5, v7  }
.LBB2_8:
0xf0: {  	v4 =	vld [tilespmem:s19+$0xC0];
	v5 =	vadd.f32 v8, v14;
	v6 =	vadd.f32 v11, v15  }
0xf1: {  	v7 =	vld [tilespmem:s19+$0xD0];
	v8 =	vadd.f32 v2, v16;
	v11 =	vadd.f32 v3, v17  }
0xf2: {  	v2 =	vld [tilespmem:s19+$0x80];
	v5 =	vadd.f32 v9, v5;
	v6 =	vadd.f32 v12, v6  }
0xf3: {  	v3 =	vld [tilespmem:s19+$0x90];
	v8 =	vadd.f32 v0, v8;
	v9 =	vadd.f32 v1, v11  }
0xf4: {  	v16 =	vld [tilespmem:s19+$0x40];
	v5 =	vadd.f32 v10, v5;
	v6 =	vadd.f32 v13, v6  }
0xf5: {  	v13 =	vld [tilespmem:s19+$0x50];
	v0 =	vmov v4  }
0xf6: {  	v4 =	vld [tilespmem:s19+$0x0];
	v1 =	vmov v7  }
0xf7: {  	v7 =	vld [tilespmem:s19+$0x10]  }
0xf8: {  	v10 =	vld [tilespmem:s19+$0xFFFFFFC0]  }
0xf9: {  	v11 =	vld [tilespmem:s19+$0xFFFFFFD0]  }
0xfa: {  	v12 =	vld [tilespmem:s19+$0xFFFFFF80]  }
0xfb: {  	v14 =	vld [tilespmem:s19+$0xFFFFFF90]  }
0xfc: {  	v15 =	vld [tilespmem:s19+$0xFFFFFF40]  }
0xfd: {  	v17 =	vld [tilespmem:s19+$0xFFFFFF50]  }
0xfe: {  	v18 =	vld [tilespmem:s19+$0xFFFFFF00]  }
0xff: {  	v19 =	vld [tilespmem:s19+$0xFFFFFF10]  }
0x100: {  	v20 =	vld [tilespmem:s19+$0xFFFFFF20]  }
0x101: {  	s18 =	sadd.s32 $0x8, s18;
	v21 =	vld [tilespmem:s19+$0xFFFFFF30]  }
0x102: {  	p2 =	slt.u32 s18, $0x58;
	v22 =	vld [tilespmem:s19+$0xFFFFFF60]  }
0x103: {  	v23 =	vld [tilespmem:s19+$0xFFFFFF70]  }
0x104: {  	v24 =	vld [tilespmem:s19+$0xFFFFFFA0]  }
0x105: {  	v8 =	vadd.f32 v18, v8;
	v9 =	vadd.f32 v19, v9;
	v18 =	vld [tilespmem:s19+$0xFFFFFFB0]  }
0x106: {  	v5 =	vadd.f32 v20, v5;
	v6 =	vadd.f32 v21, v6;
	v19 =	vld [tilespmem:s19+$0xFFFFFFE0]  }
0x107: {  	v8 =	vadd.f32 v15, v8;
	v9 =	vadd.f32 v17, v9;
	v15 =	vld [tilespmem:s19+$0xFFFFFFF0]  }
0x108: {  	v5 =	vadd.f32 v22, v5;
	v6 =	vadd.f32 v23, v6;
	v17 =	vld [tilespmem:s19+$0x20]  }
0x109: {  	v12 =	vadd.f32 v12, v8;
	v9 =	vadd.f32 v14, v9;
	v20 =	vld [tilespmem:s19+$0x30]  }
0x10a: {  	v5 =	vadd.f32 v24, v5;
	v6 =	vadd.f32 v18, v6;
	v8 =	vld [tilespmem:s19+$0x60]  }
.Ltmp6:
0x10b: {  	v10 =	vadd.f32 v10, v12;
	v12 =	vadd.f32 v11, v9;
	v11 =	vld [tilespmem:s19+$0x70];
	(pc) =	sbr.rel @p2 .LBB2_8-.Ltmp6, $4  }
0x10c: {  	v5 =	vadd.f32 v19, v5;
	v6 =	vadd.f32 v15, v6;
	v9 =	vld [tilespmem:s19+$0xA0]  }
0x10d: {  	v4 =	vadd.f32 v4, v10;
	v7 =	vadd.f32 v7, v12;
	v12 =	vld [tilespmem:s19+$0xB0]  }
0x10e: {  	v14 =	vadd.f32 v17, v5;
	v15 =	vadd.f32 v20, v6;
	v10 =	vld [tilespmem:s19+$0xE0]  }
0x10f: {  	v16 =	vadd.f32 v16, v4;
	v17 =	vadd.f32 v13, v7;
	v13 =	vld [tilespmem:s19+$0xF0];
	s19 =	sadd.s32 $0x200, s19  }
0x110: {  	s18 =	sadd.s32 $0x5, s17  }
0x111: {  	s19 =	smul.u32 @!p1 $0x180, s18;
	_ =	sdelay $0x1  }
0x112: {  	s20 =	simm.s32 @!p1 $0x60;
	s21 =	simm.s32 @!p1 $0xFA00;
	s19 =	sshra.s32 @!p1 s19, $0x2  }
0x113: {  	[tilespmem:s21], [sflag:$0x3] =	stream.indirect.gather @!p1 [hbm4b:s5+s20], $0x40, s19, s20, $0xb8;
	[tilespmem:$0x1D000] =	vst v63  }
0x114: {  	_ =	swait.ge [sflag:s31], $0x1A00  }
0x115: {  	[sflag:s31] =	ssyncset.done $0x0  }
0x116: {  	s21 =	simm.s32 $0x11300;
	[sflag:s31] =	ssyncadd.s32 $0xFFFFE600  }
0x117: {  	v4 =	vld [tilespmem:s21+$0xC0]  }
0x118: {  	v5 =	vld [tilespmem:s21+$0xD0]  }
0x119: {  	v6 =	vld [tilespmem:s21+$0x80]  }
0x11a: {  	v7 =	vld [tilespmem:s21+$0x90]  }
0x11b: {  	v18 =	vld [tilespmem:s21+$0x40]  }
0x11c: {  	v19 =	vld [tilespmem:s21+$0x50]  }
0x11d: {  	v20 =	vld [tilespmem:s21+$0x0]  }
0x11e: {  	v21 =	vld [tilespmem:s21+$0x10]  }
0x11f: {  	v22 =	vld [tilespmem:s21+$0xFFFFFFC0]  }
0x120: {  	v23 =	vld [tilespmem:s21+$0xFFFFFFD0]  }
0x121: {  	v24 =	vld [tilespmem:s21+$0xFFFFFF80]  }
0x122: {  	v25 =	vld [tilespmem:s21+$0xFFFFFF90]  }
0x123: {  	v26 =	vld [tilespmem:s21+$0xFFFFFF40]  }
0x124: {  	v27 =	vld [tilespmem:s21+$0xFFFFFF50]  }
0x125: {  	v28 =	vld [tilespmem:s21+$0xFFFFFF00]  }
0x126: {  	v29 =	vld [tilespmem:s21+$0xFFFFFF10]  }
0x127: {  	v8 =	vadd.f32 v8, v14;
	v11 =	vadd.f32 v11, v15;
	v14 =	vld [tilespmem:s21+$0xFFFFFF20]  }
0x128: {  	v2 =	vadd.f32 v2, v16;
	v15 =	vadd.f32 v3, v17;
	v16 =	vld [tilespmem:s21+$0xFFFFFF30]  }
0x129: {  	v8 =	vadd.f32 v9, v8;
	v9 =	vadd.f32 v12, v11;
	v11 =	vld [tilespmem:s21+$0xFFFFFF60]  }
0x12a: {  	v3 =	vadd.f32 v0, v2;
	v1 =	vadd.f32 v1, v15;
	v12 =	vld [tilespmem:s21+$0xFFFFFF70]  }
0x12b: {  	v2 =	vadd.f32 v10, v8;
	v0 =	vadd.f32 v13, v9;
	v8 =	vimm.f32 $0.0e+00;
	v9 =	vld [tilespmem:s21+$0xFFFFFFA0]  }
0x12c: {  	v15 =	vld [tilespmem:s21+$0xFFFFFFB0];
	v10 =	vadd.f32 v28, v8;
	v13 =	vadd.f32 v29, v8  }
0x12d: {  	v17 =	vld [tilespmem:s21+$0xFFFFFFF0];
	v14 =	vadd.f32 v14, v8;
	v8 =	vadd.f32 v16, v8  }
0x12e: {  	v16 =	vld [tilespmem:s21+$0xFFFFFFE0];
	v10 =	vadd.f32 v26, v10;
	v13 =	vadd.f32 v27, v13  }
0x12f: {  	v11 =	vadd.f32 v11, v14;
	v8 =	vadd.f32 v12, v8;
	v14 =	vld [tilespmem:s21+$0x20]  }
0x130: {  	v10 =	vadd.f32 v24, v10;
	v12 =	vadd.f32 v25, v13;
	v13 =	vld [tilespmem:s21+$0x30]  }
0x131: {  	v9 =	vadd.f32 v9, v11;
	v11 =	vadd.f32 v15, v8;
	v8 =	vld [tilespmem:s21+$0x60]  }
0x132: {  	v15 =	vadd.f32 v22, v10;
	v12 =	vadd.f32 v23, v12;
	v10 =	vld [tilespmem:s21+$0x70]  }
0x133: {  	v16 =	vadd.f32 v16, v9;
	v11 =	vadd.f32 v17, v11;
	v9 =	vld [tilespmem:s21+$0xA0]  }
0x134: {  	v17 =	vadd.f32 v20, v15;
	v63 =	vadd.f32 v21, v12;
	v12 =	vld [tilespmem:s21+$0xB0]  }
0x135: {  	v15 =	vadd.f32 v14, v16;
	v14 =	vadd.f32 v13, v11;
	v11 =	vld [tilespmem:s21+$0xE0]  }
0x136: {  	s19 =	simm.s32 $0x0;
	s20 =	simm.s32 $0x11500;
	v13 =	vld [tilespmem:s21+$0xF0];
	v17 =	vadd.f32 v18, v17;
	v16 =	vadd.f32 v19, v63  }
.LBB2_10:
0x137: {  	v18 =	vld [tilespmem:s20+$0xC0];
	v8 =	vadd.f32 v8, v15;
	v10 =	vadd.f32 v10, v14  }
0x138: {  	v14 =	vld [tilespmem:s20+$0xD0];
	v15 =	vadd.f32 v6, v17;
	v16 =	vadd.f32 v7, v16  }
0x139: {  	v6 =	vld [tilespmem:s20+$0x80];
	v8 =	vadd.f32 v9, v8;
	v9 =	vadd.f32 v12, v10  }
0x13a: {  	v7 =	vld [tilespmem:s20+$0x90];
	v10 =	vadd.f32 v4, v15;
	v12 =	vadd.f32 v5, v16  }
0x13b: {  	v16 =	vld [tilespmem:s20+$0x40];
	v8 =	vadd.f32 v11, v8;
	v9 =	vadd.f32 v13, v9  }
0x13c: {  	v13 =	vld [tilespmem:s20+$0x50];
	v4 =	vmov v18  }
0x13d: {  	v11 =	vld [tilespmem:s20+$0x0];
	v5 =	vmov v14  }
0x13e: {  	v14 =	vld [tilespmem:s20+$0x10]  }
0x13f: {  	v15 =	vld [tilespmem:s20+$0xFFFFFFC0]  }
0x140: {  	v17 =	vld [tilespmem:s20+$0xFFFFFFD0]  }
0x141: {  	v18 =	vld [tilespmem:s20+$0xFFFFFF80]  }
0x142: {  	v19 =	vld [tilespmem:s20+$0xFFFFFF90]  }
0x143: {  	v20 =	vld [tilespmem:s20+$0xFFFFFF40]  }
0x144: {  	v21 =	vld [tilespmem:s20+$0xFFFFFF50]  }
0x145: {  	v22 =	vld [tilespmem:s20+$0xFFFFFF00]  }
0x146: {  	v23 =	vld [tilespmem:s20+$0xFFFFFF10]  }
0x147: {  	v24 =	vld [tilespmem:s20+$0xFFFFFF20]  }
0x148: {  	s19 =	sadd.s32 $0x8, s19;
	v25 =	vld [tilespmem:s20+$0xFFFFFF30]  }
0x149: {  	p2 =	slt.u32 s19, $0x60;
	v26 =	vld [tilespmem:s20+$0xFFFFFF60]  }
0x14a: {  	v27 =	vld [tilespmem:s20+$0xFFFFFF70]  }
0x14b: {  	v28 =	vld [tilespmem:s20+$0xFFFFFFA0]  }
0x14c: {  	v10 =	vadd.f32 v22, v10;
	v12 =	vadd.f32 v23, v12;
	v22 =	vld [tilespmem:s20+$0xFFFFFFB0]  }
0x14d: {  	v8 =	vadd.f32 v24, v8;
	v9 =	vadd.f32 v25, v9;
	v23 =	vld [tilespmem:s20+$0xFFFFFFE0]  }
0x14e: {  	v10 =	vadd.f32 v20, v10;
	v12 =	vadd.f32 v21, v12;
	v20 =	vld [tilespmem:s20+$0xFFFFFFF0]  }
0x14f: {  	v8 =	vadd.f32 v26, v8;
	v9 =	vadd.f32 v27, v9;
	v21 =	vld [tilespmem:s20+$0x20]  }
0x150: {  	v10 =	vadd.f32 v18, v10;
	v12 =	vadd.f32 v19, v12;
	v18 =	vld [tilespmem:s20+$0x30]  }
0x151: {  	v19 =	vadd.f32 v28, v8;
	v9 =	vadd.f32 v22, v9;
	v8 =	vld [tilespmem:s20+$0x60]  }
.Ltmp7:
0x152: {  	v15 =	vadd.f32 v15, v10;
	v12 =	vadd.f32 v17, v12;
	v10 =	vld [tilespmem:s20+$0x70];
	(pc) =	sbr.rel @p2 .LBB2_10-.Ltmp7, $4  }
0x153: {  	v17 =	vadd.f32 v23, v19;
	v19 =	vadd.f32 v20, v9;
	v9 =	vld [tilespmem:s20+$0xA0]  }
0x154: {  	v20 =	vadd.f32 v11, v15;
	v22 =	vadd.f32 v14, v12;
	v12 =	vld [tilespmem:s20+$0xB0]  }
0x155: {  	v15 =	vadd.f32 v21, v17;
	v14 =	vadd.f32 v18, v19;
	v11 =	vld [tilespmem:s20+$0xE0]  }
0x156: {  	v17 =	vadd.f32 v16, v20;
	v16 =	vadd.f32 v13, v22;
	v13 =	vld [tilespmem:s20+$0xF0];
	s20 =	sadd.s32 $0x200, s20  }
0x157: {  	_ = 	snop  }
0x158: {  	v8 =	vadd.f32 v8, v15;
	v6 =	vadd.f32 v6, v17  }
0x159: {  	v10 =	vadd.f32 v10, v14;
	v7 =	vadd.f32 v7, v16  }
0x15a: {  	v8 =	vadd.f32 v9, v8;
	v4 =	vadd.f32 v4, v6  }
0x15b: {  	v6 =	vadd.f32 v12, v10;
	v5 =	vadd.f32 v5, v7  }
0x15c: {  	v7 =	vadd.f32 v11, v8;
	v3 =	vadd.f32 v4, v3  }
0x15d: {  	v4 =	vadd.f32 v13, v6;
	v1 =	vadd.f32 v5, v1  }
0x15e: {  	s18 =	smul.u32 @!p1 $0x1A0, s18;
	v2 =	vadd.f32 v7, v2;
	[tilespmem:s16+$0x19040] =	vst v3  }
0x15f: {  	[tilespmem:s16+$0x19050] =	vst v1;
	v0 =	vadd.f32 v4, v0  }
0x160: {  	s18 =	sshra.s32 @!p1 s18, $0x2;
	[tilespmem:s16+$0x19060] =	vst v2  }
0x161: {  	s19 =	simm.s32 @!p1 $0x68;
	s20 =	simm.s32 @!p1 $0x11200;
	s18 =	sadd.s32 @!p1 $0x6000, s18;
	[tilespmem:s16+$0x19070] =	vst v0  }
0x162: {  	[tilespmem:s20], [sflag:$0x4] =	stream.indirect.gather @!p1 [hbm4b:s5+s19], $0x40, s18, s19, $0xb8;
	[tilespmem:$0x1D000] =	vst v63  }
0x163: {  	_ =	swait.ge [sflag:s0], $0x1800  }
0x164: {  	[sflag:s0] =	ssyncset.done $0x0  }
0x165: {  	s21 =	simm.s32 $0x12D00;
	[sflag:s0] =	ssyncadd.s32 $0xFFFFE800  }
0x166: {  	v0 =	vld [tilespmem:s21+$0xC0]  }
0x167: {  	v1 =	vld [tilespmem:s21+$0xD0]  }
0x168: {  	v2 =	vld [tilespmem:s21+$0x80]  }
0x169: {  	v3 =	vld [tilespmem:s21+$0x90]  }
0x16a: {  	v4 =	vld [tilespmem:s21+$0x40]  }
0x16b: {  	v5 =	vld [tilespmem:s21+$0x50]  }
0x16c: {  	v6 =	vld [tilespmem:s21+$0x0]  }
0x16d: {  	v7 =	vld [tilespmem:s21+$0x10]  }
0x16e: {  	v9 =	vld [tilespmem:s21+$0xFFFFFFC0]  }
0x16f: {  	v10 =	vld [tilespmem:s21+$0xFFFFFFD0]  }
0x170: {  	v8 =	vld [tilespmem:s21+$0xFFFFFF80]  }
0x171: {  	v11 =	vld [tilespmem:s21+$0xFFFFFF90]  }
0x172: {  	v12 =	vld [tilespmem:s21+$0xFFFFFF40]  }
0x173: {  	v13 =	vld [tilespmem:s21+$0xFFFFFF50]  }
0x174: {  	v14 =	vld [tilespmem:s21+$0xFFFFFF00]  }
0x175: {  	v15 =	vld [tilespmem:s21+$0xFFFFFF10]  }
0x176: {  	v16 =	vld [tilespmem:s21+$0xFFFFFF20]  }
0x177: {  	v17 =	vld [tilespmem:s21+$0xFFFFFF30]  }
0x178: {  	v18 =	vld [tilespmem:s21+$0xFFFFFF60]  }
0x179: {  	v19 =	vld [tilespmem:s21+$0xFFFFFF70]  }
0x17a: {  	v20 =	vimm.f32 $0.0e+00;
	v21 =	vld [tilespmem:s21+$0xFFFFFFA0]  }
0x17b: {  	v22 =	vld [tilespmem:s21+$0xFFFFFFB0];
	v14 =	vadd.f32 v14, v20;
	v15 =	vadd.f32 v15, v20  }
0x17c: {  	v63 =	vld [tilespmem:s21+$0xFFFFFFE0];
	v16 =	vadd.f32 v16, v20;
	v17 =	vadd.f32 v17, v20  }
0x17d: {  	v12 =	vadd.f32 v12, v14;
	v13 =	vadd.f32 v13, v15;
	v14 =	vld [tilespmem:s21+$0xFFFFFFF0]  }
0x17e: {  	v15 =	vadd.f32 v18, v16;
	v16 =	vadd.f32 v19, v17;
	v17 =	vld [tilespmem:s21+$0x20]  }
0x17f: {  	v12 =	vadd.f32 v8, v12;
	v11 =	vadd.f32 v11, v13;
	v13 =	vld [tilespmem:s21+$0x30]  }
0x180: {  	v15 =	vadd.f32 v21, v15;
	v16 =	vadd.f32 v22, v16;
	v8 =	vld [tilespmem:s21+$0x60]  }
0x181: {  	v12 =	vadd.f32 v9, v12;
	v10 =	vadd.f32 v10, v11;
	v11 =	vld [tilespmem:s21+$0x70]  }
0x182: {  	v15 =	vadd.f32 v63, v15;
	v9 =	vld [tilespmem:s21+$0xA0];
	v16 =	vadd.f32 v14, v16  }
0x183: {  	v6 =	vadd.f32 v6, v12;
	v7 =	vadd.f32 v7, v10;
	v12 =	vld [tilespmem:s21+$0xB0]  }
0x184: {  	v14 =	vadd.f32 v17, v15;
	v10 =	vld [tilespmem:s21+$0xE0];
	v15 =	vadd.f32 v13, v16  }
0x185: {  	s18 =	simm.s32 $0x0;
	s19 =	simm.s32 $0x12F00;
	v13 =	vld [tilespmem:s21+$0xF0];
	v16 =	vadd.f32 v4, v6;
	v17 =	vadd.f32 v5, v7  }
.LBB2_12:
0x186: {  	v4 =	vld [tilespmem:s19+$0xC0];
	v5 =	vadd.f32 v8, v14;
	v6 =	vadd.f32 v11, v15  }
0x187: {  	v7 =	vld [tilespmem:s19+$0xD0];
	v8 =	vadd.f32 v2, v16;
	v11 =	vadd.f32 v3, v17  }
0x188: {  	v2 =	vld [tilespmem:s19+$0x80];
	v5 =	vadd.f32 v9, v5;
	v6 =	vadd.f32 v12, v6  }
0x189: {  	v3 =	vld [tilespmem:s19+$0x90];
	v8 =	vadd.f32 v0, v8;
	v9 =	vadd.f32 v1, v11  }
0x18a: {  	v16 =	vld [tilespmem:s19+$0x40];
	v5 =	vadd.f32 v10, v5;
	v6 =	vadd.f32 v13, v6  }
0x18b: {  	v13 =	vld [tilespmem:s19+$0x50];
	v0 =	vmov v4  }
0x18c: {  	v4 =	vld [tilespmem:s19+$0x0];
	v1 =	vmov v7  }
0x18d: {  	v7 =	vld [tilespmem:s19+$0x10]  }
0x18e: {  	v10 =	vld [tilespmem:s19+$0xFFFFFFC0]  }
0x18f: {  	v11 =	vld [tilespmem:s19+$0xFFFFFFD0]  }
0x190: {  	v12 =	vld [tilespmem:s19+$0xFFFFFF80]  }
0x191: {  	v14 =	vld [tilespmem:s19+$0xFFFFFF90]  }
0x192: {  	v15 =	vld [tilespmem:s19+$0xFFFFFF40]  }
0x193: {  	v17 =	vld [tilespmem:s19+$0xFFFFFF50]  }
0x194: {  	v18 =	vld [tilespmem:s19+$0xFFFFFF00]  }
0x195: {  	v19 =	vld [tilespmem:s19+$0xFFFFFF10]  }
0x196: {  	v20 =	vld [tilespmem:s19+$0xFFFFFF20]  }
0x197: {  	s18 =	sadd.s32 $0x8, s18;
	v21 =	vld [tilespmem:s19+$0xFFFFFF30]  }
0x198: {  	p2 =	slt.u32 s18, $0x58;
	v22 =	vld [tilespmem:s19+$0xFFFFFF60]  }
0x199: {  	v23 =	vld [tilespmem:s19+$0xFFFFFF70]  }
0x19a: {  	v24 =	vld [tilespmem:s19+$0xFFFFFFA0]  }
0x19b: {  	v8 =	vadd.f32 v18, v8;
	v9 =	vadd.f32 v19, v9;
	v18 =	vld [tilespmem:s19+$0xFFFFFFB0]  }
0x19c: {  	v5 =	vadd.f32 v20, v5;
	v6 =	vadd.f32 v21, v6;
	v19 =	vld [tilespmem:s19+$0xFFFFFFE0]  }
0x19d: {  	v8 =	vadd.f32 v15, v8;
	v9 =	vadd.f32 v17, v9;
	v15 =	vld [tilespmem:s19+$0xFFFFFFF0]  }
0x19e: {  	v5 =	vadd.f32 v22, v5;
	v6 =	vadd.f32 v23, v6;
	v17 =	vld [tilespmem:s19+$0x20]  }
0x19f: {  	v12 =	vadd.f32 v12, v8;
	v9 =	vadd.f32 v14, v9;
	v20 =	vld [tilespmem:s19+$0x30]  }
0x1a0: {  	v5 =	vadd.f32 v24, v5;
	v6 =	vadd.f32 v18, v6;
	v8 =	vld [tilespmem:s19+$0x60]  }
.Ltmp8:
0x1a1: {  	v10 =	vadd.f32 v10, v12;
	v12 =	vadd.f32 v11, v9;
	v11 =	vld [tilespmem:s19+$0x70];
	(pc) =	sbr.rel @p2 .LBB2_12-.Ltmp8, $4  }
0x1a2: {  	v5 =	vadd.f32 v19, v5;
	v6 =	vadd.f32 v15, v6;
	v9 =	vld [tilespmem:s19+$0xA0]  }
0x1a3: {  	v4 =	vadd.f32 v4, v10;
	v7 =	vadd.f32 v7, v12;
	v12 =	vld [tilespmem:s19+$0xB0]  }
0x1a4: {  	v14 =	vadd.f32 v17, v5;
	v15 =	vadd.f32 v20, v6;
	v10 =	vld [tilespmem:s19+$0xE0]  }
0x1a5: {  	v16 =	vadd.f32 v16, v4;
	v17 =	vadd.f32 v13, v7;
	v13 =	vld [tilespmem:s19+$0xF0];
	s19 =	sadd.s32 $0x200, s19  }
0x1a6: {  	s18 =	sadd.s32 $0x6, s17  }
0x1a7: {  	s19 =	smul.u32 @!p1 $0x180, s18;
	_ =	sdelay $0x1  }
0x1a8: {  	s20 =	simm.s32 @!p1 $0x60;
	s21 =	simm.s32 @!p1 $0x12C00;
	s19 =	sshra.s32 @!p1 s19, $0x2  }
0x1a9: {  	[tilespmem:s21], [sflag:$0x5] =	stream.indirect.gather @!p1 [hbm4b:s5+s20], $0x40, s19, s20, $0xb8;
	[tilespmem:$0x1D000] =	vst v63  }
0x1aa: {  	_ =	swait.ge [sflag:s3], $0x1A00  }
0x1ab: {  	[sflag:s3] =	ssyncset.done $0x0  }
0x1ac: {  	s21 =	simm.s32 $0x14500;
	[sflag:s3] =	ssyncadd.s32 $0xFFFFE600  }
0x1ad: {  	v4 =	vld [tilespmem:s21+$0xC0]  }
0x1ae: {  	v5 =	vld [tilespmem:s21+$0xD0]  }
0x1af: {  	v6 =	vld [tilespmem:s21+$0x80]  }
0x1b0: {  	v7 =	vld [tilespmem:s21+$0x90]  }
0x1b1: {  	v18 =	vld [tilespmem:s21+$0x40]  }
0x1b2: {  	v19 =	vld [tilespmem:s21+$0x50]  }
0x1b3: {  	v20 =	vld [tilespmem:s21+$0x0]  }
0x1b4: {  	v21 =	vld [tilespmem:s21+$0x10]  }
0x1b5: {  	v22 =	vld [tilespmem:s21+$0xFFFFFFC0]  }
0x1b6: {  	v23 =	vld [tilespmem:s21+$0xFFFFFFD0]  }
0x1b7: {  	v24 =	vld [tilespmem:s21+$0xFFFFFF80]  }
0x1b8: {  	v25 =	vld [tilespmem:s21+$0xFFFFFF90]  }
0x1b9: {  	v26 =	vld [tilespmem:s21+$0xFFFFFF40]  }
0x1ba: {  	v27 =	vld [tilespmem:s21+$0xFFFFFF50]  }
0x1bb: {  	v28 =	vld [tilespmem:s21+$0xFFFFFF00]  }
0x1bc: {  	v29 =	vld [tilespmem:s21+$0xFFFFFF10]  }
0x1bd: {  	v8 =	vadd.f32 v8, v14;
	v11 =	vadd.f32 v11, v15;
	v14 =	vld [tilespmem:s21+$0xFFFFFF20]  }
0x1be: {  	v2 =	vadd.f32 v2, v16;
	v15 =	vadd.f32 v3, v17;
	v16 =	vld [tilespmem:s21+$0xFFFFFF30]  }
0x1bf: {  	v8 =	vadd.f32 v9, v8;
	v9 =	vadd.f32 v12, v11;
	v11 =	vld [tilespmem:s21+$0xFFFFFF60]  }
0x1c0: {  	v3 =	vadd.f32 v0, v2;
	v1 =	vadd.f32 v1, v15;
	v12 =	vld [tilespmem:s21+$0xFFFFFF70]  }
0x1c1: {  	v2 =	vadd.f32 v10, v8;
	v0 =	vadd.f32 v13, v9;
	v8 =	vimm.f32 $0.0e+00;
	v9 =	vld [tilespmem:s21+$0xFFFFFFA0]  }
0x1c2: {  	v15 =	vld [tilespmem:s21+$0xFFFFFFB0];
	v10 =	vadd.f32 v28, v8;
	v13 =	vadd.f32 v29, v8  }
0x1c3: {  	v17 =	vld [tilespmem:s21+$0xFFFFFFF0];
	v14 =	vadd.f32 v14, v8;
	v8 =	vadd.f32 v16, v8  }
0x1c4: {  	v16 =	vld [tilespmem:s21+$0xFFFFFFE0];
	v10 =	vadd.f32 v26, v10;
	v13 =	vadd.f32 v27, v13  }
0x1c5: {  	v11 =	vadd.f32 v11, v14;
	v8 =	vadd.f32 v12, v8;
	v14 =	vld [tilespmem:s21+$0x20]  }
0x1c6: {  	v10 =	vadd.f32 v24, v10;
	v12 =	vadd.f32 v25, v13;
	v13 =	vld [tilespmem:s21+$0x30]  }
0x1c7: {  	v9 =	vadd.f32 v9, v11;
	v11 =	vadd.f32 v15, v8;
	v8 =	vld [tilespmem:s21+$0x60]  }
0x1c8: {  	v15 =	vadd.f32 v22, v10;
	v12 =	vadd.f32 v23, v12;
	v10 =	vld [tilespmem:s21+$0x70]  }
0x1c9: {  	v16 =	vadd.f32 v16, v9;
	v11 =	vadd.f32 v17, v11;
	v9 =	vld [tilespmem:s21+$0xA0]  }
0x1ca: {  	v17 =	vadd.f32 v20, v15;
	v63 =	vadd.f32 v21, v12;
	v12 =	vld [tilespmem:s21+$0xB0]  }
0x1cb: {  	v15 =	vadd.f32 v14, v16;
	v14 =	vadd.f32 v13, v11;
	v11 =	vld [tilespmem:s21+$0xE0]  }
0x1cc: {  	s19 =	simm.s32 $0x0;
	s20 =	simm.s32 $0x14700;
	v13 =	vld [tilespmem:s21+$0xF0];
	v17 =	vadd.f32 v18, v17;
	v16 =	vadd.f32 v19, v63  }
.LBB2_14:
0x1cd: {  	v18 =	vld [tilespmem:s20+$0xC0];
	v8 =	vadd.f32 v8, v15;
	v10 =	vadd.f32 v10, v14  }
0x1ce: {  	v14 =	vld [tilespmem:s20+$0xD0];
	v15 =	vadd.f32 v6, v17;
	v16 =	vadd.f32 v7, v16  }
0x1cf: {  	v6 =	vld [tilespmem:s20+$0x80];
	v8 =	vadd.f32 v9, v8;
	v9 =	vadd.f32 v12, v10  }
0x1d0: {  	v7 =	vld [tilespmem:s20+$0x90];
	v10 =	vadd.f32 v4, v15;
	v12 =	vadd.f32 v5, v16  }
0x1d1: {  	v16 =	vld [tilespmem:s20+$0x40];
	v8 =	vadd.f32 v11, v8;
	v9 =	vadd.f32 v13, v9  }
0x1d2: {  	v13 =	vld [tilespmem:s20+$0x50];
	v4 =	vmov v18  }
0x1d3: {  	v11 =	vld [tilespmem:s20+$0x0];
	v5 =	vmov v14  }
0x1d4: {  	v14 =	vld [tilespmem:s20+$0x10]  }
0x1d5: {  	v15 =	vld [tilespmem:s20+$0xFFFFFFC0]  }
0x1d6: {  	v17 =	vld [tilespmem:s20+$0xFFFFFFD0]  }
0x1d7: {  	v18 =	vld [tilespmem:s20+$0xFFFFFF80]  }
0x1d8: {  	v19 =	vld [tilespmem:s20+$0xFFFFFF90]  }
0x1d9: {  	v20 =	vld [tilespmem:s20+$0xFFFFFF40]  }
0x1da: {  	v21 =	vld [tilespmem:s20+$0xFFFFFF50]  }
0x1db: {  	v22 =	vld [tilespmem:s20+$0xFFFFFF00]  }
0x1dc: {  	v23 =	vld [tilespmem:s20+$0xFFFFFF10]  }
0x1dd: {  	v24 =	vld [tilespmem:s20+$0xFFFFFF20]  }
0x1de: {  	s19 =	sadd.s32 $0x8, s19;
	v25 =	vld [tilespmem:s20+$0xFFFFFF30]  }
0x1df: {  	p2 =	slt.u32 s19, $0x60;
	v26 =	vld [tilespmem:s20+$0xFFFFFF60]  }
0x1e0: {  	v27 =	vld [tilespmem:s20+$0xFFFFFF70]  }
0x1e1: {  	v28 =	vld [tilespmem:s20+$0xFFFFFFA0]  }
0x1e2: {  	v10 =	vadd.f32 v22, v10;
	v12 =	vadd.f32 v23, v12;
	v22 =	vld [tilespmem:s20+$0xFFFFFFB0]  }
0x1e3: {  	v8 =	vadd.f32 v24, v8;
	v9 =	vadd.f32 v25, v9;
	v23 =	vld [tilespmem:s20+$0xFFFFFFE0]  }
0x1e4: {  	v10 =	vadd.f32 v20, v10;
	v12 =	vadd.f32 v21, v12;
	v20 =	vld [tilespmem:s20+$0xFFFFFFF0]  }
0x1e5: {  	v8 =	vadd.f32 v26, v8;
	v9 =	vadd.f32 v27, v9;
	v21 =	vld [tilespmem:s20+$0x20]  }
0x1e6: {  	v10 =	vadd.f32 v18, v10;
	v12 =	vadd.f32 v19, v12;
	v18 =	vld [tilespmem:s20+$0x30]  }
0x1e7: {  	v19 =	vadd.f32 v28, v8;
	v9 =	vadd.f32 v22, v9;
	v8 =	vld [tilespmem:s20+$0x60]  }
.Ltmp9:
0x1e8: {  	v15 =	vadd.f32 v15, v10;
	v12 =	vadd.f32 v17, v12;
	v10 =	vld [tilespmem:s20+$0x70];
	(pc) =	sbr.rel @p2 .LBB2_14-.Ltmp9, $4  }
0x1e9: {  	v17 =	vadd.f32 v23, v19;
	v19 =	vadd.f32 v20, v9;
	v9 =	vld [tilespmem:s20+$0xA0]  }
0x1ea: {  	v20 =	vadd.f32 v11, v15;
	v22 =	vadd.f32 v14, v12;
	v12 =	vld [tilespmem:s20+$0xB0]  }
0x1eb: {  	v15 =	vadd.f32 v21, v17;
	v14 =	vadd.f32 v18, v19;
	v11 =	vld [tilespmem:s20+$0xE0]  }
0x1ec: {  	v17 =	vadd.f32 v16, v20;
	v16 =	vadd.f32 v13, v22;
	v13 =	vld [tilespmem:s20+$0xF0];
	s20 =	sadd.s32 $0x200, s20  }
0x1ed: {  	_ = 	snop  }
0x1ee: {  	v8 =	vadd.f32 v8, v15;
	v6 =	vadd.f32 v6, v17  }
0x1ef: {  	v10 =	vadd.f32 v10, v14;
	v7 =	vadd.f32 v7, v16  }
0x1f0: {  	v8 =	vadd.f32 v9, v8;
	v4 =	vadd.f32 v4, v6  }
0x1f1: {  	v6 =	vadd.f32 v12, v10;
	v5 =	vadd.f32 v5, v7  }
0x1f2: {  	v7 =	vadd.f32 v11, v8;
	v3 =	vadd.f32 v4, v3  }
0x1f3: {  	v4 =	vadd.f32 v13, v6;
	v1 =	vadd.f32 v5, v1  }
0x1f4: {  	s18 =	smul.u32 @!p1 $0x1A0, s18;
	v2 =	vadd.f32 v7, v2;
	[tilespmem:s16+$0x19080] =	vst v3  }
0x1f5: {  	[tilespmem:s16+$0x19090] =	vst v1;
	v0 =	vadd.f32 v4, v0  }
0x1f6: {  	s18 =	sshra.s32 @!p1 s18, $0x2;
	[tilespmem:s16+$0x190A0] =	vst v2  }
0x1f7: {  	s19 =	simm.s32 @!p1 $0x68;
	s20 =	simm.s32 @!p1 $0x14400;
	s18 =	sadd.s32 @!p1 $0x6000, s18;
	[tilespmem:s16+$0x190B0] =	vst v0  }
0x1f8: {  	[tilespmem:s20], [sflag:$0x6] =	stream.indirect.gather @!p1 [hbm4b:s5+s19], $0x40, s18, s19, $0xb8;
	[tilespmem:$0x1D000] =	vst v63  }
0x1f9: {  	_ =	swait.ge [sflag:s8], $0x1800  }
0x1fa: {  	[sflag:s8] =	ssyncset.done $0x0  }
0x1fb: {  	s21 =	simm.s32 $0x15F00;
	[sflag:s8] =	ssyncadd.s32 $0xFFFFE800  }
0x1fc: {  	v0 =	vld [tilespmem:s21+$0xC0]  }
0x1fd: {  	v1 =	vld [tilespmem:s21+$0xD0]  }
0x1fe: {  	v2 =	vld [tilespmem:s21+$0x80]  }
0x1ff: {  	v3 =	vld [tilespmem:s21+$0x90]  }
0x200: {  	v4 =	vld [tilespmem:s21+$0x40]  }
0x201: {  	v5 =	vld [tilespmem:s21+$0x50]  }
0x202: {  	v6 =	vld [tilespmem:s21+$0x0]  }
0x203: {  	v7 =	vld [tilespmem:s21+$0x10]  }
0x204: {  	v9 =	vld [tilespmem:s21+$0xFFFFFFC0]  }
0x205: {  	v10 =	vld [tilespmem:s21+$0xFFFFFFD0]  }
0x206: {  	v8 =	vld [tilespmem:s21+$0xFFFFFF80]  }
0x207: {  	v11 =	vld [tilespmem:s21+$0xFFFFFF90]  }
0x208: {  	v12 =	vld [tilespmem:s21+$0xFFFFFF40]  }
0x209: {  	v13 =	vld [tilespmem:s21+$0xFFFFFF50]  }
0x20a: {  	v14 =	vld [tilespmem:s21+$0xFFFFFF00]  }
0x20b: {  	v15 =	vld [tilespmem:s21+$0xFFFFFF10]  }
0x20c: {  	v16 =	vld [tilespmem:s21+$0xFFFFFF20]  }
0x20d: {  	v17 =	vld [tilespmem:s21+$0xFFFFFF30]  }
0x20e: {  	v18 =	vld [tilespmem:s21+$0xFFFFFF60]  }
0x20f: {  	v19 =	vld [tilespmem:s21+$0xFFFFFF70]  }
0x210: {  	v20 =	vimm.f32 $0.0e+00;
	v21 =	vld [tilespmem:s21+$0xFFFFFFA0]  }
0x211: {  	v22 =	vld [tilespmem:s21+$0xFFFFFFB0];
	v14 =	vadd.f32 v14, v20;
	v15 =	vadd.f32 v15, v20  }
0x212: {  	v63 =	vld [tilespmem:s21+$0xFFFFFFE0];
	v16 =	vadd.f32 v16, v20;
	v17 =	vadd.f32 v17, v20  }
0x213: {  	v12 =	vadd.f32 v12, v14;
	v13 =	vadd.f32 v13, v15;
	v14 =	vld [tilespmem:s21+$0xFFFFFFF0]  }
0x214: {  	v15 =	vadd.f32 v18, v16;
	v16 =	vadd.f32 v19, v17;
	v17 =	vld [tilespmem:s21+$0x20]  }
0x215: {  	v12 =	vadd.f32 v8, v12;
	v11 =	vadd.f32 v11, v13;
	v13 =	vld [tilespmem:s21+$0x30]  }
0x216: {  	v15 =	vadd.f32 v21, v15;
	v16 =	vadd.f32 v22, v16;
	v8 =	vld [tilespmem:s21+$0x60]  }
0x217: {  	v12 =	vadd.f32 v9, v12;
	v10 =	vadd.f32 v10, v11;
	v11 =	vld [tilespmem:s21+$0x70]  }
0x218: {  	v15 =	vadd.f32 v63, v15;
	v9 =	vld [tilespmem:s21+$0xA0];
	v16 =	vadd.f32 v14, v16  }
0x219: {  	v6 =	vadd.f32 v6, v12;
	v7 =	vadd.f32 v7, v10;
	v12 =	vld [tilespmem:s21+$0xB0]  }
0x21a: {  	v14 =	vadd.f32 v17, v15;
	v10 =	vld [tilespmem:s21+$0xE0];
	v15 =	vadd.f32 v13, v16  }
0x21b: {  	s18 =	simm.s32 $0x0;
	s19 =	simm.s32 $0x16100;
	v13 =	vld [tilespmem:s21+$0xF0];
	v16 =	vadd.f32 v4, v6;
	v17 =	vadd.f32 v5, v7  }
.LBB2_16:
0x21c: {  	v4 =	vld [tilespmem:s19+$0xC0];
	v5 =	vadd.f32 v8, v14;
	v6 =	vadd.f32 v11, v15  }
0x21d: {  	v7 =	vld [tilespmem:s19+$0xD0];
	v8 =	vadd.f32 v2, v16;
	v11 =	vadd.f32 v3, v17  }
0x21e: {  	v2 =	vld [tilespmem:s19+$0x80];
	v5 =	vadd.f32 v9, v5;
	v6 =	vadd.f32 v12, v6  }
0x21f: {  	v3 =	vld [tilespmem:s19+$0x90];
	v8 =	vadd.f32 v0, v8;
	v9 =	vadd.f32 v1, v11  }
0x220: {  	v16 =	vld [tilespmem:s19+$0x40];
	v5 =	vadd.f32 v10, v5;
	v6 =	vadd.f32 v13, v6  }
0x221: {  	v13 =	vld [tilespmem:s19+$0x50];
	v0 =	vmov v4  }
0x222: {  	v4 =	vld [tilespmem:s19+$0x0];
	v1 =	vmov v7  }
0x223: {  	v7 =	vld [tilespmem:s19+$0x10]  }
0x224: {  	v10 =	vld [tilespmem:s19+$0xFFFFFFC0]  }
0x225: {  	v11 =	vld [tilespmem:s19+$0xFFFFFFD0]  }
0x226: {  	v12 =	vld [tilespmem:s19+$0xFFFFFF80]  }
0x227: {  	v14 =	vld [tilespmem:s19+$0xFFFFFF90]  }
0x228: {  	v15 =	vld [tilespmem:s19+$0xFFFFFF40]  }
0x229: {  	v17 =	vld [tilespmem:s19+$0xFFFFFF50]  }
0x22a: {  	v18 =	vld [tilespmem:s19+$0xFFFFFF00]  }
0x22b: {  	v19 =	vld [tilespmem:s19+$0xFFFFFF10]  }
0x22c: {  	v20 =	vld [tilespmem:s19+$0xFFFFFF20]  }
0x22d: {  	s18 =	sadd.s32 $0x8, s18;
	v21 =	vld [tilespmem:s19+$0xFFFFFF30]  }
0x22e: {  	p2 =	slt.u32 s18, $0x58;
	v22 =	vld [tilespmem:s19+$0xFFFFFF60]  }
0x22f: {  	v23 =	vld [tilespmem:s19+$0xFFFFFF70]  }
0x230: {  	v24 =	vld [tilespmem:s19+$0xFFFFFFA0]  }
0x231: {  	v8 =	vadd.f32 v18, v8;
	v9 =	vadd.f32 v19, v9;
	v18 =	vld [tilespmem:s19+$0xFFFFFFB0]  }
0x232: {  	v5 =	vadd.f32 v20, v5;
	v6 =	vadd.f32 v21, v6;
	v19 =	vld [tilespmem:s19+$0xFFFFFFE0]  }
0x233: {  	v8 =	vadd.f32 v15, v8;
	v9 =	vadd.f32 v17, v9;
	v15 =	vld [tilespmem:s19+$0xFFFFFFF0]  }
0x234: {  	v5 =	vadd.f32 v22, v5;
	v6 =	vadd.f32 v23, v6;
	v17 =	vld [tilespmem:s19+$0x20]  }
0x235: {  	v12 =	vadd.f32 v12, v8;
	v9 =	vadd.f32 v14, v9;
	v20 =	vld [tilespmem:s19+$0x30]  }
0x236: {  	v5 =	vadd.f32 v24, v5;
	v6 =	vadd.f32 v18, v6;
	v8 =	vld [tilespmem:s19+$0x60]  }
.Ltmp10:
0x237: {  	v10 =	vadd.f32 v10, v12;
	v12 =	vadd.f32 v11, v9;
	v11 =	vld [tilespmem:s19+$0x70];
	(pc) =	sbr.rel @p2 .LBB2_16-.Ltmp10, $4  }
0x238: {  	v5 =	vadd.f32 v19, v5;
	v6 =	vadd.f32 v15, v6;
	v9 =	vld [tilespmem:s19+$0xA0]  }
0x239: {  	v4 =	vadd.f32 v4, v10;
	v7 =	vadd.f32 v7, v12;
	v12 =	vld [tilespmem:s19+$0xB0]  }
0x23a: {  	v14 =	vadd.f32 v17, v5;
	v15 =	vadd.f32 v20, v6;
	v10 =	vld [tilespmem:s19+$0xE0]  }
0x23b: {  	v16 =	vadd.f32 v16, v4;
	v17 =	vadd.f32 v13, v7;
	v13 =	vld [tilespmem:s19+$0xF0];
	s19 =	sadd.s32 $0x200, s19  }
0x23c: {  	s17 =	sadd.s32 $0x7, s17  }
0x23d: {  	s18 =	smul.u32 @!p1 $0x180, s17;
	_ =	sdelay $0x1  }
0x23e: {  	s19 =	simm.s32 @!p1 $0x60;
	s20 =	simm.s32 @!p1 $0x15E00;
	s18 =	sshra.s32 @!p1 s18, $0x2  }
0x23f: {  	[tilespmem:s20], [sflag:$0x7] =	stream.indirect.gather @!p1 [hbm4b:s5+s19], $0x40, s18, s19, $0xb8;
	[tilespmem:$0x1D000] =	vst v63  }
0x240: {  	_ =	swait.ge [sflag:s1], $0x1A00  }
0x241: {  	[sflag:s1] =	ssyncset.done $0x0  }
0x242: {  	s21 =	simm.s32 $0x17700;
	[sflag:s1] =	ssyncadd.s32 $0xFFFFE600  }
0x243: {  	v4 =	vld [tilespmem:s21+$0xC0]  }
0x244: {  	v5 =	vld [tilespmem:s21+$0xD0]  }
0x245: {  	v6 =	vld [tilespmem:s21+$0x80]  }
0x246: {  	v7 =	vld [tilespmem:s21+$0x90]  }
0x247: {  	v18 =	vld [tilespmem:s21+$0x40]  }
0x248: {  	v19 =	vld [tilespmem:s21+$0x50]  }
0x249: {  	v20 =	vld [tilespmem:s21+$0x0]  }
0x24a: {  	v21 =	vld [tilespmem:s21+$0x10]  }
0x24b: {  	v22 =	vld [tilespmem:s21+$0xFFFFFFC0]  }
0x24c: {  	v23 =	vld [tilespmem:s21+$0xFFFFFFD0]  }
0x24d: {  	v24 =	vld [tilespmem:s21+$0xFFFFFF80]  }
0x24e: {  	v25 =	vld [tilespmem:s21+$0xFFFFFF90]  }
0x24f: {  	v26 =	vld [tilespmem:s21+$0xFFFFFF40]  }
0x250: {  	v27 =	vld [tilespmem:s21+$0xFFFFFF50]  }
0x251: {  	v28 =	vld [tilespmem:s21+$0xFFFFFF00]  }
0x252: {  	v29 =	vld [tilespmem:s21+$0xFFFFFF10]  }
0x253: {  	v8 =	vadd.f32 v8, v14;
	v11 =	vadd.f32 v11, v15;
	v14 =	vld [tilespmem:s21+$0xFFFFFF20]  }
0x254: {  	v2 =	vadd.f32 v2, v16;
	v15 =	vadd.f32 v3, v17;
	v16 =	vld [tilespmem:s21+$0xFFFFFF30]  }
0x255: {  	v8 =	vadd.f32 v9, v8;
	v9 =	vadd.f32 v12, v11;
	v11 =	vld [tilespmem:s21+$0xFFFFFF60]  }
0x256: {  	v3 =	vadd.f32 v0, v2;
	v1 =	vadd.f32 v1, v15;
	v12 =	vld [tilespmem:s21+$0xFFFFFF70]  }
0x257: {  	v2 =	vadd.f32 v10, v8;
	v0 =	vadd.f32 v13, v9;
	v8 =	vimm.f32 $0.0e+00;
	v9 =	vld [tilespmem:s21+$0xFFFFFFA0]  }
0x258: {  	v15 =	vld [tilespmem:s21+$0xFFFFFFB0];
	v10 =	vadd.f32 v28, v8;
	v13 =	vadd.f32 v29, v8  }
0x259: {  	v17 =	vld [tilespmem:s21+$0xFFFFFFF0];
	v14 =	vadd.f32 v14, v8;
	v8 =	vadd.f32 v16, v8  }
0x25a: {  	v16 =	vld [tilespmem:s21+$0xFFFFFFE0];
	v10 =	vadd.f32 v26, v10;
	v13 =	vadd.f32 v27, v13  }
0x25b: {  	v11 =	vadd.f32 v11, v14;
	v8 =	vadd.f32 v12, v8;
	v14 =	vld [tilespmem:s21+$0x20]  }
0x25c: {  	v10 =	vadd.f32 v24, v10;
	v12 =	vadd.f32 v25, v13;
	v13 =	vld [tilespmem:s21+$0x30]  }
0x25d: {  	v9 =	vadd.f32 v9, v11;
	v11 =	vadd.f32 v15, v8;
	v8 =	vld [tilespmem:s21+$0x60]  }
0x25e: {  	v15 =	vadd.f32 v22, v10;
	v12 =	vadd.f32 v23, v12;
	v10 =	vld [tilespmem:s21+$0x70]  }
0x25f: {  	v16 =	vadd.f32 v16, v9;
	v11 =	vadd.f32 v17, v11;
	v9 =	vld [tilespmem:s21+$0xA0]  }
0x260: {  	v17 =	vadd.f32 v20, v15;
	v63 =	vadd.f32 v21, v12;
	v12 =	vld [tilespmem:s21+$0xB0]  }
0x261: {  	v15 =	vadd.f32 v14, v16;
	v14 =	vadd.f32 v13, v11;
	v11 =	vld [tilespmem:s21+$0xE0]  }
0x262: {  	s18 =	simm.s32 $0x0;
	s19 =	simm.s32 $0x17900;
	v13 =	vld [tilespmem:s21+$0xF0];
	v17 =	vadd.f32 v18, v17;
	v16 =	vadd.f32 v19, v63  }
.LBB2_18:
0x263: {  	v18 =	vld [tilespmem:s19+$0xC0];
	v8 =	vadd.f32 v8, v15;
	v10 =	vadd.f32 v10, v14  }
0x264: {  	v14 =	vld [tilespmem:s19+$0xD0];
	v15 =	vadd.f32 v6, v17;
	v16 =	vadd.f32 v7, v16  }
0x265: {  	v6 =	vld [tilespmem:s19+$0x80];
	v8 =	vadd.f32 v9, v8;
	v9 =	vadd.f32 v12, v10  }
0x266: {  	v7 =	vld [tilespmem:s19+$0x90];
	v10 =	vadd.f32 v4, v15;
	v12 =	vadd.f32 v5, v16  }
0x267: {  	v16 =	vld [tilespmem:s19+$0x40];
	v8 =	vadd.f32 v11, v8;
	v9 =	vadd.f32 v13, v9  }
0x268: {  	v13 =	vld [tilespmem:s19+$0x50];
	v4 =	vmov v18  }
0x269: {  	v11 =	vld [tilespmem:s19+$0x0];
	v5 =	vmov v14  }
0x26a: {  	v14 =	vld [tilespmem:s19+$0x10]  }
0x26b: {  	v15 =	vld [tilespmem:s19+$0xFFFFFFC0]  }
0x26c: {  	v17 =	vld [tilespmem:s19+$0xFFFFFFD0]  }
0x26d: {  	v18 =	vld [tilespmem:s19+$0xFFFFFF80]  }
0x26e: {  	v19 =	vld [tilespmem:s19+$0xFFFFFF90]  }
0x26f: {  	v20 =	vld [tilespmem:s19+$0xFFFFFF40]  }
0x270: {  	v21 =	vld [tilespmem:s19+$0xFFFFFF50]  }
0x271: {  	v22 =	vld [tilespmem:s19+$0xFFFFFF00]  }
0x272: {  	v23 =	vld [tilespmem:s19+$0xFFFFFF10]  }
0x273: {  	v24 =	vld [tilespmem:s19+$0xFFFFFF20]  }
0x274: {  	s18 =	sadd.s32 $0x8, s18;
	v25 =	vld [tilespmem:s19+$0xFFFFFF30]  }
0x275: {  	p2 =	slt.u32 s18, $0x60;
	v26 =	vld [tilespmem:s19+$0xFFFFFF60]  }
0x276: {  	v27 =	vld [tilespmem:s19+$0xFFFFFF70]  }
0x277: {  	v28 =	vld [tilespmem:s19+$0xFFFFFFA0]  }
0x278: {  	v10 =	vadd.f32 v22, v10;
	v12 =	vadd.f32 v23, v12;
	v22 =	vld [tilespmem:s19+$0xFFFFFFB0]  }
0x279: {  	v8 =	vadd.f32 v24, v8;
	v9 =	vadd.f32 v25, v9;
	v23 =	vld [tilespmem:s19+$0xFFFFFFE0]  }
0x27a: {  	v10 =	vadd.f32 v20, v10;
	v12 =	vadd.f32 v21, v12;
	v20 =	vld [tilespmem:s19+$0xFFFFFFF0]  }
0x27b: {  	v8 =	vadd.f32 v26, v8;
	v9 =	vadd.f32 v27, v9;
	v21 =	vld [tilespmem:s19+$0x20]  }
0x27c: {  	v10 =	vadd.f32 v18, v10;
	v12 =	vadd.f32 v19, v12;
	v18 =	vld [tilespmem:s19+$0x30]  }
0x27d: {  	v19 =	vadd.f32 v28, v8;
	v9 =	vadd.f32 v22, v9;
	v8 =	vld [tilespmem:s19+$0x60]  }
.Ltmp11:
0x27e: {  	v15 =	vadd.f32 v15, v10;
	v12 =	vadd.f32 v17, v12;
	v10 =	vld [tilespmem:s19+$0x70];
	(pc) =	sbr.rel @p2 .LBB2_18-.Ltmp11, $4  }
0x27f: {  	v17 =	vadd.f32 v23, v19;
	v19 =	vadd.f32 v20, v9;
	v9 =	vld [tilespmem:s19+$0xA0]  }
0x280: {  	v20 =	vadd.f32 v11, v15;
	v22 =	vadd.f32 v14, v12;
	v12 =	vld [tilespmem:s19+$0xB0]  }
0x281: {  	v15 =	vadd.f32 v21, v17;
	v14 =	vadd.f32 v18, v19;
	v11 =	vld [tilespmem:s19+$0xE0]  }
0x282: {  	v17 =	vadd.f32 v16, v20;
	v16 =	vadd.f32 v13, v22;
	v13 =	vld [tilespmem:s19+$0xF0];
	s19 =	sadd.s32 $0x200, s19  }
0x283: {  	_ = 	snop  }
0x284: {  	v8 =	vadd.f32 v8, v15;
	v6 =	vadd.f32 v6, v17  }
0x285: {  	v10 =	vadd.f32 v10, v14;
	v7 =	vadd.f32 v7, v16  }
0x286: {  	v8 =	vadd.f32 v9, v8;
	v4 =	vadd.f32 v4, v6  }
0x287: {  	v61 =	vadd.f32 v12, v10;
	v5 =	vadd.f32 v5, v7  }
0x288: {  	v62 =	vadd.f32 v11, v8;
	v3 =	vadd.f32 v4, v3  }
.Ltmp12:
0x289: {  	v63 =	vadd.f32 v13, v61;
	v1 =	vadd.f32 v5, v1;
	(pc) =	sbr.rel @p1 .LBB2_21-.Ltmp12, $4  }
0x28a: {  	v2 =	vadd.f32 v62, v2;
	[tilespmem:s16+$0x190C0] =	vst v3  }
0x28b: {  	v0 =	vadd.f32 v63, v0;
	[tilespmem:s16+$0x190D0] =	vst v1  }
0x28c: {  	[tilespmem:s16+$0x190E0] =	vst v2  }
0x28d: {  	[tilespmem:s16+$0x190F0] =	vst v0  }
0x28e: {  	s16 =	smul.u32 $0x1A0, s17  }
.Ltmp13:
0x28f: {  	_ = 	snop;
	(pc) =	sbr.rel .LBB2_3-.Ltmp13, $4  }
0x290: {  	_ = 	snop  }
0x291: {  	s16 =	sshra.s32 s16, $0x2  }
0x292: {  	s15 =	sadd.s32 $0x1, s15;
	s16 =	sadd.s32 $0x6000, s16  }
0x293: {  	[tilespmem:s26], [sflag:$0x8] =	stream.indirect.gather [hbm4b:s5+s12], $0x40, s16, s12, $0xb8;
	[tilespmem:$0x1D000] =	vst v63  }
.LBB2_23:
0x294: {  	_ =	sfence.sel $0x180000  }
0x295: {  	[bflag:$0x0] =	sbarrier.arrive $0xFFFF  }
0x296: {  	_ =	strace $0x90000047  }
0x297: {  	s0 =	stileid.u32;
	[bflag:$0x2] =	sbarrier.arrive $0xFFFF  }
0x298: {  	p0 =	sne.s32 s0, $0x0;
	s0 =	rddreg [dreg:$0x2]  }
0x299: {  	s0 =	sadd.s32 @!p0 $0x100000, s0  }
0x29a: {  	[sflag:s0] =	ssyncadd.tile.s32 @!p0 $0x1;
	_ =	shalt  }
.Lfunc_end2:
_tile_overlayer_lowered:
.L_overlay_start_2:
0x29b: {  	(tag) =	ssettag $0x2  }
0x29c: {  	s0 =	rddreg [dreg:$0x0];
	s2 =	stileid.u32  }
0x29d: {  	s1 =	rddreg [dreg:$0x1];
	p0 =	sne.s32 s2, $0x0  }
0x29e: {  	s3 =	rddreg [dreg:$0x2];
	[bflag:$0x3] =	sbarrier.arrive $0xFFFF;
	s2 =	simm.s32 @!p0 $0x1C09  }
0x29f: {  	[timem:s3], [sflag:s2] =	dma.local @!p0 [hbm:s0], s1  }
0x2a0: {  	s0 =	simm.s32 @!p0 $0x9  }
0x2a1: {  	_ =	swait.ge @!p0 [sflag:s0], s1  }
0x2a2: {  	s1 =	ssub.s32 @!p0 $0x0, s1;
	[sflag:s0] =	ssyncset.done @!p0 $0x0  }
0x2a3: {  	[sflag:s0] =	ssyncadd.s32 @!p0 s1  }
0x2a4: {  	[bflag:$0x3] =	sbarrier.arrive $0xFFFF  }
0x2a5: {  	_ =	shalt  }

</sc_bundles>
